<compile_context>
chip_gen: v7x
topology: tpu7x:2x2x1
jax: 0.10.2.dev20260603
libtpu: 0.0.44.dev20260713+nightly
codegen_flags: <defaults>
</compile_context>

<pallas_src>
import jax
import jax.numpy as jnp
from jax import lax
from jax.experimental import pallas as pl
from jax.experimental.pallas import tpu as pltpu
from jax.experimental.pallas import tpu_sc as plsc

K = 512
D = 64
B = 4096
ROWS = 1024
NB = B // ROWS
NC, NS = 2, 16
NW = NC * NS
BPW = B // NW
TAU = 1e-4
CAP = 128
DPAD = 128


def _tc_body(z_ref, w_ref, idx_ref, amb_ref, vq_ref, perp_ref, cnt_ref,
             mse_ref):
    b = pl.program_id(0)

    @pl.when(b == 0)
    def _init():
        cnt_ref[...] = jnp.zeros_like(cnt_ref)
        mse_ref[0, 0] = 0.0

    zb = z_ref[...]
    w = w_ref[...]
    zw = lax.dot_general(zb, w, (((1,), (1,)), ((), ())),
                         precision=lax.Precision.HIGHEST,
                         preferred_element_type=jnp.float32)
    wsq = lax.dot_general(jnp.ones((1, D), jnp.float32), w * w,
                          (((1,), (1,)), ((), ())),
                          precision=lax.Precision.HIGHEST,
                          preferred_element_type=jnp.float32)
    s = wsq - 2.0 * zw
    mn = jnp.min(s, axis=1, keepdims=True)
    it = lax.broadcasted_iota(jnp.int32, s.shape, 1)
    hit = s == mn
    idxc = jnp.min(jnp.where(hit, it, K), axis=1, keepdims=True)
    idx_ref[0] = idxc
    m2 = jnp.min(jnp.where(it == idxc, jnp.inf, s), axis=1, keepdims=True)
    amb_ref[0] = (m2 - mn <= TAU).astype(jnp.int32)

    zsq = jnp.sum(zb * zb, axis=1, keepdims=True)
    mse_ref[0, 0] += jnp.sum(zsq) + jnp.sum(mn)
    onehot = (it == idxc).astype(jnp.float32)
    cnt_ref[...] += jnp.sum(onehot, axis=0, keepdims=True)

    @pl.when(b == NB - 1)
    def _fini():
        avg = cnt_ref[...] * (1.0 / B)
        ent = jnp.sum(avg * jnp.log(avg + 1e-10))
        perp = jnp.exp(-ent)
        ratio = jnp.clip((K * 0.1) / (perp + 1e-10), 0.0, 10.0)
        mse = mse_ref[0, 0] * (1.0 / (B * D))
        vq_ref[0, 0] = 1.25 * mse + 0.1 * ratio
        perp_ref[0, 0] = perp


def _tc_vq(z, W):
    return pl.pallas_call(
        _tc_body,
        grid=(NB,),
        in_specs=[
            pl.BlockSpec((ROWS, D), lambda b: (b, 0)),
            pl.BlockSpec((K, D), lambda b: (0, 0)),
        ],
        out_specs=[
            pl.BlockSpec((1, ROWS, 1), lambda b: (b, 0, 0)),
            pl.BlockSpec((1, ROWS, 1), lambda b: (b, 0, 0)),
            pl.BlockSpec(memory_space=pltpu.SMEM),
            pl.BlockSpec(memory_space=pltpu.SMEM),
        ],
        out_shape=[
            jax.ShapeDtypeStruct((NB, ROWS, 1), jnp.int32),
            jax.ShapeDtypeStruct((NB, ROWS, 1), jnp.int32),
            jax.ShapeDtypeStruct((1, 1), jnp.float32),
            jax.ShapeDtypeStruct((1, 1), jnp.float32),
        ],
        scratch_shapes=[
            pltpu.VMEM((1, K), jnp.float32),
            pltpu.SMEM((1, 1), jnp.float32),
        ],
        compiler_params=pltpu.CompilerParams(
            dimension_semantics=("arbitrary",)),
    )(z, W)


def _recheck_body(zt_ref, wt_ref, out_ref):
    wt = wt_ref[...]
    it = lax.broadcasted_iota(jnp.int32, (1, 8, K), 2)
    for g in range(CAP // 8):
        zc = zt_ref[:, 8 * g:8 * g + 8]
        df = zc[:, :, None] - wt[:, None, :]
        t = df * df
        acc = None
        for tt in range(8):
            q = t[8 * tt:8 * tt + 4] + t[8 * tt + 4:8 * tt + 8]
            r = q[0:2] + q[2:4]
            p = r[0:1] + r[1:2]
            acc = p if acc is None else acc + p
        mnv = jnp.min(acc, axis=2, keepdims=True)
        iv = jnp.min(jnp.where(acc == mnv, it, K), axis=2, keepdims=True)
        out_ref[pl.ds(8 * g, 8), :] = iv.reshape(8, 1)


def _recheck(zt_amb, wt):
    return pl.pallas_call(
        _recheck_body,
        in_specs=[
            pl.BlockSpec((D, CAP), lambda: (0, 0)),
            pl.BlockSpec((D, K), lambda: (0, 0)),
        ],
        out_specs=pl.BlockSpec((CAP, 1), lambda: (0, 0)),
        out_shape=jax.ShapeDtypeStruct((CAP, 1), jnp.int32),
    )(zt_amb, wt)


def _sc_gather_body(w_hbm, idx_hbm, out_hbm, idx_v, rows_v, sem):
    wid = lax.axis_index("s") * NC + lax.axis_index("c")
    base = wid * BPW
    pltpu.sync_copy(idx_hbm.at[pl.ds(base, BPW)], idx_v)
    pltpu.async_copy(w_hbm.at[idx_v], rows_v, sem).wait()
    pltpu.sync_copy(rows_v, out_hbm.at[pl.ds(base, BPW)])


def _sc_gather(W_pad, idx):
    mesh = plsc.VectorSubcoreMesh(core_axis_name="c", subcore_axis_name="s")
    fn = pl.kernel(
        _sc_gather_body,
        mesh=mesh,
        out_type=jax.ShapeDtypeStruct((B, DPAD), jnp.float32),
        scratch_types=[
            pltpu.VMEM((BPW,), jnp.int32),
            pltpu.VMEM((BPW, DPAD), jnp.float32),
            pltpu.SemaphoreType.DMA,
        ],
    )
    return fn(W_pad, idx)


def kernel(z, W):
    idx3, amb3, vq, perp = _tc_vq(z, W)
    idx0 = idx3.reshape(B)
    amb = amb3.reshape(B)
    ids = jnp.nonzero(amb, size=CAP, fill_value=0)[0].astype(jnp.int32)
    zt_amb = z[ids].T
    idx_fix = _recheck(zt_amb, W.T).reshape(CAP)
    idx = idx0.at[ids].set(idx_fix)
    W_pad = jnp.pad(W, ((0, 0), (0, DPAD - D)))
    z_q = _sc_gather(W_pad, idx)[:, :D]
    return (z_q, vq[0, 0], perp[0, 0])

# --- scband reference (transcript-rebuilt; emitter-appended) ---
"""Pipeline reference for scband-vector-quantizer-29033978921144 (READ-ONLY COPY).

The authoritative reference and input builder live on the scoring server;
editing this copy changes nothing except your own understanding.
"""

import jax, jax.numpy as jnp
import numpy as np

NUM_EMBEDDINGS = 512
EMBEDDING_DIM = 64
COMMITMENT_COST = 0.25


def setup_inputs(seed: int = 0) -> dict:
    key = jax.random.key(seed)
    k1, k2 = jax.random.split(key)
    z = jax.random.normal(k1, (4096, EMBEDDING_DIM), dtype=jnp.float32)
    lim = 1.0 / NUM_EMBEDDINGS
    W = jax.random.uniform(k2, (NUM_EMBEDDINGS, EMBEDDING_DIM), dtype=jnp.float32, minval=-lim, maxval=lim)
    return {"z": z, "W": W}


def reference(z, W):
    batch_size = z.shape[0]
    z_flat = z.reshape(batch_size, EMBEDDING_DIM)
    # pairwise squared distances via explicit broadcast, faithful to torch code
    z_reshaped = z_flat[:, None, :]            # (B, 1, d)
    embeddings = W[None, :, :]                 # (1, K, d)
    distances = jnp.sum((z_reshaped - embeddings) ** 2, axis=2)  # (B, K)
    encoding_indices = jnp.argmin(distances, axis=1)             # (B,)
    encodings = jax.nn.one_hot(encoding_indices, NUM_EMBEDDINGS, dtype=jnp.float32)  # (B, K)
    z_q = jnp.matmul(encodings, W)             # (B, d)
    loss_codebook = jnp.mean((jax.lax.stop_gradient(z_q) - z_flat) ** 2)
    loss_commit = jnp.mean((z_q - jax.lax.stop_gradient(z_flat)) ** 2)
    avg_probs = jnp.mean(encodings, axis=0)
    perplexity = jnp.exp(-jnp.sum(avg_probs * jnp.log(avg_probs + 1e-10)))
    target_perplexity = NUM_EMBEDDINGS * 0.1
    perplexity_ratio = jnp.clip(target_perplexity / (perplexity + 1e-10), 0.0, 10.0)
    diversity_loss = perplexity_ratio * 0.1
    vq_loss = loss_codebook + COMMITMENT_COST * loss_commit + diversity_loss
    z_q_st = z_flat + jax.lax.stop_gradient(z_q - z_flat)
    z_q_st = z_q_st.reshape(z.shape)
    return (z_q_st, vq_loss, perplexity)

if __name__ == "__main__":
    import jax
    _d = setup_inputs()
    print(jax.jit(kernel)(*tuple(_d.values())))

</pallas_src>

<mosaic_0001>
#map = affine_map<(d0, d1) -> (0, 0)>
#map1 = affine_map<(d0, d1) -> (0)>
module attributes {stable_mosaic.version = 14 : i64} {
  func.func @_sc_gather_body(%arg0: i32, %arg1: i32, %arg2: memref<512x128xf32, #tpu.memory_space<hbm>>, %arg3: memref<4096xi32, #tpu.memory_space<hbm>>, %arg4: memref<4096x128xf32, #tpu.memory_space<hbm>>, %arg5: memref<128xi32, #tpu.memory_space<vmem>>, %arg6: memref<128x128xf32, #tpu.memory_space<vmem>>, %arg7: memref<!tpu.dma_semaphore, #tpu.memory_space<semaphore_mem>>) attributes {dimension_semantics = [#tpu.dimension_semantics<core_parallel>, #tpu.dimension_semantics<subcore_parallel>], iteration_bounds = array<i64: 2, 16>, scalar_prefetch = 0 : i64, scratch_operands = 3 : i64, tpu.core_type = #tpu.core_type<sc_vector_subcore>, window_params = [{transform_indices = #map}, {transform_indices = #map1}, {transform_indices = #map}]} {
    %mul3A = arith.constant 2 : i32
    %mul3A_0 = arith.muli %arg1, %mul3A : i32
    %add3A = arith.addi %mul3A_0, %arg0 : i32
    %mul3A_1 = arith.constant 128 : i32
    %mul3A_2 = arith.muli %add3A, %mul3A_1 : i32
    "tpu.region"() ({
      %run_scoped3A = tpu.sem_alloc : memref<!tpu.dma_semaphore, #tpu.memory_space<semaphore_mem>>
      %dma_start3A_7 = tpu.memref_slice %arg3[%mul3A_2] : memref<4096xi32, #tpu.memory_space<hbm>> -> memref<128xi32, #tpu.memory_space<hbm>>
      %dma_start3A_8 = tpu.memref_slice %arg3[%mul3A_2] : memref<4096xi32, #tpu.memory_space<hbm>> -> memref<128xi32, #tpu.memory_space<hbm>>
      tpu.enqueue_dma source(%dma_start3A_8 : memref<128xi32, #tpu.memory_space<hbm>>) target(%arg5 : memref<128xi32, #tpu.memory_space<vmem>>) target_semaphore(%run_scoped3A : memref<!tpu.dma_semaphore, #tpu.memory_space<semaphore_mem>>)
      %dma_wait3A_9 = tpu.memref_slice %arg3[%mul3A_2] : memref<4096xi32, #tpu.memory_space<hbm>> -> memref<128xi32, #tpu.memory_space<hbm>>
      %dma_wait3A_10 = tpu.memref_slice %arg3[%mul3A_2] : memref<4096xi32, #tpu.memory_space<hbm>> -> memref<128xi32, #tpu.memory_space<hbm>>
      tpu.wait_dma2 semaphore(%run_scoped3A : memref<!tpu.dma_semaphore, #tpu.memory_space<semaphore_mem>>) src(%dma_wait3A_10 : memref<128xi32, #tpu.memory_space<hbm>>) dst(%arg5 : memref<128xi32, #tpu.memory_space<vmem>>)
      tpu.yield
    }) : () -> ()
    %dma_start3A = arith.constant 0 : i32
    %dma_start3A_3 = arith.constant 0 : i32
    %dma_start3A_4 = tpu.memref_slice %arg2[%dma_start3A, %dma_start3A_3] : memref<512x128xf32, #tpu.memory_space<hbm>> -> memref<512x128xf32, #tpu.memory_space<hbm>>
    tpu.enqueue_indirect_dma source(%dma_start3A_4 : memref<512x128xf32, #tpu.memory_space<hbm>>) target(%arg6 : memref<128x128xf32, #tpu.memory_space<vmem>>) offsets(%arg5 : memref<128xi32, #tpu.memory_space<vmem>>) semaphore(%arg7 : memref<!tpu.dma_semaphore, #tpu.memory_space<semaphore_mem>>)
    %dma_wait3A = arith.constant 0 : i32
    %dma_wait3A_5 = arith.constant 0 : i32
    %dma_wait3A_6 = tpu.memref_slice %arg2[%dma_wait3A, %dma_wait3A_5] : memref<512x128xf32, #tpu.memory_space<hbm>> -> memref<512x128xf32, #tpu.memory_space<hbm>>
    tpu.wait_indirect_dma semaphore(%arg7 : memref<!tpu.dma_semaphore, #tpu.memory_space<semaphore_mem>>) src(%dma_wait3A_6 : memref<512x128xf32, #tpu.memory_space<hbm>>) dst(%arg6 : memref<128x128xf32, #tpu.memory_space<vmem>>)
    "tpu.region"() ({
      %run_scoped3A = tpu.sem_alloc : memref<!tpu.dma_semaphore, #tpu.memory_space<semaphore_mem>>
      %dma_start3A_7 = arith.constant 0 : i32
      %dma_start3A_8 = tpu.memref_slice %arg4[%mul3A_2, %dma_start3A_7] : memref<4096x128xf32, #tpu.memory_space<hbm>> -> memref<128x128xf32, #tpu.memory_space<hbm>>
      %dma_start3A_9 = arith.constant 0 : i32
      %dma_start3A_10 = tpu.memref_slice %arg4[%mul3A_2, %dma_start3A_9] : memref<4096x128xf32, #tpu.memory_space<hbm>> -> memref<128x128xf32, #tpu.memory_space<hbm>>
      tpu.enqueue_dma source(%arg6 : memref<128x128xf32, #tpu.memory_space<vmem>>) target(%dma_start3A_10 : memref<128x128xf32, #tpu.memory_space<hbm>>) target_semaphore(%run_scoped3A : memref<!tpu.dma_semaphore, #tpu.memory_space<semaphore_mem>>)
      %dma_wait3A_11 = arith.constant 0 : i32
      %dma_wait3A_12 = tpu.memref_slice %arg4[%mul3A_2, %dma_wait3A_11] : memref<4096x128xf32, #tpu.memory_space<hbm>> -> memref<128x128xf32, #tpu.memory_space<hbm>>
      %dma_wait3A_13 = arith.constant 0 : i32
      %dma_wait3A_14 = tpu.memref_slice %arg4[%mul3A_2, %dma_wait3A_13] : memref<4096x128xf32, #tpu.memory_space<hbm>> -> memref<128x128xf32, #tpu.memory_space<hbm>>
      tpu.wait_dma2 semaphore(%run_scoped3A : memref<!tpu.dma_semaphore, #tpu.memory_space<semaphore_mem>>) src(%arg6 : memref<128x128xf32, #tpu.memory_space<vmem>>) dst(%dma_wait3A_14 : memref<128x128xf32, #tpu.memory_space<hbm>>)
      tpu.yield
    }) : () -> ()
    return
  }
}

module attributes {stable_mosaic.version = 14 : i64} {
  func.func @_tc_body(%arg0: i32, %arg1: memref<1024x64xf32, #tpu.memory_space<vmem>>, %arg2: memref<512x64xf32, #tpu.memory_space<vmem>>, %arg3: memref<1x1024x1xi32, #tpu.memory_space<vmem>>, %arg4: memref<1x1024x1xi32, #tpu.memory_space<vmem>>, %arg5: memref<1x1xf32, #tpu.memory_space<smem>>, %arg6: memref<1x1xf32, #tpu.memory_space<smem>>, %arg7: memref<1x512xf32, #tpu.memory_space<vmem>>, %arg8: memref<1x1xf32, #tpu.memory_space<smem>>) attributes {dimension_semantics = [#tpu.dimension_semantics<arbitrary>], iteration_bounds = array<i64: 4>, scalar_prefetch = 0 : i64, scratch_operands = 2 : i64, tpu.core_type = #tpu.core_type<tc>, window_params = [{transform_indices = @transform_0, window_bounds = array<i64: 1024, 64>}, {pipeline_mode = #tpu.pipeline_mode<synchronous>, transform_indices = @transform_1, window_bounds = array<i64: 512, 64>}, {transform_indices = @transform_2, window_bounds = array<i64: 1, 1024, 1>}, {transform_indices = @transform_3, window_bounds = array<i64: 1, 1024, 1>}, {transform_indices = @transform_4, window_bounds = array<i64: 1, 1>}, {transform_indices = @transform_5, window_bounds = array<i64: 1, 1>}]} {
    %eq3A = arith.constant 0 : i32
    %eq3A_0 = arith.cmpi eq, %arg0, %eq3A : i32
    %convert_element_type3A = arith.extui %eq3A_0 : i1 to i32
    %cond3A = arith.constant 0 : i32
    %cond3A_1 = arith.cmpi ne, %convert_element_type3A, %cond3A : i32
    scf.if %cond3A_1 {
      %broadcast_in_dim3A_85 = arith.constant 0.000000e+00 : f32
      %broadcast_in_dim3A_86 = vector.broadcast %broadcast_in_dim3A_85 : f32 to vector<1x512xf32>
      %swap3A_87 = arith.constant 0 : index
      %swap3A_88 = arith.constant 0 : index
      %swap3A_89 = vector.load %arg7[%swap3A_87, %swap3A_88] : memref<1x512xf32, #tpu.memory_space<vmem>>, vector<1x512xf32>
      tpu.vector_store %arg7[%swap3A_87, %swap3A_88], %broadcast_in_dim3A_86 {strides = array<i32>} : memref<1x512xf32, #tpu.memory_space<vmem>>, vector<1x512xf32>,
      %swap3A_90 = arith.constant 0.000000e+00 : f32
      %swap3A_91 = arith.constant 0 : index
      %swap3A_92 = arith.constant 0 : index
      %swap3A_93 = memref.load %arg8[%swap3A_91, %swap3A_92] : memref<1x1xf32, #tpu.memory_space<smem>>
      memref.store %swap3A_90, %arg8[%swap3A_91, %swap3A_92] : memref<1x1xf32, #tpu.memory_space<smem>>
    } else {
    }
    %get3A = arith.constant 0 : index
    %get3A_2 = arith.constant 0 : index
    %get3A_3 = vector.load %arg1[%get3A, %get3A_2] : memref<1024x64xf32, #tpu.memory_space<vmem>>, vector<1024x64xf32>
    %get3A_4 = arith.constant 0 : index
    %get3A_5 = arith.constant 0 : index
    %get3A_6 = vector.load %arg2[%get3A_4, %get3A_5] : memref<512x64xf32, #tpu.memory_space<vmem>>, vector<512x64xf32>
    %dot_general3A = arith.constant dense<0.000000e+00> : vector<1024x512xf32>
    %dot_general3A_7 = tpu.matmul %get3A_3, %get3A_6, %dot_general3A {dimension_numbers = #tpu.dot_dimension_numbers<[1], [1], [0], [0], [0, 0, 1, 0], [], []>, precision = #tpu.contract_precision<fp32>, transpose_lhs_hint = false} : vector<1024x64xf32>, vector<512x64xf32>, vector<1024x512xf32> -> vector<1024x512xf32>
    %broadcast_in_dim3A = arith.constant 1.000000e+00 : f32
    %broadcast_in_dim3A_8 = vector.broadcast %broadcast_in_dim3A : f32 to vector<1x64xf32>
    %mul3A = arith.mulf %get3A_6, %get3A_6 : vector<512x64xf32>
    %dot_general3A_9 = arith.constant dense<0.000000e+00> : vector<1x512xf32>
    %dot_general3A_10 = tpu.matmul %broadcast_in_dim3A_8, %mul3A, %dot_general3A_9 {dimension_numbers = #tpu.dot_dimension_numbers<[1], [1], [0], [0], [0, 0, 1, 0], [], []>, precision = #tpu.contract_precision<fp32>, transpose_lhs_hint = false} : vector<1x64xf32>, vector<512x64xf32>, vector<1x512xf32> -> vector<1x512xf32>
    %mul3A_11 = arith.constant 2.000000e+00 : f32
    %mul3A_12 = vector.broadcast %mul3A_11 : f32 to vector<1024x512xf32>
    %mul3A_13 = arith.mulf %mul3A_12, %dot_general3A_7 : vector<1024x512xf32>
    %sub3A = vector.broadcast %dot_general3A_10 : vector<1x512xf32> to vector<1024x512xf32>
    %sub3A_14 = arith.subf %sub3A, %mul3A_13 : vector<1024x512xf32>
    %reduce_min3A = arith.constant dense<0x7F800000> : vector<1024xf32>
    %reduce_min3A_15 = vector.multi_reduction <minimumf>, %sub3A_14, %reduce_min3A [1] : vector<1024x512xf32> to vector<1024xf32>
    %broadcast_in_dim3A_16 = vector.shape_cast %reduce_min3A_15 : vector<1024xf32> to vector<1024x1xf32>
    %iota3A = tpu.iota {dimensions = array<i32: 1>} : vector<1024x512xi32>
    %eq3A_17 = vector.broadcast %broadcast_in_dim3A_16 : vector<1024x1xf32> to vector<1024x512xf32>
    %eq3A_18 = arith.cmpf oeq, %sub3A_14, %eq3A_17 : vector<1024x512xf32>
    %jit3A = arith.constant 512 : i32
    %broadcast_in_dim3A_19 = vector.broadcast %jit3A : i32 to vector<1024x512xi32>
    %select_n3A = arith.select %eq3A_18, %iota3A, %broadcast_in_dim3A_19 : vector<1024x512xi1>, vector<1024x512xi32>
    %reduce_min3A_20 = arith.constant dense<2147483647> : vector<1024xi32>
    %reduce_min3A_21 = vector.multi_reduction <minsi>, %select_n3A, %reduce_min3A_20 [1] : vector<1024x512xi32> to vector<1024xi32>
    %broadcast_in_dim3A_22 = vector.shape_cast %reduce_min3A_21 : vector<1024xi32> to vector<1024x1xi32>
    %swap3A = arith.constant 0 : index
    %swap3A_23 = arith.constant 0 : index
    %swap3A_24 = arith.constant 0 : index
    %swap3A_25 = vector.load %arg3[%swap3A, %swap3A_23, %swap3A_24] : memref<1x1024x1xi32, #tpu.memory_space<vmem>>, vector<1x1024x1xi32>
    %swap3A_26 = vector.shape_cast %swap3A_25 : vector<1x1024x1xi32> to vector<1024x1xi32>
    %swap3A_27 = vector.shape_cast %broadcast_in_dim3A_22 : vector<1024x1xi32> to vector<1x1024x1xi32>
    tpu.vector_store %arg3[%swap3A, %swap3A_23, %swap3A_24], %swap3A_27 {strides = array<i32>} : memref<1x1024x1xi32, #tpu.memory_space<vmem>>, vector<1x1024x1xi32>,
    %eq3A_28 = vector.broadcast %broadcast_in_dim3A_22 : vector<1024x1xi32> to vector<1024x512xi32>
    %eq3A_29 = arith.cmpi eq, %iota3A, %eq3A_28 : vector<1024x512xi32>
    %jit3A_30 = arith.constant 0x7F800000 : f32
    %broadcast_in_dim3A_31 = vector.broadcast %jit3A_30 : f32 to vector<1024x512xf32>
    %select_n3A_32 = arith.select %eq3A_29, %broadcast_in_dim3A_31, %sub3A_14 : vector<1024x512xi1>, vector<1024x512xf32>
    %reduce_min3A_33 = arith.constant dense<0x7F800000> : vector<1024xf32>
    %reduce_min3A_34 = vector.multi_reduction <minimumf>, %select_n3A_32, %reduce_min3A_33 [1] : vector<1024x512xf32> to vector<1024xf32>
    %broadcast_in_dim3A_35 = vector.shape_cast %reduce_min3A_34 : vector<1024xf32> to vector<1024x1xf32>
    %sub3A_36 = arith.subf %broadcast_in_dim3A_35, %broadcast_in_dim3A_16 : vector<1024x1xf32>
    %le3A = arith.constant 9.99999974E-5 : f32
    %le3A_37 = vector.broadcast %le3A : f32 to vector<1024x1xf32>
    %le3A_38 = arith.cmpf ole, %sub3A_36, %le3A_37 : vector<1024x1xf32>
    %convert_element_type3A_39 = arith.extui %le3A_38 : vector<1024x1xi1> to vector<1024x1xi32>
    %swap3A_40 = arith.constant 0 : index
    %swap3A_41 = arith.constant 0 : index
    %swap3A_42 = arith.constant 0 : index
    %swap3A_43 = vector.load %arg4[%swap3A_40, %swap3A_41, %swap3A_42] : memref<1x1024x1xi32, #tpu.memory_space<vmem>>, vector<1x1024x1xi32>
    %swap3A_44 = vector.shape_cast %swap3A_43 : vector<1x1024x1xi32> to vector<1024x1xi32>
    %swap3A_45 = vector.shape_cast %convert_element_type3A_39 : vector<1024x1xi32> to vector<1x1024x1xi32>
    tpu.vector_store %arg4[%swap3A_40, %swap3A_41, %swap3A_42], %swap3A_45 {strides = array<i32>} : memref<1x1024x1xi32, #tpu.memory_space<vmem>>, vector<1x1024x1xi32>,
    %mul3A_46 = arith.mulf %get3A_3, %get3A_3 : vector<1024x64xf32>
    %reduce_sum3A = arith.constant dense<0.000000e+00> : vector<1024xf32>
    %reduce_sum3A_47 = vector.multi_reduction <add>, %mul3A_46, %reduce_sum3A [1] : vector<1024x64xf32> to vector<1024xf32>
    %broadcast_in_dim3A_48 = vector.shape_cast %reduce_sum3A_47 : vector<1024xf32> to vector<1024x1xf32>
    %get3A_49 = arith.constant 0 : index
    %get3A_50 = arith.constant 0 : index
    %get3A_51 = memref.load %arg8[%get3A_49, %get3A_50] : memref<1x1xf32, #tpu.memory_space<smem>>
    %reduce_sum3A_52 = vector.shape_cast %broadcast_in_dim3A_48 : vector<1024x1xf32> to vector<1x1024x1xf32>
    %reduce_sum3A_53 = arith.constant dense<0.000000e+00> : vector<1xf32>
    %reduce_sum3A_54 = vector.multi_reduction <add>, %reduce_sum3A_52, %reduce_sum3A_53 [1, 2] : vector<1x1024x1xf32> to vector<1xf32>
    %reduce_sum3A_55 = vector.shape_cast %reduce_sum3A_54 : vector<1xf32> to vector<1x1x1xf32>
    %reduce_sum3A_56 = vector.extract %reduce_sum3A_55[0, 0, 0] : f32 from vector<1x1x1xf32>
    %reduce_sum3A_57 = vector.shape_cast %broadcast_in_dim3A_16 : vector<1024x1xf32> to vector<1x1024x1xf32>
    %reduce_sum3A_58 = arith.constant dense<0.000000e+00> : vector<1xf32>
    %reduce_sum3A_59 = vector.multi_reduction <add>, %reduce_sum3A_57, %reduce_sum3A_58 [1, 2] : vector<1x1024x1xf32> to vector<1xf32>
    %reduce_sum3A_60 = vector.shape_cast %reduce_sum3A_59 : vector<1xf32> to vector<1x1x1xf32>
    %reduce_sum3A_61 = vector.extract %reduce_sum3A_60[0, 0, 0] : f32 from vector<1x1x1xf32>
    %add3A = arith.addf %reduce_sum3A_56, %reduce_sum3A_61 : f32
    %add3A_62 = arith.addf %get3A_51, %add3A : f32
    %swap3A_63 = arith.constant 0 : index
    %swap3A_64 = arith.constant 0 : index
    %swap3A_65 = memref.load %arg8[%swap3A_63, %swap3A_64] : memref<1x1xf32, #tpu.memory_space<smem>>
    memref.store %add3A_62, %arg8[%swap3A_63, %swap3A_64] : memref<1x1xf32, #tpu.memory_space<smem>>
    %eq3A_66 = vector.broadcast %broadcast_in_dim3A_22 : vector<1024x1xi32> to vector<1024x512xi32>
    %eq3A_67 = arith.cmpi eq, %iota3A, %eq3A_66 : vector<1024x512xi32>
    %convert_element_type3A_68 = arith.extui %eq3A_67 : vector<1024x512xi1> to vector<1024x512xi32>
    %convert_element_type3A_69 = arith.sitofp %convert_element_type3A_68 : vector<1024x512xi32> to vector<1024x512xf32>
    %get3A_70 = arith.constant 0 : index
    %get3A_71 = arith.constant 0 : index
    %get3A_72 = vector.load %arg7[%get3A_70, %get3A_71] : memref<1x512xf32, #tpu.memory_space<vmem>>, vector<1x512xf32>
    %reduce_sum3A_73 = arith.constant dense<0.000000e+00> : vector<512xf32>
    %reduce_sum3A_74 = vector.multi_reduction <add>, %convert_element_type3A_69, %reduce_sum3A_73 [0] : vector<1024x512xf32> to vector<512xf32>
    %broadcast_in_dim3A_75 = vector.shape_cast %reduce_sum3A_74 : vector<512xf32> to vector<1x512xf32>
    %add3A_76 = arith.addf %get3A_72, %broadcast_in_dim3A_75 : vector<1x512xf32>
    %swap3A_77 = arith.constant 0 : index
    %swap3A_78 = arith.constant 0 : index
    %swap3A_79 = vector.load %arg7[%swap3A_77, %swap3A_78] : memref<1x512xf32, #tpu.memory_space<vmem>>, vector<1x512xf32>
    tpu.vector_store %arg7[%swap3A_77, %swap3A_78], %add3A_76 {strides = array<i32>} : memref<1x512xf32, #tpu.memory_space<vmem>>, vector<1x512xf32>,
    %eq3A_80 = arith.constant 3 : i32
    %eq3A_81 = arith.cmpi eq, %arg0, %eq3A_80 : i32
    %convert_element_type3A_82 = arith.extui %eq3A_81 : i1 to i32
    %cond3A_83 = arith.constant 0 : i32
    %cond3A_84 = arith.cmpi ne, %convert_element_type3A_82, %cond3A_83 : i32
    scf.if %cond3A_84 {
      %get3A_85 = arith.constant 0 : index
      %get3A_86 = arith.constant 0 : index
      %get3A_87 = vector.load %arg7[%get3A_85, %get3A_86] : memref<1x512xf32, #tpu.memory_space<vmem>>, vector<1x512xf32>
      %mul3A_88 = arith.constant 2.44140625E-4 : f32
      %mul3A_89 = vector.broadcast %mul3A_88 : f32 to vector<1x512xf32>
      %mul3A_90 = arith.mulf %get3A_87, %mul3A_89 : vector<1x512xf32>
      %add3A_91 = arith.constant 1.000000e-10 : f32
      %add3A_92 = vector.broadcast %add3A_91 : f32 to vector<1x512xf32>
      %add3A_93 = arith.addf %mul3A_90, %add3A_92 : vector<1x512xf32>
      %log3A = math.log %add3A_93 : vector<1x512xf32>
      %mul3A_94 = arith.mulf %mul3A_90, %log3A : vector<1x512xf32>
      %reduce_sum3A_95 = vector.shape_cast %mul3A_94 : vector<1x512xf32> to vector<1x1x512xf32>
      %reduce_sum3A_96 = arith.constant dense<0.000000e+00> : vector<1xf32>
      %reduce_sum3A_97 = vector.multi_reduction <add>, %reduce_sum3A_95, %reduce_sum3A_96 [1, 2] : vector<1x1x512xf32> to vector<1xf32>
      %reduce_sum3A_98 = vector.shape_cast %reduce_sum3A_97 : vector<1xf32> to vector<1x1x1xf32>
      %reduce_sum3A_99 = vector.extract %reduce_sum3A_98[0, 0, 0] : f32 from vector<1x1x1xf32>
      %neg3A = arith.constant 0.000000e+00 : f32
      %neg3A_100 = arith.subf %neg3A, %reduce_sum3A_99 : f32
      %exp3A = math.exp %neg3A_100 : f32
      %add3A_101 = arith.constant 1.000000e-10 : f32
      %add3A_102 = arith.addf %exp3A, %add3A_101 : f32
      %div3A = arith.constant 5.120000e+01 : f32
      %div3A_103 = arith.divf %div3A, %add3A_102 : f32
      %jit3A_104 = arith.constant 0.000000e+00 : f32
      %jit3A_105 = arith.constant 1.000000e+01 : f32
      %max3A = arith.maximumf %jit3A_104, %div3A_103 : f32
      %min3A = arith.minimumf %jit3A_105, %max3A : f32
      %get3A_106 = arith.constant 0 : index
      %get3A_107 = arith.constant 0 : index
      %get3A_108 = memref.load %arg8[%get3A_106, %get3A_107] : memref<1x1xf32, #tpu.memory_space<smem>>
      %mul3A_109 = arith.constant 3.81469727E-6 : f32
      %mul3A_110 = arith.mulf %get3A_108, %mul3A_109 : f32
      %mul3A_111 = arith.constant 1.250000e+00 : f32
      %mul3A_112 = arith.mulf %mul3A_111, %mul3A_110 : f32
      %mul3A_113 = arith.constant 1.000000e-01 : f32
      %mul3A_114 = arith.mulf %mul3A_113, %min3A : f32
      %add3A_115 = arith.addf %mul3A_112, %mul3A_114 : f32
      %swap3A_116 = arith.constant 0 : index
      %swap3A_117 = arith.constant 0 : index
      %swap3A_118 = memref.load %arg5[%swap3A_116, %swap3A_117] : memref<1x1xf32, #tpu.memory_space<smem>>
      memref.store %add3A_115, %arg5[%swap3A_116, %swap3A_117] : memref<1x1xf32, #tpu.memory_space<smem>>
      %swap3A_119 = arith.constant 0 : index
      %swap3A_120 = arith.constant 0 : index
      %swap3A_121 = memref.load %arg6[%swap3A_119, %swap3A_120] : memref<1x1xf32, #tpu.memory_space<smem>>
      memref.store %exp3A, %arg6[%swap3A_119, %swap3A_120] : memref<1x1xf32, #tpu.memory_space<smem>>
    } else {
    }
    return
  }
  func.func @transform_0(%arg0: i32) -> (i32, i32) {
    %c0_i32 = arith.constant 0 : i32
    %c0_i32_0 = arith.constant 0 : i32
    return %arg0, %c0_i32 : i32, i32
  }
  func.func @transform_1(%arg0: i32) -> (i32, i32) {
    %c0_i32 = arith.constant 0 : i32
    %c0_i32_0 = arith.constant 0 : i32
    %c0_i32_1 = arith.constant 0 : i32
    return %c0_i32, %c0_i32_0 : i32, i32
  }
  func.func @transform_2(%arg0: i32) -> (i32, i32, i32) {
    %c0_i32 = arith.constant 0 : i32
    %c0_i32_0 = arith.constant 0 : i32
    %c0_i32_1 = arith.constant 0 : i32
    return %arg0, %c0_i32, %c0_i32_0 : i32, i32, i32
  }
  func.func @transform_3(%arg0: i32) -> (i32, i32, i32) {
    %c0_i32 = arith.constant 0 : i32
    %c0_i32_0 = arith.constant 0 : i32
    %c0_i32_1 = arith.constant 0 : i32
    return %arg0, %c0_i32, %c0_i32_0 : i32, i32, i32
  }
  func.func @transform_4(%arg0: i32) -> (i32, i32) {
    %c0_i32 = arith.constant 0 : i32
    %c0_i32_0 = arith.constant 0 : i32
    %c0_i32_1 = arith.constant 0 : i32
    return %c0_i32, %c0_i32_0 : i32, i32
  }
  func.func @transform_5(%arg0: i32) -> (i32, i32) {
    %c0_i32 = arith.constant 0 : i32
    %c0_i32_0 = arith.constant 0 : i32
    %c0_i32_1 = arith.constant 0 : i32
    return %c0_i32, %c0_i32_0 : i32, i32
  }
}

module attributes {stable_mosaic.version = 14 : i64} {
  func.func @_recheck_body(%arg0: memref<64x128xf32, #tpu.memory_space<vmem>>, %arg1: memref<64x512xf32, #tpu.memory_space<vmem>>, %arg2: memref<128x1xi32, #tpu.memory_space<vmem>>) attributes {dimension_semantics = [], scalar_prefetch = 0 : i64, scratch_operands = 0 : i64, tpu.core_type = #tpu.core_type<tc>} {
    %get3A = arith.constant 0 : index
    %get3A_0 = arith.constant 0 : index
    %get3A_1 = vector.load %arg1[%get3A, %get3A_0] : memref<64x512xf32, #tpu.memory_space<vmem>>, vector<64x512xf32>
    %iota3A = tpu.iota {dimensions = array<i32: 2>} : vector<1x8x512xi32>
    %get3A_2 = arith.constant 0 : index
    %get3A_3 = arith.constant 0 : index
    %get3A_4 = vector.load %arg0[%get3A_2, %get3A_3] : memref<64x128xf32, #tpu.memory_space<vmem>>, vector<64x8xf32>
    %broadcast_in_dim3A = vector.shape_cast %get3A_4 : vector<64x8xf32> to vector<64x8x1xf32>
    %broadcast_in_dim3A_5 = vector.shape_cast %get3A_1 : vector<64x512xf32> to vector<64x1x512xf32>
    %sub3A = vector.broadcast %broadcast_in_dim3A : vector<64x8x1xf32> to vector<64x8x512xf32>
    %sub3A_6 = vector.broadcast %broadcast_in_dim3A_5 : vector<64x1x512xf32> to vector<64x8x512xf32>
    %sub3A_7 = arith.subf %sub3A, %sub3A_6 : vector<64x8x512xf32>
    %mul3A = arith.mulf %sub3A_7, %sub3A_7 : vector<64x8x512xf32>
    %slice3A = vector.extract_strided_slice %mul3A {offsets = [0, 0, 0], sizes = [4, 8, 512], strides = [1, 1, 1]} : vector<64x8x512xf32> to vector<4x8x512xf32>
    %slice3A_8 = vector.extract_strided_slice %mul3A {offsets = [4, 0, 0], sizes = [4, 8, 512], strides = [1, 1, 1]} : vector<64x8x512xf32> to vector<4x8x512xf32>
    %add3A = arith.addf %slice3A, %slice3A_8 : vector<4x8x512xf32>
    %slice3A_9 = vector.extract_strided_slice %add3A {offsets = [0, 0, 0], sizes = [2, 8, 512], strides = [1, 1, 1]} : vector<4x8x512xf32> to vector<2x8x512xf32>
    %slice3A_10 = vector.extract_strided_slice %add3A {offsets = [2, 0, 0], sizes = [2, 8, 512], strides = [1, 1, 1]} : vector<4x8x512xf32> to vector<2x8x512xf32>
    %add3A_11 = arith.addf %slice3A_9, %slice3A_10 : vector<2x8x512xf32>
    %slice3A_12 = vector.extract_strided_slice %add3A_11 {offsets = [0, 0, 0], sizes = [1, 8, 512], strides = [1, 1, 1]} : vector<2x8x512xf32> to vector<1x8x512xf32>
    %slice3A_13 = vector.extract_strided_slice %add3A_11 {offsets = [1, 0, 0], sizes = [1, 8, 512], strides = [1, 1, 1]} : vector<2x8x512xf32> to vector<1x8x512xf32>
    %add3A_14 = arith.addf %slice3A_12, %slice3A_13 : vector<1x8x512xf32>
    %slice3A_15 = vector.extract_strided_slice %mul3A {offsets = [8, 0, 0], sizes = [4, 8, 512], strides = [1, 1, 1]} : vector<64x8x512xf32> to vector<4x8x512xf32>
    %slice3A_16 = vector.extract_strided_slice %mul3A {offsets = [12, 0, 0], sizes = [4, 8, 512], strides = [1, 1, 1]} : vector<64x8x512xf32> to vector<4x8x512xf32>
    %add3A_17 = arith.addf %slice3A_15, %slice3A_16 : vector<4x8x512xf32>
    %slice3A_18 = vector.extract_strided_slice %add3A_17 {offsets = [0, 0, 0], sizes = [2, 8, 512], strides = [1, 1, 1]} : vector<4x8x512xf32> to vector<2x8x512xf32>
    %slice3A_19 = vector.extract_strided_slice %add3A_17 {offsets = [2, 0, 0], sizes = [2, 8, 512], strides = [1, 1, 1]} : vector<4x8x512xf32> to vector<2x8x512xf32>
    %add3A_20 = arith.addf %slice3A_18, %slice3A_19 : vector<2x8x512xf32>
    %slice3A_21 = vector.extract_strided_slice %add3A_20 {offsets = [0, 0, 0], sizes = [1, 8, 512], strides = [1, 1, 1]} : vector<2x8x512xf32> to vector<1x8x512xf32>
    %slice3A_22 = vector.extract_strided_slice %add3A_20 {offsets = [1, 0, 0], sizes = [1, 8, 512], strides = [1, 1, 1]} : vector<2x8x512xf32> to vector<1x8x512xf32>
    %add3A_23 = arith.addf %slice3A_21, %slice3A_22 : vector<1x8x512xf32>
    %add3A_24 = arith.addf %add3A_14, %add3A_23 : vector<1x8x512xf32>
    %slice3A_25 = vector.extract_strided_slice %mul3A {offsets = [16, 0, 0], sizes = [4, 8, 512], strides = [1, 1, 1]} : vector<64x8x512xf32> to vector<4x8x512xf32>
    %slice3A_26 = vector.extract_strided_slice %mul3A {offsets = [20, 0, 0], sizes = [4, 8, 512], strides = [1, 1, 1]} : vector<64x8x512xf32> to vector<4x8x512xf32>
    %add3A_27 = arith.addf %slice3A_25, %slice3A_26 : vector<4x8x512xf32>
    %slice3A_28 = vector.extract_strided_slice %add3A_27 {offsets = [0, 0, 0], sizes = [2, 8, 512], strides = [1, 1, 1]} : vector<4x8x512xf32> to vector<2x8x512xf32>
    %slice3A_29 = vector.extract_strided_slice %add3A_27 {offsets = [2, 0, 0], sizes = [2, 8, 512], strides = [1, 1, 1]} : vector<4x8x512xf32> to vector<2x8x512xf32>
    %add3A_30 = arith.addf %slice3A_28, %slice3A_29 : vector<2x8x512xf32>
    %slice3A_31 = vector.extract_strided_slice %add3A_30 {offsets = [0, 0, 0], sizes = [1, 8, 512], strides = [1, 1, 1]} : vector<2x8x512xf32> to vector<1x8x512xf32>
    %slice3A_32 = vector.extract_strided_slice %add3A_30 {offsets = [1, 0, 0], sizes = [1, 8, 512], strides = [1, 1, 1]} : vector<2x8x512xf32> to vector<1x8x512xf32>
    %add3A_33 = arith.addf %slice3A_31, %slice3A_32 : vector<1x8x512xf32>
    %add3A_34 = arith.addf %add3A_24, %add3A_33 : vector<1x8x512xf32>
    %slice3A_35 = vector.extract_strided_slice %mul3A {offsets = [24, 0, 0], sizes = [4, 8, 512], strides = [1, 1, 1]} : vector<64x8x512xf32> to vector<4x8x512xf32>
    %slice3A_36 = vector.extract_strided_slice %mul3A {offsets = [28, 0, 0], sizes = [4, 8, 512], strides = [1, 1, 1]} : vector<64x8x512xf32> to vector<4x8x512xf32>
    %add3A_37 = arith.addf %slice3A_35, %slice3A_36 : vector<4x8x512xf32>
    %slice3A_38 = vector.extract_strided_slice %add3A_37 {offsets = [0, 0, 0], sizes = [2, 8, 512], strides = [1, 1, 1]} : vector<4x8x512xf32> to vector<2x8x512xf32>
    %slice3A_39 = vector.extract_strided_slice %add3A_37 {offsets = [2, 0, 0], sizes = [2, 8, 512], strides = [1, 1, 1]} : vector<4x8x512xf32> to vector<2x8x512xf32>
    %add3A_40 = arith.addf %slice3A_38, %slice3A_39 : vector<2x8x512xf32>
    %slice3A_41 = vector.extract_strided_slice %add3A_40 {offsets = [0, 0, 0], sizes = [1, 8, 512], strides = [1, 1, 1]} : vector<2x8x512xf32> to vector<1x8x512xf32>
    %slice3A_42 = vector.extract_strided_slice %add3A_40 {offsets = [1, 0, 0], sizes = [1, 8, 512], strides = [1, 1, 1]} : vector<2x8x512xf32> to vector<1x8x512xf32>
    %add3A_43 = arith.addf %slice3A_41, %slice3A_42 : vector<1x8x512xf32>
    %add3A_44 = arith.addf %add3A_34, %add3A_43 : vector<1x8x512xf32>
    %slice3A_45 = vector.extract_strided_slice %mul3A {offsets = [32, 0, 0], sizes = [4, 8, 512], strides = [1, 1, 1]} : vector<64x8x512xf32> to vector<4x8x512xf32>
    %slice3A_46 = vector.extract_strided_slice %mul3A {offsets = [36, 0, 0], sizes = [4, 8, 512], strides = [1, 1, 1]} : vector<64x8x512xf32> to vector<4x8x512xf32>
    %add3A_47 = arith.addf %slice3A_45, %slice3A_46 : vector<4x8x512xf32>
    %slice3A_48 = vector.extract_strided_slice %add3A_47 {offsets = [0, 0, 0], sizes = [2, 8, 512], strides = [1, 1, 1]} : vector<4x8x512xf32> to vector<2x8x512xf32>
    %slice3A_49 = vector.extract_strided_slice %add3A_47 {offsets = [2, 0, 0], sizes = [2, 8, 512], strides = [1, 1, 1]} : vector<4x8x512xf32> to vector<2x8x512xf32>
    %add3A_50 = arith.addf %slice3A_48, %slice3A_49 : vector<2x8x512xf32>
    %slice3A_51 = vector.extract_strided_slice %add3A_50 {offsets = [0, 0, 0], sizes = [1, 8, 512], strides = [1, 1, 1]} : vector<2x8x512xf32> to vector<1x8x512xf32>
    %slice3A_52 = vector.extract_strided_slice %add3A_50 {offsets = [1, 0, 0], sizes = [1, 8, 512], strides = [1, 1, 1]} : vector<2x8x512xf32> to vector<1x8x512xf32>
    %add3A_53 = arith.addf %slice3A_51, %slice3A_52 : vector<1x8x512xf32>
    %add3A_54 = arith.addf %add3A_44, %add3A_53 : vector<1x8x512xf32>
    %slice3A_55 = vector.extract_strided_slice %mul3A {offsets = [40, 0, 0], sizes = [4, 8, 512], strides = [1, 1, 1]} : vector<64x8x512xf32> to vector<4x8x512xf32>
    %slice3A_56 = vector.extract_strided_slice %mul3A {offsets = [44, 0, 0], sizes = [4, 8, 512], strides = [1, 1, 1]} : vector<64x8x512xf32> to vector<4x8x512xf32>
    %add3A_57 = arith.addf %slice3A_55, %slice3A_56 : vector<4x8x512xf32>
    %slice3A_58 = vector.extract_strided_slice %add3A_57 {offsets = [0, 0, 0], sizes = [2, 8, 512], strides = [1, 1, 1]} : vector<4x8x512xf32> to vector<2x8x512xf32>
    %slice3A_59 = vector.extract_strided_slice %add3A_57 {offsets = [2, 0, 0], sizes = [2, 8, 512], strides = [1, 1, 1]} : vector<4x8x512xf32> to vector<2x8x512xf32>
    %add3A_60 = arith.addf %slice3A_58, %slice3A_59 : vector<2x8x512xf32>
    %slice3A_61 = vector.extract_strided_slice %add3A_60 {offsets = [0, 0, 0], sizes = [1, 8, 512], strides = [1, 1, 1]} : vector<2x8x512xf32> to vector<1x8x512xf32>
    %slice3A_62 = vector.extract_strided_slice %add3A_60 {offsets = [1, 0, 0], sizes = [1, 8, 512], strides = [1, 1, 1]} : vector<2x8x512xf32> to vector<1x8x512xf32>
    %add3A_63 = arith.addf %slice3A_61, %slice3A_62 : vector<1x8x512xf32>
    %add3A_64 = arith.addf %add3A_54, %add3A_63 : vector<1x8x512xf32>
    %slice3A_65 = vector.extract_strided_slice %mul3A {offsets = [48, 0, 0], sizes = [4, 8, 512], strides = [1, 1, 1]} : vector<64x8x512xf32> to vector<4x8x512xf32>
    %slice3A_66 = vector.extract_strided_slice %mul3A {offsets = [52, 0, 0], sizes = [4, 8, 512], strides = [1, 1, 1]} : vector<64x8x512xf32> to vector<4x8x512xf32>
    %add3A_67 = arith.addf %slice3A_65, %slice3A_66 : vector<4x8x512xf32>
    %slice3A_68 = vector.extract_strided_slice %add3A_67 {offsets = [0, 0, 0], sizes = [2, 8, 512], strides = [1, 1, 1]} : vector<4x8x512xf32> to vector<2x8x512xf32>
    %slice3A_69 = vector.extract_strided_slice %add3A_67 {offsets = [2, 0, 0], sizes = [2, 8, 512], strides = [1, 1, 1]} : vector<4x8x512xf32> to vector<2x8x512xf32>
    %add3A_70 = arith.addf %slice3A_68, %slice3A_69 : vector<2x8x512xf32>
    %slice3A_71 = vector.extract_strided_slice %add3A_70 {offsets = [0, 0, 0], sizes = [1, 8, 512], strides = [1, 1, 1]} : vector<2x8x512xf32> to vector<1x8x512xf32>
    %slice3A_72 = vector.extract_strided_slice %add3A_70 {offsets = [1, 0, 0], sizes = [1, 8, 512], strides = [1, 1, 1]} : vector<2x8x512xf32> to vector<1x8x512xf32>
    %add3A_73 = arith.addf %slice3A_71, %slice3A_72 : vector<1x8x512xf32>
    %add3A_74 = arith.addf %add3A_64, %add3A_73 : vector<1x8x512xf32>
    %slice3A_75 = vector.extract_strided_slice %mul3A {offsets = [56, 0, 0], sizes = [4, 8, 512], strides = [1, 1, 1]} : vector<64x8x512xf32> to vector<4x8x512xf32>
    %slice3A_76 = vector.extract_strided_slice %mul3A {offsets = [60, 0, 0], sizes = [4, 8, 512], strides = [1, 1, 1]} : vector<64x8x512xf32> to vector<4x8x512xf32>
    %add3A_77 = arith.addf %slice3A_75, %slice3A_76 : vector<4x8x512xf32>
    %slice3A_78 = vector.extract_strided_slice %add3A_77 {offsets = [0, 0, 0], sizes = [2, 8, 512], strides = [1, 1, 1]} : vector<4x8x512xf32> to vector<2x8x512xf32>
    %slice3A_79 = vector.extract_strided_slice %add3A_77 {offsets = [2, 0, 0], sizes = [2, 8, 512], strides = [1, 1, 1]} : vector<4x8x512xf32> to vector<2x8x512xf32>
    %add3A_80 = arith.addf %slice3A_78, %slice3A_79 : vector<2x8x512xf32>
    %slice3A_81 = vector.extract_strided_slice %add3A_80 {offsets = [0, 0, 0], sizes = [1, 8, 512], strides = [1, 1, 1]} : vector<2x8x512xf32> to vector<1x8x512xf32>
    %slice3A_82 = vector.extract_strided_slice %add3A_80 {offsets = [1, 0, 0], sizes = [1, 8, 512], strides = [1, 1, 1]} : vector<2x8x512xf32> to vector<1x8x512xf32>
    %add3A_83 = arith.addf %slice3A_81, %slice3A_82 : vector<1x8x512xf32>
    %add3A_84 = arith.addf %add3A_74, %add3A_83 : vector<1x8x512xf32>
    %reduce_min3A = arith.constant dense<0x7F800000> : vector<1x8xf32>
    %reduce_min3A_85 = vector.multi_reduction <minimumf>, %add3A_84, %reduce_min3A [2] : vector<1x8x512xf32> to vector<1x8xf32>
    %broadcast_in_dim3A_86 = vector.shape_cast %reduce_min3A_85 : vector<1x8xf32> to vector<1x8x1xf32>
    %eq3A = vector.broadcast %broadcast_in_dim3A_86 : vector<1x8x1xf32> to vector<1x8x512xf32>
    %eq3A_87 = arith.cmpf oeq, %add3A_84, %eq3A : vector<1x8x512xf32>
    %jit3A = arith.constant 512 : i32
    %broadcast_in_dim3A_88 = vector.broadcast %jit3A : i32 to vector<1x8x512xi32>
    %select_n3A = arith.select %eq3A_87, %iota3A, %broadcast_in_dim3A_88 : vector<1x8x512xi1>, vector<1x8x512xi32>
    %reduce_min3A_89 = arith.constant dense<2147483647> : vector<1x8xi32>
    %reduce_min3A_90 = vector.multi_reduction <minsi>, %select_n3A, %reduce_min3A_89 [2] : vector<1x8x512xi32> to vector<1x8xi32>
    %broadcast_in_dim3A_91 = vector.shape_cast %reduce_min3A_90 : vector<1x8xi32> to vector<1x8x1xi32>
    %reshape3A = vector.shape_cast %broadcast_in_dim3A_91 : vector<1x8x1xi32> to vector<8x1xi32>
    %swap3A = arith.constant 0 : index
    %swap3A_92 = arith.constant 0 : index
    %swap3A_93 = vector.load %arg2[%swap3A, %swap3A_92] : memref<128x1xi32, #tpu.memory_space<vmem>>, vector<8x1xi32>
    tpu.vector_store %arg2[%swap3A, %swap3A_92], %reshape3A {strides = array<i32>} : memref<128x1xi32, #tpu.memory_space<vmem>>, vector<8x1xi32>,
    %get3A_94 = arith.constant 0 : index
    %get3A_95 = arith.constant 8 : index
    %get3A_96 = vector.load %arg0[%get3A_94, %get3A_95] : memref<64x128xf32, #tpu.memory_space<vmem>>, vector<64x8xf32>
    %broadcast_in_dim3A_97 = vector.shape_cast %get3A_96 : vector<64x8xf32> to vector<64x8x1xf32>
    %broadcast_in_dim3A_98 = vector.shape_cast %get3A_1 : vector<64x512xf32> to vector<64x1x512xf32>
    %sub3A_99 = vector.broadcast %broadcast_in_dim3A_97 : vector<64x8x1xf32> to vector<64x8x512xf32>
    %sub3A_100 = vector.broadcast %broadcast_in_dim3A_98 : vector<64x1x512xf32> to vector<64x8x512xf32>
    %sub3A_101 = arith.subf %sub3A_99, %sub3A_100 : vector<64x8x512xf32>
    %mul3A_102 = arith.mulf %sub3A_101, %sub3A_101 : vector<64x8x512xf32>
    %slice3A_103 = vector.extract_strided_slice %mul3A_102 {offsets = [0, 0, 0], sizes = [4, 8, 512], strides = [1, 1, 1]} : vector<64x8x512xf32> to vector<4x8x512xf32>
    %slice3A_104 = vector.extract_strided_slice %mul3A_102 {offsets = [4, 0, 0], sizes = [4, 8, 512], strides = [1, 1, 1]} : vector<64x8x512xf32> to vector<4x8x512xf32>
    %add3A_105 = arith.addf %slice3A_103, %slice3A_104 : vector<4x8x512xf32>
    %slice3A_106 = vector.extract_strided_slice %add3A_105 {offsets = [0, 0, 0], sizes = [2, 8, 512], strides = [1, 1, 1]} : vector<4x8x512xf32> to vector<2x8x512xf32>
    %slice3A_107 = vector.extract_strided_slice %add3A_105 {offsets = [2, 0, 0], sizes = [2, 8, 512], strides = [1, 1, 1]} : vector<4x8x512xf32> to vector<2x8x512xf32>
    %add3A_108 = arith.addf %slice3A_106, %slice3A_107 : vector<2x8x512xf32>
    %slice3A_109 = vector.extract_strided_slice %add3A_108 {offsets = [0, 0, 0], sizes = [1, 8, 512], strides = [1, 1, 1]} : vector<2x8x512xf32> to vector<1x8x512xf32>
    %slice3A_110 = vector.extract_strided_slice %add3A_108 {offsets = [1, 0, 0], sizes = [1, 8, 512], strides = [1, 1, 1]} : vector<2x8x512xf32> to vector<1x8x512xf32>
    %add3A_111 = arith.addf %slice3A_109, %slice3A_110 : vector<1x8x512xf32>
    %slice3A_112 = vector.extract_strided_slice %mul3A_102 {offsets = [8, 0, 0], sizes = [4, 8, 512], strides = [1, 1, 1]} : vector<64x8x512xf32> to vector<4x8x512xf32>
    %slice3A_113 = vector.extract_strided_slice %mul3A_102 {offsets = [12, 0, 0], sizes = [4, 8, 512], strides = [1, 1, 1]} : vector<64x8x512xf32> to vector<4x8x512xf32>
    %add3A_114 = arith.addf %slice3A_112, %slice3A_113 : vector<4x8x512xf32>
    %slice3A_115 = vector.extract_strided_slice %add3A_114 {offsets = [0, 0, 0], sizes = [2, 8, 512], strides = [1, 1, 1]} : vector<4x8x512xf32> to vector<2x8x512xf32>
    %slice3A_116 = vector.extract_strided_slice %add3A_114 {offsets = [2, 0, 0], sizes = [2, 8, 512], strides = [1, 1, 1]} : vector<4x8x512xf32> to vector<2x8x512xf32>
    %add3A_117 = arith.addf %slice3A_115, %slice3A_116 : vector<2x8x512xf32>
    %slice3A_118 = vector.extract_strided_slice %add3A_117 {offsets = [0, 0, 0], sizes = [1, 8, 512], strides = [1, 1, 1]} : vector<2x8x512xf32> to vector<1x8x512xf32>
    %slice3A_119 = vector.extract_strided_slice %add3A_117 {offsets = [1, 0, 0], sizes = [1, 8, 512], strides = [1, 1, 1]} : vector<2x8x512xf32> to vector<1x8x512xf32>
    %add3A_120 = arith.addf %slice3A_118, %slice3A_119 : vector<1x8x512xf32>
    %add3A_121 = arith.addf %add3A_111, %add3A_120 : vector<1x8x512xf32>
    %slice3A_122 = vector.extract_strided_slice %mul3A_102 {offsets = [16, 0, 0], sizes = [4, 8, 512], strides = [1, 1, 1]} : vector<64x8x512xf32> to vector<4x8x512xf32>
    %slice3A_123 = vector.extract_strided_slice %mul3A_102 {offsets = [20, 0, 0], sizes = [4, 8, 512], strides = [1, 1, 1]} : vector<64x8x512xf32> to vector<4x8x512xf32>
    %add3A_124 = arith.addf %slice3A_122, %slice3A_123 : vector<4x8x512xf32>
    %slice3A_125 = vector.extract_strided_slice %add3A_124 {offsets = [0, 0, 0], sizes = [2, 8, 512], strides = [1, 1, 1]} : vector<4x8x512xf32> to vector<2x8x512xf32>
    %slice3A_126 = vector.extract_strided_slice %add3A_124 {offsets = [2, 0, 0], sizes = [2, 8, 512], strides = [1, 1, 1]} : vector<4x8x512xf32> to vector<2x8x512xf32>
    %add3A_127 = arith.addf %slice3A_125, %slice3A_126 : vector<2x8x512xf32>
    %slice3A_128 = vector.extract_strided_slice %add3A_127 {offsets = [0, 0, 0], sizes = [1, 8, 512], strides = [1, 1, 1]} : vector<2x8x512xf32> to vector<1x8x512xf32>
    %slice3A_129 = vector.extract_strided_slice %add3A_127 {offsets = [1, 0, 0], sizes = [1, 8, 512], strides = [1, 1, 1]} : vector<2x8x512xf32> to vector<1x8x512xf32>
    %add3A_130 = arith.addf %slice3A_128, %slice3A_129 : vector<1x8x512xf32>
    %add3A_131 = arith.addf %add3A_121, %add3A_130 : vector<1x8x512xf32>
    %slice3A_132 = vector.extract_strided_slice %mul3A_102 {offsets = [24, 0, 0], sizes = [4, 8, 512], strides = [1, 1, 1]} : vector<64x8x512xf32> to vector<4x8x512xf32>
    %slice3A_133 = vector.extract_strided_slice %mul3A_102 {offsets = [28, 0, 0], sizes = [4, 8, 512], strides = [1, 1, 1]} : vector<64x8x512xf32> to vector<4x8x512xf32>
    %add3A_134 = arith.addf %slice3A_132, %slice3A_133 : vector<4x8x512xf32>
    %slice3A_135 = vector.extract_strided_slice %add3A_134 {offsets = [0, 0, 0], sizes = [2, 8, 512], strides = [1, 1, 1]} : vector<4x8x512xf32> to vector<2x8x512xf32>
    %slice3A_136 = vector.extract_strided_slice %add3A_134 {offsets = [2, 0, 0], sizes = [2, 8, 512], strides = [1, 1, 1]} : vector<4x8x512xf32> to vector<2x8x512xf32>
    %add3A_137 = arith.addf %slice3A_135, %slice3A_136 : vector<2x8x512xf32>
    %slice3A_138 = vector.extract_strided_slice %add3A_137 {offsets = [0, 0, 0], sizes = [1, 8, 512], strides = [1, 1, 1]} : vector<2x8x512xf32> to vector<1x8x512xf32>
    %slice3A_139 = vector.extract_strided_slice %add3A_137 {offsets = [1, 0, 0], sizes = [1, 8, 512], strides = [1, 1, 1]} : vector<2x8x512xf32> to vector<1x8x512xf32>
    %add3A_140 = arith.addf %slice3A_138, %slice3A_139 : vector<1x8x512xf32>
    %add3A_141 = arith.addf %add3A_131, %add3A_140 : vector<1x8x512xf32>
    %slice3A_142 = vector.extract_strided_slice %mul3A_102 {offsets = [32, 0, 0], sizes = [4, 8, 512], strides = [1, 1, 1]} : vector<64x8x512xf32> to vector<4x8x512xf32>
    %slice3A_143 = vector.extract_strided_slice %mul3A_102 {offsets = [36, 0, 0], sizes = [4, 8, 512], strides = [1, 1, 1]} : vector<64x8x512xf32> to vector<4x8x512xf32>
    %add3A_144 = arith.addf %slice3A_142, %slice3A_143 : vector<4x8x512xf32>
    %slice3A_145 = vector.extract_strided_slice %add3A_144 {offsets = [0, 0, 0], sizes = [2, 8, 512], strides = [1, 1, 1]} : vector<4x8x512xf32> to vector<2x8x512xf32>
    %slice3A_146 = vector.extract_strided_slice %add3A_144 {offsets = [2, 0, 0], sizes = [2, 8, 512], strides = [1, 1, 1]} : vector<4x8x512xf32> to vector<2x8x512xf32>
    %add3A_147 = arith.addf %slice3A_145, %slice3A_146 : vector<2x8x512xf32>
    %slice3A_148 = vector.extract_strided_slice %add3A_147 {offsets = [0, 0, 0], sizes = [1, 8, 512], strides = [1, 1, 1]} : vector<2x8x512xf32> to vector<1x8x512xf32>
    %slice3A_149 = vector.extract_strided_slice %add3A_147 {offsets = [1, 0, 0], sizes = [1, 8, 512], strides = [1, 1, 1]} : vector<2x8x512xf32> to vector<1x8x512xf32>
    %add3A_150 = arith.addf %slice3A_148, %slice3A_149 : vector<1x8x512xf32>
    %add3A_151 = arith.addf %add3A_141, %add3A_150 : vector<1x8x512xf32>
    %slice3A_152 = vector.extract_strided_slice %mul3A_102 {offsets = [40, 0, 0], sizes = [4, 8, 512], strides = [1, 1, 1]} : vector<64x8x512xf32> to vector<4x8x512xf32>
    %slice3A_153 = vector.extract_strided_slice %mul3A_102 {offsets = [44, 0, 0], sizes = [4, 8, 512], strides = [1, 1, 1]} : vector<64x8x512xf32> to vector<4x8x512xf32>
    %add3A_154 = arith.addf %slice3A_152, %slice3A_153 : vector<4x8x512xf32>
    %slice3A_155 = vector.extract_strided_slice %add3A_154 {offsets = [0, 0, 0], sizes = [2, 8, 512], strides = [1, 1, 1]} : vector<4x8x512xf32> to vector<2x8x512xf32>
    %slice3A_156 = vector.extract_strided_slice %add3A_154 {offsets = [2, 0, 0], sizes = [2, 8, 512], strides = [1, 1, 1]} : vector<4x8x512xf32> to vector<2x8x512xf32>
    %add3A_157 = arith.addf %slice3A_155, %slice3A_156 : vector<2x8x512xf32>
    %slice3A_158 = vector.extract_strided_slice %add3A_157 {offsets = [0, 0, 0], sizes = [1, 8, 512], strides = [1, 1, 1]} : vector<2x8x512xf32> to vector<1x8x512xf32>
    %slice3A_159 = vector.extract_strided_slice %add3A_157 {offsets = [1, 0, 0], sizes = [1, 8, 512], strides = [1, 1, 1]} : vector<2x8x512xf32> to vector<1x8x512xf32>
    %add3A_160 = arith.addf %slice3A_158, %slice3A_159 : vector<1x8x512xf32>
    %add3A_161 = arith.addf %add3A_151, %add3A_160 : vector<1x8x512xf32>
    %slice3A_162 = vector.extract_strided_slice %mul3A_102 {offsets = [48, 0, 0], sizes = [4, 8, 512], strides = [1, 1, 1]} : vector<64x8x512xf32> to vector<4x8x512xf32>
    %slice3A_163 = vector.extract_strided_slice %mul3A_102 {offsets = [52, 0, 0], sizes = [4, 8, 512], strides = [1, 1, 1]} : vector<64x8x512xf32> to vector<4x8x512xf32>
    %add3A_164 = arith.addf %slice3A_162, %slice3A_163 : vector<4x8x512xf32>
    %slice3A_165 = vector.extract_strided_slice %add3A_164 {offsets = [0, 0, 0], sizes = [2, 8, 512], strides = [1, 1, 1]} : vector<4x8x512xf32> to vector<2x8x512xf32>
    %slice3A_166 = vector.extract_strided_slice %add3A_164 {offsets = [2, 0, 0], sizes = [2, 8, 512], strides = [1, 1, 1]} : vector<4x8x512xf32> to vector<2x8x512xf32>
    %add3A_167 = arith.addf %slice3A_165, %slice3A_166 : vector<2x8x512xf32>
    %slice3A_168 = vector.extract_strided_slice %add3A_167 {offsets = [0, 0, 0], sizes = [1, 8, 512], strides = [1, 1, 1]} : vector<2x8x512xf32> to vector<1x8x512xf32>
    %slice3A_169 = vector.extract_strided_slice %add3A_167 {offsets = [1, 0, 0], sizes = [1, 8, 512], strides = [1, 1, 1]} : vector<2x8x512xf32> to vector<1x8x512xf32>
    %add3A_170 = arith.addf %slice3A_168, %slice3A_169 : vector<1x8x512xf32>
    %add3A_171 = arith.addf %add3A_161, %add3A_170 : vector<1x8x512xf32>
    %slice3A_172 = vector.extract_strided_slice %mul3A_102 {offsets = [56, 0, 0], sizes = [4, 8, 512], strides = [1, 1, 1]} : vector<64x8x512xf32> to vector<4x8x512xf32>
    %slice3A_173 = vector.extract_strided_slice %mul3A_102 {offsets = [60, 0, 0], sizes = [4, 8, 512], strides = [1, 1, 1]} : vector<64x8x512xf32> to vector<4x8x512xf32>
    %add3A_174 = arith.addf %slice3A_172, %slice3A_173 : vector<4x8x512xf32>
    %slice3A_175 = vector.extract_strided_slice %add3A_174 {offsets = [0, 0, 0], sizes = [2, 8, 512], strides = [1, 1, 1]} : vector<4x8x512xf32> to vector<2x8x512xf32>
    %slice3A_176 = vector.extract_strided_slice %add3A_174 {offsets = [2, 0, 0], sizes = [2, 8, 512], strides = [1, 1, 1]} : vector<4x8x512xf32> to vector<2x8x512xf32>
    %add3A_177 = arith.addf %slice3A_175, %slice3A_176 : vector<2x8x512xf32>
    %slice3A_178 = vector.extract_strided_slice %add3A_177 {offsets = [0, 0, 0], sizes = [1, 8, 512], strides = [1, 1, 1]} : vector<2x8x512xf32> to vector<1x8x512xf32>
    %slice3A_179 = vector.extract_strided_slice %add3A_177 {offsets = [1, 0, 0], sizes = [1, 8, 512], strides = [1, 1, 1]} : vector<2x8x512xf32> to vector<1x8x512xf32>
    %add3A_180 = arith.addf %slice3A_178, %slice3A_179 : vector<1x8x512xf32>
    %add3A_181 = arith.addf %add3A_171, %add3A_180 : vector<1x8x512xf32>
    %reduce_min3A_182 = arith.constant dense<0x7F800000> : vector<1x8xf32>
    %reduce_min3A_183 = vector.multi_reduction <minimumf>, %add3A_181, %reduce_min3A_182 [2] : vector<1x8x512xf32> to vector<1x8xf32>
    %broadcast_in_dim3A_184 = vector.shape_cast %reduce_min3A_183 : vector<1x8xf32> to vector<1x8x1xf32>
    %eq3A_185 = vector.broadcast %broadcast_in_dim3A_184 : vector<1x8x1xf32> to vector<1x8x512xf32>
    %eq3A_186 = arith.cmpf oeq, %add3A_181, %eq3A_185 : vector<1x8x512xf32>
    %jit3A_187 = arith.constant 512 : i32
    %broadcast_in_dim3A_188 = vector.broadcast %jit3A_187 : i32 to vector<1x8x512xi32>
    %select_n3A_189 = arith.select %eq3A_186, %iota3A, %broadcast_in_dim3A_188 : vector<1x8x512xi1>, vector<1x8x512xi32>
    %reduce_min3A_190 = arith.constant dense<2147483647> : vector<1x8xi32>
    %reduce_min3A_191 = vector.multi_reduction <minsi>, %select_n3A_189, %reduce_min3A_190 [2] : vector<1x8x512xi32> to vector<1x8xi32>
    %broadcast_in_dim3A_192 = vector.shape_cast %reduce_min3A_191 : vector<1x8xi32> to vector<1x8x1xi32>
    %reshape3A_193 = vector.shape_cast %broadcast_in_dim3A_192 : vector<1x8x1xi32> to vector<8x1xi32>
    %swap3A_194 = arith.constant 8 : index
    %swap3A_195 = arith.constant 0 : index
    %swap3A_196 = vector.load %arg2[%swap3A_194, %swap3A_195] : memref<128x1xi32, #tpu.memory_space<vmem>>, vector<8x1xi32>
    tpu.vector_store %arg2[%swap3A_194, %swap3A_195], %reshape3A_193 {strides = array<i32>} : memref<128x1xi32, #tpu.memory_space<vmem>>, vector<8x1xi32>,
    %get3A_197 = arith.constant 0 : index
    %get3A_198 = arith.constant 16 : index
    %get3A_199 = vector.load %arg0[%get3A_197, %get3A_198] : memref<64x128xf32, #tpu.memory_space<vmem>>, vector<64x8xf32>
    %broadcast_in_dim3A_200 = vector.shape_cast %get3A_199 : vector<64x8xf32> to vector<64x8x1xf32>
    %broadcast_in_dim3A_201 = vector.shape_cast %get3A_1 : vector<64x512xf32> to vector<64x1x512xf32>
    %sub3A_202 = vector.broadcast %broadcast_in_dim3A_200 : vector<64x8x1xf32> to vector<64x8x512xf32>
    %sub3A_203 = vector.broadcast %broadcast_in_dim3A_201 : vector<64x1x512xf32> to vector<64x8x512xf32>
    %sub3A_204 = arith.subf %sub3A_202, %sub3A_203 : vector<64x8x512xf32>
    %mul3A_205 = arith.mulf %sub3A_204, %sub3A_204 : vector<64x8x512xf32>
    %slice3A_206 = vector.extract_strided_slice %mul3A_205 {offsets = [0, 0, 0], sizes = [4, 8, 512], strides = [1, 1, 1]} : vector<64x8x512xf32> to vector<4x8x512xf32>
    %slice3A_207 = vector.extract_strided_slice %mul3A_205 {offsets = [4, 0, 0], sizes = [4, 8, 512], strides = [1, 1, 1]} : vector<64x8x512xf32> to vector<4x8x512xf32>
    %add3A_208 = arith.addf %slice3A_206, %slice3A_207 : vector<4x8x512xf32>
    %slice3A_209 = vector.extract_strided_slice %add3A_208 {offsets = [0, 0, 0], sizes = [2, 8, 512], strides = [1, 1, 1]} : vector<4x8x512xf32> to vector<2x8x512xf32>
    %slice3A_210 = vector.extract_strided_slice %add3A_208 {offsets = [2, 0, 0], sizes = [2, 8, 512], strides = [1, 1, 1]} : vector<4x8x512xf32> to vector<2x8x512xf32>
    %add3A_211 = arith.addf %slice3A_209, %slice3A_210 : vector<2x8x512xf32>
    %slice3A_212 = vector.extract_strided_slice %add3A_211 {offsets = [0, 0, 0], sizes = [1, 8, 512], strides = [1, 1, 1]} : vector<2x8x512xf32> to vector<1x8x512xf32>
    %slice3A_213 = vector.extract_strided_slice %add3A_211 {offsets = [1, 0, 0], sizes = [1, 8, 512], strides = [1, 1, 1]} : vector<2x8x512xf32> to vector<1x8x512xf32>
    %add3A_214 = arith.addf %slice3A_212, %slice3A_213 : vector<1x8x512xf32>
    %slice3A_215 = vector.extract_strided_slice %mul3A_205 {offsets = [8, 0, 0], sizes = [4, 8, 512], strides = [1, 1, 1]} : vector<64x8x512xf32> to vector<4x8x512xf32>
    %slice3A_216 = vector.extract_strided_slice %mul3A_205 {offsets = [12, 0, 0], sizes = [4, 8, 512], strides = [1, 1, 1]} : vector<64x8x512xf32> to vector<4x8x512xf32>
    %add3A_217 = arith.addf %slice3A_215, %slice3A_216 : vector<4x8x512xf32>
    %slice3A_218 = vector.extract_strided_slice %add3A_217 {offsets = [0, 0, 0], sizes = [2, 8, 512], strides = [1, 1, 1]} : vector<4x8x512xf32> to vector<2x8x512xf32>
    %slice3A_219 = vector.extract_strided_slice %add3A_217 {offsets = [2, 0, 0], sizes = [2, 8, 512], strides = [1, 1, 1]} : vector<4x8x512xf32> to vector<2x8x512xf32>
    %add3A_220 = arith.addf %slice3A_218, %slice3A_219 : vector<2x8x512xf32>
    %slice3A_221 = vector.extract_strided_slice %add3A_220 {offsets = [0, 0, 0], sizes = [1, 8, 512], strides = [1, 1, 1]} : vector<2x8x512xf32> to vector<1x8x512xf32>
    %slice3A_222 = vector.extract_strided_slice %add3A_220 {offsets = [1, 0, 0], sizes = [1, 8, 512], strides = [1, 1, 1]} : vector<2x8x512xf32> to vector<1x8x512xf32>
    %add3A_223 = arith.addf %slice3A_221, %slice3A_222 : vector<1x8x512xf32>
    %add3A_224 = arith.addf %add3A_214, %add3A_223 : vector<1x8x512xf32>
    %slice3A_225 = vector.extract_strided_slice %mul3A_205 {offsets = [16, 0, 0], sizes = [4, 8, 512], strides = [1, 1, 1]} : vector<64x8x512xf32> to vector<4x8x512xf32>
    %slice3A_226 = vector.extract_strided_slice %mul3A_205 {offsets = [20, 0, 0], sizes = [4, 8, 512], strides = [1, 1, 1]} : vector<64x8x512xf32> to vector<4x8x512xf32>
    %add3A_227 = arith.addf %slice3A_225, %slice3A_226 : vector<4x8x512xf32>
    %slice3A_228 = vector.extract_strided_slice %add3A_227 {offsets = [0, 0, 0], sizes = [2, 8, 512], strides = [1, 1, 1]} : vector<4x8x512xf32> to vector<2x8x512xf32>
    %slice3A_229 = vector.extract_strided_slice %add3A_227 {offsets = [2, 0, 0], sizes = [2, 8, 512], strides = [1, 1, 1]} : vector<4x8x512xf32> to vector<2x8x512xf32>
    %add3A_230 = arith.addf %slice3A_228, %slice3A_229 : vector<2x8x512xf32>
    %slice3A_231 = vector.extract_strided_slice %add3A_230 {offsets = [0, 0, 0], sizes = [1, 8, 512], strides = [1, 1, 1]} : vector<2x8x512xf32> to vector<1x8x512xf32>
    %slice3A_232 = vector.extract_strided_slice %add3A_230 {offsets = [1, 0, 0], sizes = [1, 8, 512], strides = [1, 1, 1]} : vector<2x8x512xf32> to vector<1x8x512xf32>
    %add3A_233 = arith.addf %slice3A_231, %slice3A_232 : vector<1x8x512xf32>
    %add3A_234 = arith.addf %add3A_224, %add3A_233 : vector<1x8x512xf32>
    %slice3A_235 = vector.extract_strided_slice %mul3A_205 {offsets = [24, 0, 0], sizes = [4, 8, 512], strides = [1, 1, 1]} : vector<64x8x512xf32> to vector<4x8x512xf32>
    %slice3A_236 = vector.extract_strided_slice %mul3A_205 {offsets = [28, 0, 0], sizes = [4, 8, 512], strides = [1, 1, 1]} : vector<64x8x512xf32> to vector<4x8x512xf32>
    %add3A_237 = arith.addf %slice3A_235, %slice3A_236 : vector<4x8x512xf32>
    %slice3A_238 = vector.extract_strided_slice %add3A_237 {offsets = [0, 0, 0], sizes = [2, 8, 512], strides = [1, 1, 1]} : vector<4x8x512xf32> to vector<2x8x512xf32>
    %slice3A_239 = vector.extract_strided_slice %add3A_237 {offsets = [2, 0, 0], sizes = [2, 8, 512], strides = [1, 1, 1]} : vector<4x8x512xf32> to vector<2x8x512xf32>
    %add3A_240 = arith.addf %slice3A_238, %slice3A_239 : vector<2x8x512xf32>
    %slice3A_241 = vector.extract_strided_slice %add3A_240 {offsets = [0, 0, 0], sizes = [1, 8, 512], strides = [1, 1, 1]} : vector<2x8x512xf32> to vector<1x8x512xf32>
    %slice3A_242 = vector.extract_strided_slice %add3A_240 {offsets = [1, 0, 0], sizes = [1, 8, 512], strides = [1, 1, 1]} : vector<2x8x512xf32> to vector<1x8x512xf32>
    %add3A_243 = arith.addf %slice3A_241, %slice3A_242 : vector<1x8x512xf32>
    %add3A_244 = arith.addf %add3A_234, %add3A_243 : vector<1x8x512xf32>
    %slice3A_245 = vector.extract_strided_slice %mul3A_205 {offsets = [32, 0, 0], sizes = [4, 8, 512], strides = [1, 1, 1]} : vector<64x8x512xf32> to vector<4x8x512xf32>
    %slice3A_246 = vector.extract_strided_slice %mul3A_205 {offsets = [36, 0, 0], sizes = [4, 8, 512], strides = [1, 1, 1]} : vector<64x8x512xf32> to vector<4x8x512xf32>
    %add3A_247 = arith.addf %slice3A_245, %slice3A_246 : vector<4x8x512xf32>
    %slice3A_248 = vector.extract_strided_slice %add3A_247 {offsets = [0, 0, 0], sizes = [2, 8, 512], strides = [1, 1, 1]} : vector<4x8x512xf32> to vector<2x8x512xf32>
    %slice3A_249 = vector.extract_strided_slice %add3A_247 {offsets = [2, 0, 0], sizes = [2, 8, 512], strides = [1, 1, 1]} : vector<4x8x512xf32> to vector<2x8x512xf32>
    %add3A_250 = arith.addf %slice3A_248, %slice3A_249 : vector<2x8x512xf32>
    %slice3A_251 = vector.extract_strided_slice %add3A_250 {offsets = [0, 0, 0], sizes = [1, 8, 512], strides = [1, 1, 1]} : vector<2x8x512xf32> to vector<1x8x512xf32>
    %slice3A_252 = vector.extract_strided_slice %add3A_250 {offsets = [1, 0, 0], sizes = [1, 8, 512], strides = [1, 1, 1]} : vector<2x8x512xf32> to vector<1x8x512xf32>
    %add3A_253 = arith.addf %slice3A_251, %slice3A_252 : vector<1x8x512xf32>
    %add3A_254 = arith.addf %add3A_244, %add3A_253 : vector<1x8x512xf32>
    %slice3A_255 = vector.extract_strided_slice %mul3A_205 {offsets = [40, 0, 0], sizes = [4, 8, 512], strides = [1, 1, 1]} : vector<64x8x512xf32> to vector<4x8x512xf32>
    %slice3A_256 = vector.extract_strided_slice %mul3A_205 {offsets = [44, 0, 0], sizes = [4, 8, 512], strides = [1, 1, 1]} : vector<64x8x512xf32> to vector<4x8x512xf32>
    %add3A_257 = arith.addf %slice3A_255, %slice3A_256 : vector<4x8x512xf32>
    %slice3A_258 = vector.extract_strided_slice %add3A_257 {offsets = [0, 0, 0], sizes = [2, 8, 512], strides = [1, 1, 1]} : vector<4x8x512xf32> to vector<2x8x512xf32>
    %slice3A_259 = vector.extract_strided_slice %add3A_257 {offsets = [2, 0, 0], sizes = [2, 8, 512], strides = [1, 1, 1]} : vector<4x8x512xf32> to vector<2x8x512xf32>
    %add3A_260 = arith.addf %slice3A_258, %slice3A_259 : vector<2x8x512xf32>
    %slice3A_261 = vector.extract_strided_slice %add3A_260 {offsets = [0, 0, 0], sizes = [1, 8, 512], strides = [1, 1, 1]} : vector<2x8x512xf32> to vector<1x8x512xf32>
    %slice3A_262 = vector.extract_strided_slice %add3A_260 {offsets = [1, 0, 0], sizes = [1, 8, 512], strides = [1, 1, 1]} : vector<2x8x512xf32> to vector<1x8x512xf32>
    %add3A_263 = arith.addf %slice3A_261, %slice3A_262 : vector<1x8x512xf32>
    %add3A_264 = arith.addf %add3A_254, %add3A_263 : vector<1x8x512xf32>
    %slice3A_265 = vector.extract_strided_slice %mul3A_205 {offsets = [48, 0, 0], sizes = [4, 8, 512], strides = [1, 1, 1]} : vector<64x8x512xf32> to vector<4x8x512xf32>
    %slice3A_266 = vector.extract_strided_slice %mul3A_205 {offsets = [52, 0, 0], sizes = [4, 8, 512], strides = [1, 1, 1]} : vector<64x8x512xf32> to vector<4x8x512xf32>
    %add3A_267 = arith.addf %slice3A_265, %slice3A_266 : vector<4x8x512xf32>
    %slice3A_268 = vector.extract_strided_slice %add3A_267 {offsets = [0, 0, 0], sizes = [2, 8, 512], strides = [1, 1, 1]} : vector<4x8x512xf32> to vector<2x8x512xf32>
    %slice3A_269 = vector.extract_strided_slice %add3A_267 {offsets = [2, 0, 0], sizes = [2, 8, 512], strides = [1, 1, 1]} : vector<4x8x512xf32> to vector<2x8x512xf32>
    %add3A_270 = arith.addf %slice3A_268, %slice3A_269 : vector<2x8x512xf32>
    %slice3A_271 = vector.extract_strided_slice %add3A_270 {offsets = [0, 0, 0], sizes = [1, 8, 512], strides = [1, 1, 1]} : vector<2x8x512xf32> to vector<1x8x512xf32>
    %slice3A_272 = vector.extract_strided_slice %add3A_270 {offsets = [1, 0, 0], sizes = [1, 8, 512], strides = [1, 1, 1]} : vector<2x8x512xf32> to vector<1x8x512xf32>
    %add3A_273 = arith.addf %slice3A_271, %slice3A_272 : vector<1x8x512xf32>
    %add3A_274 = arith.addf %add3A_264, %add3A_273 : vector<1x8x512xf32>
    %slice3A_275 = vector.extract_strided_slice %mul3A_205 {offsets = [56, 0, 0], sizes = [4, 8, 512], strides = [1, 1, 1]} : vector<64x8x512xf32> to vector<4x8x512xf32>
    %slice3A_276 = vector.extract_strided_slice %mul3A_205 {offsets = [60, 0, 0], sizes = [4, 8, 512], strides = [1, 1, 1]} : vector<64x8x512xf32> to vector<4x8x512xf32>
    %add3A_277 = arith.addf %slice3A_275, %slice3A_276 : vector<4x8x512xf32>
    %slice3A_278 = vector.extract_strided_slice %add3A_277 {offsets = [0, 0, 0], sizes = [2, 8, 512], strides = [1, 1, 1]} : vector<4x8x512xf32> to vector<2x8x512xf32>
    %slice3A_279 = vector.extract_strided_slice %add3A_277 {offsets = [2, 0, 0], sizes = [2, 8, 512], strides = [1, 1, 1]} : vector<4x8x512xf32> to vector<2x8x512xf32>
    %add3A_280 = arith.addf %slice3A_278, %slice3A_279 : vector<2x8x512xf32>
    %slice3A_281 = vector.extract_strided_slice %add3A_280 {offsets = [0, 0, 0], sizes = [1, 8, 512], strides = [1, 1, 1]} : vector<2x8x512xf32> to vector<1x8x512xf32>
    %slice3A_282 = vector.extract_strided_slice %add3A_280 {offsets = [1, 0, 0], sizes = [1, 8, 512], strides = [1, 1, 1]} : vector<2x8x512xf32> to vector<1x8x512xf32>
    %add3A_283 = arith.addf %slice3A_281, %slice3A_282 : vector<1x8x512xf32>
    %add3A_284 = arith.addf %add3A_274, %add3A_283 : vector<1x8x512xf32>
    %reduce_min3A_285 = arith.constant dense<0x7F800000> : vector<1x8xf32>
    %reduce_min3A_286 = vector.multi_reduction <minimumf>, %add3A_284, %reduce_min3A_285 [2] : vector<1x8x512xf32> to vector<1x8xf32>
    %broadcast_in_dim3A_287 = vector.shape_cast %reduce_min3A_286 : vector<1x8xf32> to vector<1x8x1xf32>
    %eq3A_288 = vector.broadcast %broadcast_in_dim3A_287 : vector<1x8x1xf32> to vector<1x8x512xf32>
    %eq3A_289 = arith.cmpf oeq, %add3A_284, %eq3A_288 : vector<1x8x512xf32>
    %jit3A_290 = arith.constant 512 : i32
    %broadcast_in_dim3A_291 = vector.broadcast %jit3A_290 : i32 to vector<1x8x512xi32>
    %select_n3A_292 = arith.select %eq3A_289, %iota3A, %broadcast_in_dim3A_291 : vector<1x8x512xi1>, vector<1x8x512xi32>
    %reduce_min3A_293 = arith.constant dense<2147483647> : vector<1x8xi32>
    %reduce_min3A_294 = vector.multi_reduction <minsi>, %select_n3A_292, %reduce_min3A_293 [2] : vector<1x8x512xi32> to vector<1x8xi32>
    %broadcast_in_dim3A_295 = vector.shape_cast %reduce_min3A_294 : vector<1x8xi32> to vector<1x8x1xi32>
    %reshape3A_296 = vector.shape_cast %broadcast_in_dim3A_295 : vector<1x8x1xi32> to vector<8x1xi32>
    %swap3A_297 = arith.constant 16 : index
    %swap3A_298 = arith.constant 0 : index
    %swap3A_299 = vector.load %arg2[%swap3A_297, %swap3A_298] : memref<128x1xi32, #tpu.memory_space<vmem>>, vector<8x1xi32>
    tpu.vector_store %arg2[%swap3A_297, %swap3A_298], %reshape3A_296 {strides = array<i32>} : memref<128x1xi32, #tpu.memory_space<vmem>>, vector<8x1xi32>,
    %get3A_300 = arith.constant 0 : index
    %get3A_301 = arith.constant 24 : index
    %get3A_302 = vector.load %arg0[%get3A_300, %get3A_301] : memref<64x128xf32, #tpu.memory_space<vmem>>, vector<64x8xf32>
    %broadcast_in_dim3A_303 = vector.shape_cast %get3A_302 : vector<64x8xf32> to vector<64x8x1xf32>
    %broadcast_in_dim3A_304 = vector.shape_cast %get3A_1 : vector<64x512xf32> to vector<64x1x512xf32>
    %sub3A_305 = vector.broadcast %broadcast_in_dim3A_303 : vector<64x8x1xf32> to vector<64x8x512xf32>
    %sub3A_306 = vector.broadcast %broadcast_in_dim3A_304 : vector<64x1x512xf32> to vector<64x8x512xf32>
    %sub3A_307 = arith.subf %sub3A_305, %sub3A_306 : vector<64x8x512xf32>
    %mul3A_308 = arith.mulf %sub3A_307, %sub3A_307 : vector<64x8x512xf32>
    %slice3A_309 = vector.extract_strided_slice %mul3A_308 {offsets = [0, 0, 0], sizes = [4, 8, 512], strides = [1, 1, 1]} : vector<64x8x512xf32> to vector<4x8x512xf32>
    %slice3A_310 = vector.extract_strided_slice %mul3A_308 {offsets = [4, 0, 0], sizes = [4, 8, 512], strides = [1, 1, 1]} : vector<64x8x512xf32> to vector<4x8x512xf32>
    %add3A_311 = arith.addf %slice3A_309, %slice3A_310 : vector<4x8x512xf32>
    %slice3A_312 = vector.extract_strided_slice %add3A_311 {offsets = [0, 0, 0], sizes = [2, 8, 512], strides = [1, 1, 1]} : vector<4x8x512xf32> to vector<2x8x512xf32>
    %slice3A_313 = vector.extract_strided_slice %add3A_311 {offsets = [2, 0, 0], sizes = [2, 8, 512], strides = [1, 1, 1]} : vector<4x8x512xf32> to vector<2x8x512xf32>
    %add3A_314 = arith.addf %slice3A_312, %slice3A_313 : vector<2x8x512xf32>
    %slice3A_315 = vector.extract_strided_slice %add3A_314 {offsets = [0, 0, 0], sizes = [1, 8, 512], strides = [1, 1, 1]} : vector<2x8x512xf32> to vector<1x8x512xf32>
    %slice3A_316 = vector.extract_strided_slice %add3A_314 {offsets = [1, 0, 0], sizes = [1, 8, 512], strides = [1, 1, 1]} : vector<2x8x512xf32> to vector<1x8x512xf32>
    %add3A_317 = arith.addf %slice3A_315, %slice3A_316 : vector<1x8x512xf32>
    %slice3A_318 = vector.extract_strided_slice %mul3A_308 {offsets = [8, 0, 0], sizes = [4, 8, 512], strides = [1, 1, 1]} : vector<64x8x512xf32> to vector<4x8x512xf32>
    %slice3A_319 = vector.extract_strided_slice %mul3A_308 {offsets = [12, 0, 0], sizes = [4, 8, 512], strides = [1, 1, 1]} : vector<64x8x512xf32> to vector<4x8x512xf32>
    %add3A_320 = arith.addf %slice3A_318, %slice3A_319 : vector<4x8x512xf32>
    %slice3A_321 = vector.extract_strided_slice %add3A_320 {offsets = [0, 0, 0], sizes = [2, 8, 512], strides = [1, 1, 1]} : vector<4x8x512xf32> to vector<2x8x512xf32>
    %slice3A_322 = vector.extract_strided_slice %add3A_320 {offsets = [2, 0, 0], sizes = [2, 8, 512], strides = [1, 1, 1]} : vector<4x8x512xf32> to vector<2x8x512xf32>
    %add3A_323 = arith.addf %slice3A_321, %slice3A_322 : vector<2x8x512xf32>
    %slice3A_324 = vector.extract_strided_slice %add3A_323 {offsets = [0, 0, 0], sizes = [1, 8, 512], strides = [1, 1, 1]} : vector<2x8x512xf32> to vector<1x8x512xf32>
    %slice3A_325 = vector.extract_strided_slice %add3A_323 {offsets = [1, 0, 0], sizes = [1, 8, 512], strides = [1, 1, 1]} : vector<2x8x512xf32> to vector<1x8x512xf32>
    %add3A_326 = arith.addf %slice3A_324, %slice3A_325 : vector<1x8x512xf32>
    %add3A_327 = arith.addf %add3A_317, %add3A_326 : vector<1x8x512xf32>
    %slice3A_328 = vector.extract_strided_slice %mul3A_308 {offsets = [16, 0, 0], sizes = [4, 8, 512], strides = [1, 1, 1]} : vector<64x8x512xf32> to vector<4x8x512xf32>
    %slice3A_329 = vector.extract_strided_slice %mul3A_308 {offsets = [20, 0, 0], sizes = [4, 8, 512], strides = [1, 1, 1]} : vector<64x8x512xf32> to vector<4x8x512xf32>
    %add3A_330 = arith.addf %slice3A_328, %slice3A_329 : vector<4x8x512xf32>
    %slice3A_331 = vector.extract_strided_slice %add3A_330 {offsets = [0, 0, 0], sizes = [2, 8, 512], strides = [1, 1, 1]} : vector<4x8x512xf32> to vector<2x8x512xf32>
    %slice3A_332 = vector.extract_strided_slice %add3A_330 {offsets = [2, 0, 0], sizes = [2, 8, 512], strides = [1, 1, 1]} : vector<4x8x512xf32> to vector<2x8x512xf32>
    %add3A_333 = arith.addf %slice3A_331, %slice3A_332 : vector<2x8x512xf32>
    %slice3A_334 = vector.extract_strided_slice %add3A_333 {offsets = [0, 0, 0], sizes = [1, 8, 512], strides = [1, 1, 1]} : vector<2x8x512xf32> to vector<1x8x512xf32>
    %slice3A_335 = vector.extract_strided_slice %add3A_333 {offsets = [1, 0, 0], sizes = [1, 8, 512], strides = [1, 1, 1]} : vector<2x8x512xf32> to vector<1x8x512xf32>
    %add3A_336 = arith.addf %slice3A_334, %slice3A_335 : vector<1x8x512xf32>
    %add3A_337 = arith.addf %add3A_327, %add3A_336 : vector<1x8x512xf32>
    %slice3A_338 = vector.extract_strided_slice %mul3A_308 {offsets = [24, 0, 0], sizes = [4, 8, 512], strides = [1, 1, 1]} : vector<64x8x512xf32> to vector<4x8x512xf32>
    %slice3A_339 = vector.extract_strided_slice %mul3A_308 {offsets = [28, 0, 0], sizes = [4, 8, 512], strides = [1, 1, 1]} : vector<64x8x512xf32> to vector<4x8x512xf32>
    %add3A_340 = arith.addf %slice3A_338, %slice3A_339 : vector<4x8x512xf32>
    %slice3A_341 = vector.extract_strided_slice %add3A_340 {offsets = [0, 0, 0], sizes = [2, 8, 512], strides = [1, 1, 1]} : vector<4x8x512xf32> to vector<2x8x512xf32>
    %slice3A_342 = vector.extract_strided_slice %add3A_340 {offsets = [2, 0, 0], sizes = [2, 8, 512], strides = [1, 1, 1]} : vector<4x8x512xf32> to vector<2x8x512xf32>
    %add3A_343 = arith.addf %slice3A_341, %slice3A_342 : vector<2x8x512xf32>
    %slice3A_344 = vector.extract_strided_slice %add3A_343 {offsets = [0, 0, 0], sizes = [1, 8, 512], strides = [1, 1, 1]} : vector<2x8x512xf32> to vector<1x8x512xf32>
    %slice3A_345 = vector.extract_strided_slice %add3A_343 {offsets = [1, 0, 0], sizes = [1, 8, 512], strides = [1, 1, 1]} : vector<2x8x512xf32> to vector<1x8x512xf32>
    %add3A_346 = arith.addf %slice3A_344, %slice3A_345 : vector<1x8x512xf32>
    %add3A_347 = arith.addf %add3A_337, %add3A_346 : vector<1x8x512xf32>
    %slice3A_348 = vector.extract_strided_slice %mul3A_308 {offsets = [32, 0, 0], sizes = [4, 8, 512], strides = [1, 1, 1]} : vector<64x8x512xf32> to vector<4x8x512xf32>
    %slice3A_349 = vector.extract_strided_slice %mul3A_308 {offsets = [36, 0, 0], sizes = [4, 8, 512], strides = [1, 1, 1]} : vector<64x8x512xf32> to vector<4x8x512xf32>
    %add3A_350 = arith.addf %slice3A_348, %slice3A_349 : vector<4x8x512xf32>
    %slice3A_351 = vector.extract_strided_slice %add3A_350 {offsets = [0, 0, 0], sizes = [2, 8, 512], strides = [1, 1, 1]} : vector<4x8x512xf32> to vector<2x8x512xf32>
    %slice3A_352 = vector.extract_strided_slice %add3A_350 {offsets = [2, 0, 0], sizes = [2, 8, 512], strides = [1, 1, 1]} : vector<4x8x512xf32> to vector<2x8x512xf32>
    %add3A_353 = arith.addf %slice3A_351, %slice3A_352 : vector<2x8x512xf32>
    %slice3A_354 = vector.extract_strided_slice %add3A_353 {offsets = [0, 0, 0], sizes = [1, 8, 512], strides = [1, 1, 1]} : vector<2x8x512xf32> to vector<1x8x512xf32>
    %slice3A_355 = vector.extract_strided_slice %add3A_353 {offsets = [1, 0, 0], sizes = [1, 8, 512], strides = [1, 1, 1]} : vector<2x8x512xf32> to vector<1x8x512xf32>
    %add3A_356 = arith.addf %slice3A_354, %slice3A_355 : vector<1x8x512xf32>
    %add3A_357 = arith.addf %add3A_347, %add3A_356 : vector<1x8x512xf32>
    %slice3A_358 = vector.extract_strided_slice %mul3A_308 {offsets = [40, 0, 0], sizes = [4, 8, 512], strides = [1, 1, 1]} : vector<64x8x512xf32> to vector<4x8x512xf32>
    %slice3A_359 = vector.extract_strided_slice %mul3A_308 {offsets = [44, 0, 0], sizes = [4, 8, 512], strides = [1, 1, 1]} : vector<64x8x512xf32> to vector<4x8x512xf32>
    %add3A_360 = arith.addf %slice3A_358, %slice3A_359 : vector<4x8x512xf32>
    %slice3A_361 = vector.extract_strided_slice %add3A_360 {offsets = [0, 0, 0], sizes = [2, 8, 512], strides = [1, 1, 1]} : vector<4x8x512xf32> to vector<2x8x512xf32>
    %slice3A_362 = vector.extract_strided_slice %add3A_360 {offsets = [2, 0, 0], sizes = [2, 8, 512], strides = [1, 1, 1]} : vector<4x8x512xf32> to vector<2x8x512xf32>
    %add3A_363 = arith.addf %slice3A_361, %slice3A_362 : vector<2x8x512xf32>
    %slice3A_364 = vector.extract_strided_slice %add3A_363 {offsets = [0, 0, 0], sizes = [1, 8, 512], strides = [1, 1, 1]} : vector<2x8x512xf32> to vector<1x8x512xf32>
    %slice3A_365 = vector.extract_strided_slice %add3A_363 {offsets = [1, 0, 0], sizes = [1, 8, 512], strides = [1, 1, 1]} : vector<2x8x512xf32> to vector<1x8x512xf32>
    %add3A_366 = arith.addf %slice3A_364, %slice3A_365 : vector<1x8x512xf32>
    %add3A_367 = arith.addf %add3A_357, %add3A_366 : vector<1x8x512xf32>
    %slice3A_368 = vector.extract_strided_slice %mul3A_308 {offsets = [48, 0, 0], sizes = [4, 8, 512], strides = [1, 1, 1]} : vector<64x8x512xf32> to vector<4x8x512xf32>
    %slice3A_369 = vector.extract_strided_slice %mul3A_308 {offsets = [52, 0, 0], sizes = [4, 8, 512], strides = [1, 1, 1]} : vector<64x8x512xf32> to vector<4x8x512xf32>
    %add3A_370 = arith.addf %slice3A_368, %slice3A_369 : vector<4x8x512xf32>
    %slice3A_371 = vector.extract_strided_slice %add3A_370 {offsets = [0, 0, 0], sizes = [2, 8, 512], strides = [1, 1, 1]} : vector<4x8x512xf32> to vector<2x8x512xf32>
    %slice3A_372 = vector.extract_strided_slice %add3A_370 {offsets = [2, 0, 0], sizes = [2, 8, 512], strides = [1, 1, 1]} : vector<4x8x512xf32> to vector<2x8x512xf32>
    %add3A_373 = arith.addf %slice3A_371, %slice3A_372 : vector<2x8x512xf32>
    %slice3A_374 = vector.extract_strided_slice %add3A_373 {offsets = [0, 0, 0], sizes = [1, 8, 512], strides = [1, 1, 1]} : vector<2x8x512xf32> to vector<1x8x512xf32>
    %slice3A_375 = vector.extract_strided_slice %add3A_373 {offsets = [1, 0, 0], sizes = [1, 8, 512], strides = [1, 1, 1]} : vector<2x8x512xf32> to vector<1x8x512xf32>
    %add3A_376 = arith.addf %slice3A_374, %slice3A_375 : vector<1x8x512xf32>
    %add3A_377 = arith.addf %add3A_367, %add3A_376 : vector<1x8x512xf32>
    %slice3A_378 = vector.extract_strided_slice %mul3A_308 {offsets = [56, 0, 0], sizes = [4, 8, 512], strides = [1, 1, 1]} : vector<64x8x512xf32> to vector<4x8x512xf32>
    %slice3A_379 = vector.extract_strided_slice %mul3A_308 {offsets = [60, 0, 0], sizes = [4, 8, 512], strides = [1, 1, 1]} : vector<64x8x512xf32> to vector<4x8x512xf32>
    %add3A_380 = arith.addf %slice3A_378, %slice3A_379 : vector<4x8x512xf32>
    %slice3A_381 = vector.extract_strided_slice %add3A_380 {offsets = [0, 0, 0], sizes = [2, 8, 512], strides = [1, 1, 1]} : vector<4x8x512xf32> to vector<2x8x512xf32>
    %slice3A_382 = vector.extract_strided_slice %add3A_380 {offsets = [2, 0, 0], sizes = [2, 8, 512], strides = [1, 1, 1]} : vector<4x8x512xf32> to vector<2x8x512xf32>
    %add3A_383 = arith.addf %slice3A_381, %slice3A_382 : vector<2x8x512xf32>
    %slice3A_384 = vector.extract_strided_slice %add3A_383 {offsets = [0, 0, 0], sizes = [1, 8, 512], strides = [1, 1, 1]} : vector<2x8x512xf32> to vector<1x8x512xf32>
    %slice3A_385 = vector.extract_strided_slice %add3A_383 {offsets = [1, 0, 0], sizes = [1, 8, 512], strides = [1, 1, 1]} : vector<2x8x512xf32> to vector<1x8x512xf32>
    %add3A_386 = arith.addf %slice3A_384, %slice3A_385 : vector<1x8x512xf32>
    %add3A_387 = arith.addf %add3A_377, %add3A_386 : vector<1x8x512xf32>
    %reduce_min3A_388 = arith.constant dense<0x7F800000> : vector<1x8xf32>
    %reduce_min3A_389 = vector.multi_reduction <minimumf>, %add3A_387, %reduce_min3A_388 [2] : vector<1x8x512xf32> to vector<1x8xf32>
    %broadcast_in_dim3A_390 = vector.shape_cast %reduce_min3A_389 : vector<1x8xf32> to vector<1x8x1xf32>
    %eq3A_391 = vector.broadcast %broadcast_in_dim3A_390 : vector<1x8x1xf32> to vector<1x8x512xf32>
    %eq3A_392 = arith.cmpf oeq, %add3A_387, %eq3A_391 : vector<1x8x512xf32>
    %jit3A_393 = arith.constant 512 : i32
    %broadcast_in_dim3A_394 = vector.broadcast %jit3A_393 : i32 to vector<1x8x512xi32>
    %select_n3A_395 = arith.select %eq3A_392, %iota3A, %broadcast_in_dim3A_394 : vector<1x8x512xi1>, vector<1x8x512xi32>
    %reduce_min3A_396 = arith.constant dense<2147483647> : vector<1x8xi32>
    %reduce_min3A_397 = vector.multi_reduction <minsi>, %select_n3A_395, %reduce_min3A_396 [2] : vector<1x8x512xi32> to vector<1x8xi32>
    %broadcast_in_dim3A_398 = vector.shape_cast %reduce_min3A_397 : vector<1x8xi32> to vector<1x8x1xi32>
    %reshape3A_399 = vector.shape_cast %broadcast_in_dim3A_398 : vector<1x8x1xi32> to vector<8x1xi32>
    %swap3A_400 = arith.constant 24 : index
    %swap3A_401 = arith.constant 0 : index
    %swap3A_402 = vector.load %arg2[%swap3A_400, %swap3A_401] : memref<128x1xi32, #tpu.memory_space<vmem>>, vector<8x1xi32>
    tpu.vector_store %arg2[%swap3A_400, %swap3A_401], %reshape3A_399 {strides = array<i32>} : memref<128x1xi32, #tpu.memory_space<vmem>>, vector<8x1xi32>,
    %get3A_403 = arith.constant 0 : index
    %get3A_404 = arith.constant 32 : index
    %get3A_405 = vector.load %arg0[%get3A_403, %get3A_404] : memref<64x128xf32, #tpu.memory_space<vmem>>, vector<64x8xf32>
    %broadcast_in_dim3A_406 = vector.shape_cast %get3A_405 : vector<64x8xf32> to vector<64x8x1xf32>
    %broadcast_in_dim3A_407 = vector.shape_cast %get3A_1 : vector<64x512xf32> to vector<64x1x512xf32>
    %sub3A_408 = vector.broadcast %broadcast_in_dim3A_406 : vector<64x8x1xf32> to vector<64x8x512xf32>
    %sub3A_409 = vector.broadcast %broadcast_in_dim3A_407 : vector<64x1x512xf32> to vector<64x8x512xf32>
    %sub3A_410 = arith.subf %sub3A_408, %sub3A_409 : vector<64x8x512xf32>
    %mul3A_411 = arith.mulf %sub3A_410, %sub3A_410 : vector<64x8x512xf32>
    %slice3A_412 = vector.extract_strided_slice %mul3A_411 {offsets = [0, 0, 0], sizes = [4, 8, 512], strides = [1, 1, 1]} : vector<64x8x512xf32> to vector<4x8x512xf32>
    %slice3A_413 = vector.extract_strided_slice %mul3A_411 {offsets = [4, 0, 0], sizes = [4, 8, 512], strides = [1, 1, 1]} : vector<64x8x512xf32> to vector<4x8x512xf32>
    %add3A_414 = arith.addf %slice3A_412, %slice3A_413 : vector<4x8x512xf32>
    %slice3A_415 = vector.extract_strided_slice %add3A_414 {offsets = [0, 0, 0], sizes = [2, 8, 512], strides = [1, 1, 1]} : vector<4x8x512xf32> to vector<2x8x512xf32>
    %slice3A_416 = vector.extract_strided_slice %add3A_414 {offsets = [2, 0, 0], sizes = [2, 8, 512], strides = [1, 1, 1]} : vector<4x8x512xf32> to vector<2x8x512xf32>
    %add3A_417 = arith.addf %slice3A_415, %slice3A_416 : vector<2x8x512xf32>
    %slice3A_418 = vector.extract_strided_slice %add3A_417 {offsets = [0, 0, 0], sizes = [1, 8, 512], strides = [1, 1, 1]} : vector<2x8x512xf32> to vector<1x8x512xf32>
    %slice3A_419 = vector.extract_strided_slice %add3A_417 {offsets = [1, 0, 0], sizes = [1, 8, 512], strides = [1, 1, 1]} : vector<2x8x512xf32> to vector<1x8x512xf32>
    %add3A_420 = arith.addf %slice3A_418, %slice3A_419 : vector<1x8x512xf32>
    %slice3A_421 = vector.extract_strided_slice %mul3A_411 {offsets = [8, 0, 0], sizes = [4, 8, 512], strides = [1, 1, 1]} : vector<64x8x512xf32> to vector<4x8x512xf32>
    %slice3A_422 = vector.extract_strided_slice %mul3A_411 {offsets = [12, 0, 0], sizes = [4, 8, 512], strides = [1, 1, 1]} : vector<64x8x512xf32> to vector<4x8x512xf32>
    %add3A_423 = arith.addf %slice3A_421, %slice3A_422 : vector<4x8x512xf32>
    %slice3A_424 = vector.extract_strided_slice %add3A_423 {offsets = [0, 0, 0], sizes = [2, 8, 512], strides = [1, 1, 1]} : vector<4x8x512xf32> to vector<2x8x512xf32>
    %slice3A_425 = vector.extract_strided_slice %add3A_423 {offsets = [2, 0, 0], sizes = [2, 8, 512], strides = [1, 1, 1]} : vector<4x8x512xf32> to vector<2x8x512xf32>
    %add3A_426 = arith.addf %slice3A_424, %slice3A_425 : vector<2x8x512xf32>
    %slice3A_427 = vector.extract_strided_slice %add3A_426 {offsets = [0, 0, 0], sizes = [1, 8, 512], strides = [1, 1, 1]} : vector<2x8x512xf32> to vector<1x8x512xf32>
    %slice3A_428 = vector.extract_strided_slice %add3A_426 {offsets = [1, 0, 0], sizes = [1, 8, 512], strides = [1, 1, 1]} : vector<2x8x512xf32> to vector<1x8x512xf32>
    %add3A_429 = arith.addf %slice3A_427, %slice3A_428 : vector<1x8x512xf32>
    %add3A_430 = arith.addf %add3A_420, %add3A_429 : vector<1x8x512xf32>
    %slice3A_431 = vector.extract_strided_slice %mul3A_411 {offsets = [16, 0, 0], sizes = [4, 8, 512], strides = [1, 1, 1]} : vector<64x8x512xf32> to vector<4x8x512xf32>
    %slice3A_432 = vector.extract_strided_slice %mul3A_411 {offsets = [20, 0, 0], sizes = [4, 8, 512], strides = [1, 1, 1]} : vector<64x8x512xf32> to vector<4x8x512xf32>
    %add3A_433 = arith.addf %slice3A_431, %slice3A_432 : vector<4x8x512xf32>
    %slice3A_434 = vector.extract_strided_slice %add3A_433 {offsets = [0, 0, 0], sizes = [2, 8, 512], strides = [1, 1, 1]} : vector<4x8x512xf32> to vector<2x8x512xf32>
    %slice3A_435 = vector.extract_strided_slice %add3A_433 {offsets = [2, 0, 0], sizes = [2, 8, 512], strides = [1, 1, 1]} : vector<4x8x512xf32> to vector<2x8x512xf32>
    %add3A_436 = arith.addf %slice3A_434, %slice3A_435 : vector<2x8x512xf32>
    %slice3A_437 = vector.extract_strided_slice %add3A_436 {offsets = [0, 0, 0], sizes = [1, 8, 512], strides = [1, 1, 1]} : vector<2x8x512xf32> to vector<1x8x512xf32>
    %slice3A_438 = vector.extract_strided_slice %add3A_436 {offsets = [1, 0, 0], sizes = [1, 8, 512], strides = [1, 1, 1]} : vector<2x8x512xf32> to vector<1x8x512xf32>
    %add3A_439 = arith.addf %slice3A_437, %slice3A_438 : vector<1x8x512xf32>
    %add3A_440 = arith.addf %add3A_430, %add3A_439 : vector<1x8x512xf32>
    %slice3A_441 = vector.extract_strided_slice %mul3A_411 {offsets = [24, 0, 0], sizes = [4, 8, 512], strides = [1, 1, 1]} : vector<64x8x512xf32> to vector<4x8x512xf32>
    %slice3A_442 = vector.extract_strided_slice %mul3A_411 {offsets = [28, 0, 0], sizes = [4, 8, 512], strides = [1, 1, 1]} : vector<64x8x512xf32> to vector<4x8x512xf32>
    %add3A_443 = arith.addf %slice3A_441, %slice3A_442 : vector<4x8x512xf32>
    %slice3A_444 = vector.extract_strided_slice %add3A_443 {offsets = [0, 0, 0], sizes = [2, 8, 512], strides = [1, 1, 1]} : vector<4x8x512xf32> to vector<2x8x512xf32>
    %slice3A_445 = vector.extract_strided_slice %add3A_443 {offsets = [2, 0, 0], sizes = [2, 8, 512], strides = [1, 1, 1]} : vector<4x8x512xf32> to vector<2x8x512xf32>
    %add3A_446 = arith.addf %slice3A_444, %slice3A_445 : vector<2x8x512xf32>
    %slice3A_447 = vector.extract_strided_slice %add3A_446 {offsets = [0, 0, 0], sizes = [1, 8, 512], strides = [1, 1, 1]} : vector<2x8x512xf32> to vector<1x8x512xf32>
    %slice3A_448 = vector.extract_strided_slice %add3A_446 {offsets = [1, 0, 0], sizes = [1, 8, 512], strides = [1, 1, 1]} : vector<2x8x512xf32> to vector<1x8x512xf32>
    %add3A_449 = arith.addf %slice3A_447, %slice3A_448 : vector<1x8x512xf32>
    %add3A_450 = arith.addf %add3A_440, %add3A_449 : vector<1x8x512xf32>
    %slice3A_451 = vector.extract_strided_slice %mul3A_411 {offsets = [32, 0, 0], sizes = [4, 8, 512], strides = [1, 1, 1]} : vector<64x8x512xf32> to vector<4x8x512xf32>
    %slice3A_452 = vector.extract_strided_slice %mul3A_411 {offsets = [36, 0, 0], sizes = [4, 8, 512], strides = [1, 1, 1]} : vector<64x8x512xf32> to vector<4x8x512xf32>
    %add3A_453 = arith.addf %slice3A_451, %slice3A_452 : vector<4x8x512xf32>
    %slice3A_454 = vector.extract_strided_slice %add3A_453 {offsets = [0, 0, 0], sizes = [2, 8, 512], strides = [1, 1, 1]} : vector<4x8x512xf32> to vector<2x8x512xf32>
    %slice3A_455 = vector.extract_strided_slice %add3A_453 {offsets = [2, 0, 0], sizes = [2, 8, 512], strides = [1, 1, 1]} : vector<4x8x512xf32> to vector<2x8x512xf32>
    %add3A_456 = arith.addf %slice3A_454, %slice3A_455 : vector<2x8x512xf32>
    %slice3A_457 = vector.extract_strided_slice %add3A_456 {offsets = [0, 0, 0], sizes = [1, 8, 512], strides = [1, 1, 1]} : vector<2x8x512xf32> to vector<1x8x512xf32>
    %slice3A_458 = vector.extract_strided_slice %add3A_456 {offsets = [1, 0, 0], sizes = [1, 8, 512], strides = [1, 1, 1]} : vector<2x8x512xf32> to vector<1x8x512xf32>
    %add3A_459 = arith.addf %slice3A_457, %slice3A_458 : vector<1x8x512xf32>
    %add3A_460 = arith.addf %add3A_450, %add3A_459 : vector<1x8x512xf32>
    %slice3A_461 = vector.extract_strided_slice %mul3A_411 {offsets = [40, 0, 0], sizes = [4, 8, 512], strides = [1, 1, 1]} : vector<64x8x512xf32> to vector<4x8x512xf32>
    %slice3A_462 = vector.extract_strided_slice %mul3A_411 {offsets = [44, 0, 0], sizes = [4, 8, 512], strides = [1, 1, 1]} : vector<64x8x512xf32> to vector<4x8x512xf32>
    %add3A_463 = arith.addf %slice3A_461, %slice3A_462 : vector<4x8x512xf32>
    %slice3A_464 = vector.extract_strided_slice %add3A_463 {offsets = [0, 0, 0], sizes = [2, 8, 512], strides = [1, 1, 1]} : vector<4x8x512xf32> to vector<2x8x512xf32>
    %slice3A_465 = vector.extract_strided_slice %add3A_463 {offsets = [2, 0, 0], sizes = [2, 8, 512], strides = [1, 1, 1]} : vector<4x8x512xf32> to vector<2x8x512xf32>
    %add3A_466 = arith.addf %slice3A_464, %slice3A_465 : vector<2x8x512xf32>
    %slice3A_467 = vector.extract_strided_slice %add3A_466 {offsets = [0, 0, 0], sizes = [1, 8, 512], strides = [1, 1, 1]} : vector<2x8x512xf32> to vector<1x8x512xf32>
    %slice3A_468 = vector.extract_strided_slice %add3A_466 {offsets = [1, 0, 0], sizes = [1, 8, 512], strides = [1, 1, 1]} : vector<2x8x512xf32> to vector<1x8x512xf32>
    %add3A_469 = arith.addf %slice3A_467, %slice3A_468 : vector<1x8x512xf32>
    %add3A_470 = arith.addf %add3A_460, %add3A_469 : vector<1x8x512xf32>
    %slice3A_471 = vector.extract_strided_slice %mul3A_411 {offsets = [48, 0, 0], sizes = [4, 8, 512], strides = [1, 1, 1]} : vector<64x8x512xf32> to vector<4x8x512xf32>
    %slice3A_472 = vector.extract_strided_slice %mul3A_411 {offsets = [52, 0, 0], sizes = [4, 8, 512], strides = [1, 1, 1]} : vector<64x8x512xf32> to vector<4x8x512xf32>
    %add3A_473 = arith.addf %slice3A_471, %slice3A_472 : vector<4x8x512xf32>
    %slice3A_474 = vector.extract_strided_slice %add3A_473 {offsets = [0, 0, 0], sizes = [2, 8, 512], strides = [1, 1, 1]} : vector<4x8x512xf32> to vector<2x8x512xf32>
    %slice3A_475 = vector.extract_strided_slice %add3A_473 {offsets = [2, 0, 0], sizes = [2, 8, 512], strides = [1, 1, 1]} : vector<4x8x512xf32> to vector<2x8x512xf32>
    %add3A_476 = arith.addf %slice3A_474, %slice3A_475 : vector<2x8x512xf32>
    %slice3A_477 = vector.extract_strided_slice %add3A_476 {offsets = [0, 0, 0], sizes = [1, 8, 512], strides = [1, 1, 1]} : vector<2x8x512xf32> to vector<1x8x512xf32>
    %slice3A_478 = vector.extract_strided_slice %add3A_476 {offsets = [1, 0, 0], sizes = [1, 8, 512], strides = [1, 1, 1]} : vector<2x8x512xf32> to vector<1x8x512xf32>
    %add3A_479 = arith.addf %slice3A_477, %slice3A_478 : vector<1x8x512xf32>
    %add3A_480 = arith.addf %add3A_470, %add3A_479 : vector<1x8x512xf32>
    %slice3A_481 = vector.extract_strided_slice %mul3A_411 {offsets = [56, 0, 0], sizes = [4, 8, 512], strides = [1, 1, 1]} : vector<64x8x512xf32> to vector<4x8x512xf32>
    %slice3A_482 = vector.extract_strided_slice %mul3A_411 {offsets = [60, 0, 0], sizes = [4, 8, 512], strides = [1, 1, 1]} : vector<64x8x512xf32> to vector<4x8x512xf32>
    %add3A_483 = arith.addf %slice3A_481, %slice3A_482 : vector<4x8x512xf32>
    %slice3A_484 = vector.extract_strided_slice %add3A_483 {offsets = [0, 0, 0], sizes = [2, 8, 512], strides = [1, 1, 1]} : vector<4x8x512xf32> to vector<2x8x512xf32>
    %slice3A_485 = vector.extract_strided_slice %add3A_483 {offsets = [2, 0, 0], sizes = [2, 8, 512], strides = [1, 1, 1]} : vector<4x8x512xf32> to vector<2x8x512xf32>
    %add3A_486 = arith.addf %slice3A_484, %slice3A_485 : vector<2x8x512xf32>
    %slice3A_487 = vector.extract_strided_slice %add3A_486 {offsets = [0, 0, 0], sizes = [1, 8, 512], strides = [1, 1, 1]} : vector<2x8x512xf32> to vector<1x8x512xf32>
    %slice3A_488 = vector.extract_strided_slice %add3A_486 {offsets = [1, 0, 0], sizes = [1, 8, 512], strides = [1, 1, 1]} : vector<2x8x512xf32> to vector<1x8x512xf32>
    %add3A_489 = arith.addf %slice3A_487, %slice3A_488 : vector<1x8x512xf32>
    %add3A_490 = arith.addf %add3A_480, %add3A_489 : vector<1x8x512xf32>
    %reduce_min3A_491 = arith.constant dense<0x7F800000> : vector<1x8xf32>
    %reduce_min3A_492 = vector.multi_reduction <minimumf>, %add3A_490, %reduce_min3A_491 [2] : vector<1x8x512xf32> to vector<1x8xf32>
    %broadcast_in_dim3A_493 = vector.shape_cast %reduce_min3A_492 : vector<1x8xf32> to vector<1x8x1xf32>
    %eq3A_494 = vector.broadcast %broadcast_in_dim3A_493 : vector<1x8x1xf32> to vector<1x8x512xf32>
    %eq3A_495 = arith.cmpf oeq, %add3A_490, %eq3A_494 : vector<1x8x512xf32>
    %jit3A_496 = arith.constant 512 : i32
    %broadcast_in_dim3A_497 = vector.broadcast %jit3A_496 : i32 to vector<1x8x512xi32>
    %select_n3A_498 = arith.select %eq3A_495, %iota3A, %broadcast_in_dim3A_497 : vector<1x8x512xi1>, vector<1x8x512xi32>
    %reduce_min3A_499 = arith.constant dense<2147483647> : vector<1x8xi32>
    %reduce_min3A_500 = vector.multi_reduction <minsi>, %select_n3A_498, %reduce_min3A_499 [2] : vector<1x8x512xi32> to vector<1x8xi32>
    %broadcast_in_dim3A_501 = vector.shape_cast %reduce_min3A_500 : vector<1x8xi32> to vector<1x8x1xi32>
    %reshape3A_502 = vector.shape_cast %broadcast_in_dim3A_501 : vector<1x8x1xi32> to vector<8x1xi32>
    %swap3A_503 = arith.constant 32 : index
    %swap3A_504 = arith.constant 0 : index
    %swap3A_505 = vector.load %arg2[%swap3A_503, %swap3A_504] : memref<128x1xi32, #tpu.memory_space<vmem>>, vector<8x1xi32>
    tpu.vector_store %arg2[%swap3A_503, %swap3A_504], %reshape3A_502 {strides = array<i32>} : memref<128x1xi32, #tpu.memory_space<vmem>>, vector<8x1xi32>,
    %get3A_506 = arith.constant 0 : index
    %get3A_507 = arith.constant 40 : index
    %get3A_508 = vector.load %arg0[%get3A_506, %get3A_507] : memref<64x128xf32, #tpu.memory_space<vmem>>, vector<64x8xf32>
    %broadcast_in_dim3A_509 = vector.shape_cast %get3A_508 : vector<64x8xf32> to vector<64x8x1xf32>
    %broadcast_in_dim3A_510 = vector.shape_cast %get3A_1 : vector<64x512xf32> to vector<64x1x512xf32>
    %sub3A_511 = vector.broadcast %broadcast_in_dim3A_509 : vector<64x8x1xf32> to vector<64x8x512xf32>
    %sub3A_512 = vector.broadcast %broadcast_in_dim3A_510 : vector<64x1x512xf32> to vector<64x8x512xf32>
    %sub3A_513 = arith.subf %sub3A_511, %sub3A_512 : vector<64x8x512xf32>
    %mul3A_514 = arith.mulf %sub3A_513, %sub3A_513 : vector<64x8x512xf32>
    %slice3A_515 = vector.extract_strided_slice %mul3A_514 {offsets = [0, 0, 0], sizes = [4, 8, 512], strides = [1, 1, 1]} : vector<64x8x512xf32> to vector<4x8x512xf32>
    %slice3A_516 = vector.extract_strided_slice %mul3A_514 {offsets = [4, 0, 0], sizes = [4, 8, 512], strides = [1, 1, 1]} : vector<64x8x512xf32> to vector<4x8x512xf32>
    %add3A_517 = arith.addf %slice3A_515, %slice3A_516 : vector<4x8x512xf32>
    %slice3A_518 = vector.extract_strided_slice %add3A_517 {offsets = [0, 0, 0], sizes = [2, 8, 512], strides = [1, 1, 1]} : vector<4x8x512xf32> to vector<2x8x512xf32>
    %slice3A_519 = vector.extract_strided_slice %add3A_517 {offsets = [2, 0, 0], sizes = [2, 8, 512], strides = [1, 1, 1]} : vector<4x8x512xf32> to vector<2x8x512xf32>
    %add3A_520 = arith.addf %slice3A_518, %slice3A_519 : vector<2x8x512xf32>
    %slice3A_521 = vector.extract_strided_slice %add3A_520 {offsets = [0, 0, 0], sizes = [1, 8, 512], strides = [1, 1, 1]} : vector<2x8x512xf32> to vector<1x8x512xf32>
    %slice3A_522 = vector.extract_strided_slice %add3A_520 {offsets = [1, 0, 0], sizes = [1, 8, 512], strides = [1, 1, 1]} : vector<2x8x512xf32> to vector<1x8x512xf32>
    %add3A_523 = arith.addf %slice3A_521, %slice3A_522 : vector<1x8x512xf32>
    %slice3A_524 = vector.extract_strided_slice %mul3A_514 {offsets = [8, 0, 0], sizes = [4, 8, 512], strides = [1, 1, 1]} : vector<64x8x512xf32> to vector<4x8x512xf32>
    %slice3A_525 = vector.extract_strided_slice %mul3A_514 {offsets = [12, 0, 0], sizes = [4, 8, 512], strides = [1, 1, 1]} : vector<64x8x512xf32> to vector<4x8x512xf32>
    %add3A_526 = arith.addf %slice3A_524, %slice3A_525 : vector<4x8x512xf32>
    %slice3A_527 = vector.extract_strided_slice %add3A_526 {offsets = [0, 0, 0], sizes = [2, 8, 512], strides = [1, 1, 1]} : vector<4x8x512xf32> to vector<2x8x512xf32>
    %slice3A_528 = vector.extract_strided_slice %add3A_526 {offsets = [2, 0, 0], sizes = [2, 8, 512], strides = [1, 1, 1]} : vector<4x8x512xf32> to vector<2x8x512xf32>
    %add3A_529 = arith.addf %slice3A_527, %slice3A_528 : vector<2x8x512xf32>
    %slice3A_530 = vector.extract_strided_slice %add3A_529 {offsets = [0, 0, 0], sizes = [1, 8, 512], strides = [1, 1, 1]} : vector<2x8x512xf32> to vector<1x8x512xf32>
    %slice3A_531 = vector.extract_strided_slice %add3A_529 {offsets = [1, 0, 0], sizes = [1, 8, 512], strides = [1, 1, 1]} : vector<2x8x512xf32> to vector<1x8x512xf32>
    %add3A_532 = arith.addf %slice3A_530, %slice3A_531 : vector<1x8x512xf32>
    %add3A_533 = arith.addf %add3A_523, %add3A_532 : vector<1x8x512xf32>
    %slice3A_534 = vector.extract_strided_slice %mul3A_514 {offsets = [16, 0, 0], sizes = [4, 8, 512], strides = [1, 1, 1]} : vector<64x8x512xf32> to vector<4x8x512xf32>
    %slice3A_535 = vector.extract_strided_slice %mul3A_514 {offsets = [20, 0, 0], sizes = [4, 8, 512], strides = [1, 1, 1]} : vector<64x8x512xf32> to vector<4x8x512xf32>
    %add3A_536 = arith.addf %slice3A_534, %slice3A_535 : vector<4x8x512xf32>
    %slice3A_537 = vector.extract_strided_slice %add3A_536 {offsets = [0, 0, 0], sizes = [2, 8, 512], strides = [1, 1, 1]} : vector<4x8x512xf32> to vector<2x8x512xf32>
    %slice3A_538 = vector.extract_strided_slice %add3A_536 {offsets = [2, 0, 0], sizes = [2, 8, 512], strides = [1, 1, 1]} : vector<4x8x512xf32> to vector<2x8x512xf32>
    %add3A_539 = arith.addf %slice3A_537, %slice3A_538 : vector<2x8x512xf32>
    %slice3A_540 = vector.extract_strided_slice %add3A_539 {offsets = [0, 0, 0], sizes = [1, 8, 512], strides = [1, 1, 1]} : vector<2x8x512xf32> to vector<1x8x512xf32>
    %slice3A_541 = vector.extract_strided_slice %add3A_539 {offsets = [1, 0, 0], sizes = [1, 8, 512], strides = [1, 1, 1]} : vector<2x8x512xf32> to vector<1x8x512xf32>
    %add3A_542 = arith.addf %slice3A_540, %slice3A_541 : vector<1x8x512xf32>
    %add3A_543 = arith.addf %add3A_533, %add3A_542 : vector<1x8x512xf32>
    %slice3A_544 = vector.extract_strided_slice %mul3A_514 {offsets = [24, 0, 0], sizes = [4, 8, 512], strides = [1, 1, 1]} : vector<64x8x512xf32> to vector<4x8x512xf32>
    %slice3A_545 = vector.extract_strided_slice %mul3A_514 {offsets = [28, 0, 0], sizes = [4, 8, 512], strides = [1, 1, 1]} : vector<64x8x512xf32> to vector<4x8x512xf32>
    %add3A_546 = arith.addf %slice3A_544, %slice3A_545 : vector<4x8x512xf32>
    %slice3A_547 = vector.extract_strided_slice %add3A_546 {offsets = [0, 0, 0], sizes = [2, 8, 512], strides = [1, 1, 1]} : vector<4x8x512xf32> to vector<2x8x512xf32>
    %slice3A_548 = vector.extract_strided_slice %add3A_546 {offsets = [2, 0, 0], sizes = [2, 8, 512], strides = [1, 1, 1]} : vector<4x8x512xf32> to vector<2x8x512xf32>
    %add3A_549 = arith.addf %slice3A_547, %slice3A_548 : vector<2x8x512xf32>
    %slice3A_550 = vector.extract_strided_slice %add3A_549 {offsets = [0, 0, 0], sizes = [1, 8, 512], strides = [1, 1, 1]} : vector<2x8x512xf32> to vector<1x8x512xf32>
    %slice3A_551 = vector.extract_strided_slice %add3A_549 {offsets = [1, 0, 0], sizes = [1, 8, 512], strides = [1, 1, 1]} : vector<2x8x512xf32> to vector<1x8x512xf32>
    %add3A_552 = arith.addf %slice3A_550, %slice3A_551 : vector<1x8x512xf32>
    %add3A_553 = arith.addf %add3A_543, %add3A_552 : vector<1x8x512xf32>
    %slice3A_554 = vector.extract_strided_slice %mul3A_514 {offsets = [32, 0, 0], sizes = [4, 8, 512], strides = [1, 1, 1]} : vector<64x8x512xf32> to vector<4x8x512xf32>
    %slice3A_555 = vector.extract_strided_slice %mul3A_514 {offsets = [36, 0, 0], sizes = [4, 8, 512], strides = [1, 1, 1]} : vector<64x8x512xf32> to vector<4x8x512xf32>
    %add3A_556 = arith.addf %slice3A_554, %slice3A_555 : vector<4x8x512xf32>
    %slice3A_557 = vector.extract_strided_slice %add3A_556 {offsets = [0, 0, 0], sizes = [2, 8, 512], strides = [1, 1, 1]} : vector<4x8x512xf32> to vector<2x8x512xf32>
    %slice3A_558 = vector.extract_strided_slice %add3A_556 {offsets = [2, 0, 0], sizes = [2, 8, 512], strides = [1, 1, 1]} : vector<4x8x512xf32> to vector<2x8x512xf32>
    %add3A_559 = arith.addf %slice3A_557, %slice3A_558 : vector<2x8x512xf32>
    %slice3A_560 = vector.extract_strided_slice %add3A_559 {offsets = [0, 0, 0], sizes = [1, 8, 512], strides = [1, 1, 1]} : vector<2x8x512xf32> to vector<1x8x512xf32>
    %slice3A_561 = vector.extract_strided_slice %add3A_559 {offsets = [1, 0, 0], sizes = [1, 8, 512], strides = [1, 1, 1]} : vector<2x8x512xf32> to vector<1x8x512xf32>
    %add3A_562 = arith.addf %slice3A_560, %slice3A_561 : vector<1x8x512xf32>
    %add3A_563 = arith.addf %add3A_553, %add3A_562 : vector<1x8x512xf32>
    %slice3A_564 = vector.extract_strided_slice %mul3A_514 {offsets = [40, 0, 0], sizes = [4, 8, 512], strides = [1, 1, 1]} : vector<64x8x512xf32> to vector<4x8x512xf32>
    %slice3A_565 = vector.extract_strided_slice %mul3A_514 {offsets = [44, 0, 0], sizes = [4, 8, 512], strides = [1, 1, 1]} : vector<64x8x512xf32> to vector<4x8x512xf32>
    %add3A_566 = arith.addf %slice3A_564, %slice3A_565 : vector<4x8x512xf32>
    %slice3A_567 = vector.extract_strided_slice %add3A_566 {offsets = [0, 0, 0], sizes = [2, 8, 512], strides = [1, 1, 1]} : vector<4x8x512xf32> to vector<2x8x512xf32>
    %slice3A_568 = vector.extract_strided_slice %add3A_566 {offsets = [2, 0, 0], sizes = [2, 8, 512], strides = [1, 1, 1]} : vector<4x8x512xf32> to vector<2x8x512xf32>
    %add3A_569 = arith.addf %slice3A_567, %slice3A_568 : vector<2x8x512xf32>
    %slice3A_570 = vector.extract_strided_slice %add3A_569 {offsets = [0, 0, 0], sizes = [1, 8, 512], strides = [1, 1, 1]} : vector<2x8x512xf32> to vector<1x8x512xf32>
    %slice3A_571 = vector.extract_strided_slice %add3A_569 {offsets = [1, 0, 0], sizes = [1, 8, 512], strides = [1, 1, 1]} : vector<2x8x512xf32> to vector<1x8x512xf32>
    %add3A_572 = arith.addf %slice3A_570, %slice3A_571 : vector<1x8x512xf32>
    %add3A_573 = arith.addf %add3A_563, %add3A_572 : vector<1x8x512xf32>
    %slice3A_574 = vector.extract_strided_slice %mul3A_514 {offsets = [48, 0, 0], sizes = [4, 8, 512], strides = [1, 1, 1]} : vector<64x8x512xf32> to vector<4x8x512xf32>
    %slice3A_575 = vector.extract_strided_slice %mul3A_514 {offsets = [52, 0, 0], sizes = [4, 8, 512], strides = [1, 1, 1]} : vector<64x8x512xf32> to vector<4x8x512xf32>
    %add3A_576 = arith.addf %slice3A_574, %slice3A_575 : vector<4x8x512xf32>
    %slice3A_577 = vector.extract_strided_slice %add3A_576 {offsets = [0, 0, 0], sizes = [2, 8, 512], strides = [1, 1, 1]} : vector<4x8x512xf32> to vector<2x8x512xf32>
    %slice3A_578 = vector.extract_strided_slice %add3A_576 {offsets = [2, 0, 0], sizes = [2, 8, 512], strides = [1, 1, 1]} : vector<4x8x512xf32> to vector<2x8x512xf32>
    %add3A_579 = arith.addf %slice3A_577, %slice3A_578 : vector<2x8x512xf32>
    %slice3A_580 = vector.extract_strided_slice %add3A_579 {offsets = [0, 0, 0], sizes = [1, 8, 512], strides = [1, 1, 1]} : vector<2x8x512xf32> to vector<1x8x512xf32>
    %slice3A_581 = vector.extract_strided_slice %add3A_579 {offsets = [1, 0, 0], sizes = [1, 8, 512], strides = [1, 1, 1]} : vector<2x8x512xf32> to vector<1x8x512xf32>
    %add3A_582 = arith.addf %slice3A_580, %slice3A_581 : vector<1x8x512xf32>
    %add3A_583 = arith.addf %add3A_573, %add3A_582 : vector<1x8x512xf32>
    %slice3A_584 = vector.extract_strided_slice %mul3A_514 {offsets = [56, 0, 0], sizes = [4, 8, 512], strides = [1, 1, 1]} : vector<64x8x512xf32> to vector<4x8x512xf32>
    %slice3A_585 = vector.extract_strided_slice %mul3A_514 {offsets = [60, 0, 0], sizes = [4, 8, 512], strides = [1, 1, 1]} : vector<64x8x512xf32> to vector<4x8x512xf32>
    %add3A_586 = arith.addf %slice3A_584, %slice3A_585 : vector<4x8x512xf32>
    %slice3A_587 = vector.extract_strided_slice %add3A_586 {offsets = [0, 0, 0], sizes = [2, 8, 512], strides = [1, 1, 1]} : vector<4x8x512xf32> to vector<2x8x512xf32>
    %slice3A_588 = vector.extract_strided_slice %add3A_586 {offsets = [2, 0, 0], sizes = [2, 8, 512], strides = [1, 1, 1]} : vector<4x8x512xf32> to vector<2x8x512xf32>
    %add3A_589 = arith.addf %slice3A_587, %slice3A_588 : vector<2x8x512xf32>
    %slice3A_590 = vector.extract_strided_slice %add3A_589 {offsets = [0, 0, 0], sizes = [1, 8, 512], strides = [1, 1, 1]} : vector<2x8x512xf32> to vector<1x8x512xf32>
    %slice3A_591 = vector.extract_strided_slice %add3A_589 {offsets = [1, 0, 0], sizes = [1, 8, 512], strides = [1, 1, 1]} : vector<2x8x512xf32> to vector<1x8x512xf32>
    %add3A_592 = arith.addf %slice3A_590, %slice3A_591 : vector<1x8x512xf32>
    %add3A_593 = arith.addf %add3A_583, %add3A_592 : vector<1x8x512xf32>
    %reduce_min3A_594 = arith.constant dense<0x7F800000> : vector<1x8xf32>
    %reduce_min3A_595 = vector.multi_reduction <minimumf>, %add3A_593, %reduce_min3A_594 [2] : vector<1x8x512xf32> to vector<1x8xf32>
    %broadcast_in_dim3A_596 = vector.shape_cast %reduce_min3A_595 : vector<1x8xf32> to vector<1x8x1xf32>
    %eq3A_597 = vector.broadcast %broadcast_in_dim3A_596 : vector<1x8x1xf32> to vector<1x8x512xf32>
    %eq3A_598 = arith.cmpf oeq, %add3A_593, %eq3A_597 : vector<1x8x512xf32>
    %jit3A_599 = arith.constant 512 : i32
    %broadcast_in_dim3A_600 = vector.broadcast %jit3A_599 : i32 to vector<1x8x512xi32>
    %select_n3A_601 = arith.select %eq3A_598, %iota3A, %broadcast_in_dim3A_600 : vector<1x8x512xi1>, vector<1x8x512xi32>
    %reduce_min3A_602 = arith.constant dense<2147483647> : vector<1x8xi32>
    %reduce_min3A_603 = vector.multi_reduction <minsi>, %select_n3A_601, %reduce_min3A_602 [2] : vector<1x8x512xi32> to vector<1x8xi32>
    %broadcast_in_dim3A_604 = vector.shape_cast %reduce_min3A_603 : vector<1x8xi32> to vector<1x8x1xi32>
    %reshape3A_605 = vector.shape_cast %broadcast_in_dim3A_604 : vector<1x8x1xi32> to vector<8x1xi32>
    %swap3A_606 = arith.constant 40 : index
    %swap3A_607 = arith.constant 0 : index
    %swap3A_608 = vector.load %arg2[%swap3A_606, %swap3A_607] : memref<128x1xi32, #tpu.memory_space<vmem>>, vector<8x1xi32>
    tpu.vector_store %arg2[%swap3A_606, %swap3A_607], %reshape3A_605 {strides = array<i32>} : memref<128x1xi32, #tpu.memory_space<vmem>>, vector<8x1xi32>,
    %get3A_609 = arith.constant 0 : index
    %get3A_610 = arith.constant 48 : index
    %get3A_611 = vector.load %arg0[%get3A_609, %get3A_610] : memref<64x128xf32, #tpu.memory_space<vmem>>, vector<64x8xf32>
    %broadcast_in_dim3A_612 = vector.shape_cast %get3A_611 : vector<64x8xf32> to vector<64x8x1xf32>
    %broadcast_in_dim3A_613 = vector.shape_cast %get3A_1 : vector<64x512xf32> to vector<64x1x512xf32>
    %sub3A_614 = vector.broadcast %broadcast_in_dim3A_612 : vector<64x8x1xf32> to vector<64x8x512xf32>
    %sub3A_615 = vector.broadcast %broadcast_in_dim3A_613 : vector<64x1x512xf32> to vector<64x8x512xf32>
    %sub3A_616 = arith.subf %sub3A_614, %sub3A_615 : vector<64x8x512xf32>
    %mul3A_617 = arith.mulf %sub3A_616, %sub3A_616 : vector<64x8x512xf32>
    %slice3A_618 = vector.extract_strided_slice %mul3A_617 {offsets = [0, 0, 0], sizes = [4, 8, 512], strides = [1, 1, 1]} : vector<64x8x512xf32> to vector<4x8x512xf32>
    %slice3A_619 = vector.extract_strided_slice %mul3A_617 {offsets = [4, 0, 0], sizes = [4, 8, 512], strides = [1, 1, 1]} : vector<64x8x512xf32> to vector<4x8x512xf32>
    %add3A_620 = arith.addf %slice3A_618, %slice3A_619 : vector<4x8x512xf32>
    %slice3A_621 = vector.extract_strided_slice %add3A_620 {offsets = [0, 0, 0], sizes = [2, 8, 512], strides = [1, 1, 1]} : vector<4x8x512xf32> to vector<2x8x512xf32>
    %slice3A_622 = vector.extract_strided_slice %add3A_620 {offsets = [2, 0, 0], sizes = [2, 8, 512], strides = [1, 1, 1]} : vector<4x8x512xf32> to vector<2x8x512xf32>
    %add3A_623 = arith.addf %slice3A_621, %slice3A_622 : vector<2x8x512xf32>
    %slice3A_624 = vector.extract_strided_slice %add3A_623 {offsets = [0, 0, 0], sizes = [1, 8, 512], strides = [1, 1, 1]} : vector<2x8x512xf32> to vector<1x8x512xf32>
    %slice3A_625 = vector.extract_strided_slice %add3A_623 {offsets = [1, 0, 0], sizes = [1, 8, 512], strides = [1, 1, 1]} : vector<2x8x512xf32> to vector<1x8x512xf32>
    %add3A_626 = arith.addf %slice3A_624, %slice3A_625 : vector<1x8x512xf32>
    %slice3A_627 = vector.extract_strided_slice %mul3A_617 {offsets = [8, 0, 0], sizes = [4, 8, 512], strides = [1, 1, 1]} : vector<64x8x512xf32> to vector<4x8x512xf32>
    %slice3A_628 = vector.extract_strided_slice %mul3A_617 {offsets = [12, 0, 0], sizes = [4, 8, 512], strides = [1, 1, 1]} : vector<64x8x512xf32> to vector<4x8x512xf32>
    %add3A_629 = arith.addf %slice3A_627, %slice3A_628 : vector<4x8x512xf32>
    %slice3A_630 = vector.extract_strided_slice %add3A_629 {offsets = [0, 0, 0], sizes = [2, 8, 512], strides = [1, 1, 1]} : vector<4x8x512xf32> to vector<2x8x512xf32>
    %slice3A_631 = vector.extract_strided_slice %add3A_629 {offsets = [2, 0, 0], sizes = [2, 8, 512], strides = [1, 1, 1]} : vector<4x8x512xf32> to vector<2x8x512xf32>
    %add3A_632 = arith.addf %slice3A_630, %slice3A_631 : vector<2x8x512xf32>
    %slice3A_633 = vector.extract_strided_slice %add3A_632 {offsets = [0, 0, 0], sizes = [1, 8, 512], strides = [1, 1, 1]} : vector<2x8x512xf32> to vector<1x8x512xf32>
    %slice3A_634 = vector.extract_strided_slice %add3A_632 {offsets = [1, 0, 0], sizes = [1, 8, 512], strides = [1, 1, 1]} : vector<2x8x512xf32> to vector<1x8x512xf32>
    %add3A_635 = arith.addf %slice3A_633, %slice3A_634 : vector<1x8x512xf32>
    %add3A_636 = arith.addf %add3A_626, %add3A_635 : vector<1x8x512xf32>
    %slice3A_637 = vector.extract_strided_slice %mul3A_617 {offsets = [16, 0, 0], sizes = [4, 8, 512], strides = [1, 1, 1]} : vector<64x8x512xf32> to vector<4x8x512xf32>
    %slice3A_638 = vector.extract_strided_slice %mul3A_617 {offsets = [20, 0, 0], sizes = [4, 8, 512], strides = [1, 1, 1]} : vector<64x8x512xf32> to vector<4x8x512xf32>
    %add3A_639 = arith.addf %slice3A_637, %slice3A_638 : vector<4x8x512xf32>
    %slice3A_640 = vector.extract_strided_slice %add3A_639 {offsets = [0, 0, 0], sizes = [2, 8, 512], strides = [1, 1, 1]} : vector<4x8x512xf32> to vector<2x8x512xf32>
    %slice3A_641 = vector.extract_strided_slice %add3A_639 {offsets = [2, 0, 0], sizes = [2, 8, 512], strides = [1, 1, 1]} : vector<4x8x512xf32> to vector<2x8x512xf32>
    %add3A_642 = arith.addf %slice3A_640, %slice3A_641 : vector<2x8x512xf32>
    %slice3A_643 = vector.extract_strided_slice %add3A_642 {offsets = [0, 0, 0], sizes = [1, 8, 512], strides = [1, 1, 1]} : vector<2x8x512xf32> to vector<1x8x512xf32>
    %slice3A_644 = vector.extract_strided_slice %add3A_642 {offsets = [1, 0, 0], sizes = [1, 8, 512], strides = [1, 1, 1]} : vector<2x8x512xf32> to vector<1x8x512xf32>
    %add3A_645 = arith.addf %slice3A_643, %slice3A_644 : vector<1x8x512xf32>
    %add3A_646 = arith.addf %add3A_636, %add3A_645 : vector<1x8x512xf32>
    %slice3A_647 = vector.extract_strided_slice %mul3A_617 {offsets = [24, 0, 0], sizes = [4, 8, 512], strides = [1, 1, 1]} : vector<64x8x512xf32> to vector<4x8x512xf32>
    %slice3A_648 = vector.extract_strided_slice %mul3A_617 {offsets = [28, 0, 0], sizes = [4, 8, 512], strides = [1, 1, 1]} : vector<64x8x512xf32> to vector<4x8x512xf32>
    %add3A_649 = arith.addf %slice3A_647, %slice3A_648 : vector<4x8x512xf32>
    %slice3A_650 = vector.extract_strided_slice %add3A_649 {offsets = [0, 0, 0], sizes = [2, 8, 512], strides = [1, 1, 1]} : vector<4x8x512xf32> to vector<2x8x512xf32>
    %slice3A_651 = vector.extract_strided_slice %add3A_649 {offsets = [2, 0, 0], sizes = [2, 8, 512], strides = [1, 1, 1]} : vector<4x8x512xf32> to vector<2x8x512xf32>
    %add3A_652 = arith.addf %slice3A_650, %slice3A_651 : vector<2x8x512xf32>
    %slice3A_653 = vector.extract_strided_slice %add3A_652 {offsets = [0, 0, 0], sizes = [1, 8, 512], strides = [1, 1, 1]} : vector<2x8x512xf32> to vector<1x8x512xf32>
    %slice3A_654 = vector.extract_strided_slice %add3A_652 {offsets = [1, 0, 0], sizes = [1, 8, 512], strides = [1, 1, 1]} : vector<2x8x512xf32> to vector<1x8x512xf32>
    %add3A_655 = arith.addf %slice3A_653, %slice3A_654 : vector<1x8x512xf32>
    %add3A_656 = arith.addf %add3A_646, %add3A_655 : vector<1x8x512xf32>
    %slice3A_657 = vector.extract_strided_slice %mul3A_617 {offsets = [32, 0, 0], sizes = [4, 8, 512], strides = [1, 1, 1]} : vector<64x8x512xf32> to vector<4x8x512xf32>
    %slice3A_658 = vector.extract_strided_slice %mul3A_617 {offsets = [36, 0, 0], sizes = [4, 8, 512], strides = [1, 1, 1]} : vector<64x8x512xf32> to vector<4x8x512xf32>
    %add3A_659 = arith.addf %slice3A_657, %slice3A_658 : vector<4x8x512xf32>
    %slice3A_660 = vector.extract_strided_slice %add3A_659 {offsets = [0, 0, 0], sizes = [2, 8, 512], strides = [1, 1, 1]} : vector<4x8x512xf32> to vector<2x8x512xf32>
    %slice3A_661 = vector.extract_strided_slice %add3A_659 {offsets = [2, 0, 0], sizes = [2, 8, 512], strides = [1, 1, 1]} : vector<4x8x512xf32> to vector<2x8x512xf32>
    %add3A_662 = arith.addf %slice3A_660, %slice3A_661 : vector<2x8x512xf32>
    %slice3A_663 = vector.extract_strided_slice %add3A_662 {offsets = [0, 0, 0], sizes = [1, 8, 512], strides = [1, 1, 1]} : vector<2x8x512xf32> to vector<1x8x512xf32>
    %slice3A_664 = vector.extract_strided_slice %add3A_662 {offsets = [1, 0, 0], sizes = [1, 8, 512], strides = [1, 1, 1]} : vector<2x8x512xf32> to vector<1x8x512xf32>
    %add3A_665 = arith.addf %slice3A_663, %slice3A_664 : vector<1x8x512xf32>
    %add3A_666 = arith.addf %add3A_656, %add3A_665 : vector<1x8x512xf32>
    %slice3A_667 = vector.extract_strided_slice %mul3A_617 {offsets = [40, 0, 0], sizes = [4, 8, 512], strides = [1, 1, 1]} : vector<64x8x512xf32> to vector<4x8x512xf32>
    %slice3A_668 = vector.extract_strided_slice %mul3A_617 {offsets = [44, 0, 0], sizes = [4, 8, 512], strides = [1, 1, 1]} : vector<64x8x512xf32> to vector<4x8x512xf32>
    %add3A_669 = arith.addf %slice3A_667, %slice3A_668 : vector<4x8x512xf32>
    %slice3A_670 = vector.extract_strided_slice %add3A_669 {offsets = [0, 0, 0], sizes = [2, 8, 512], strides = [1, 1, 1]} : vector<4x8x512xf32> to vector<2x8x512xf32>
    %slice3A_671 = vector.extract_strided_slice %add3A_669 {offsets = [2, 0, 0], sizes = [2, 8, 512], strides = [1, 1, 1]} : vector<4x8x512xf32> to vector<2x8x512xf32>
    %add3A_672 = arith.addf %slice3A_670, %slice3A_671 : vector<2x8x512xf32>
    %slice3A_673 = vector.extract_strided_slice %add3A_672 {offsets = [0, 0, 0], sizes = [1, 8, 512], strides = [1, 1, 1]} : vector<2x8x512xf32> to vector<1x8x512xf32>
    %slice3A_674 = vector.extract_strided_slice %add3A_672 {offsets = [1, 0, 0], sizes = [1, 8, 512], strides = [1, 1, 1]} : vector<2x8x512xf32> to vector<1x8x512xf32>
    %add3A_675 = arith.addf %slice3A_673, %slice3A_674 : vector<1x8x512xf32>
    %add3A_676 = arith.addf %add3A_666, %add3A_675 : vector<1x8x512xf32>
    %slice3A_677 = vector.extract_strided_slice %mul3A_617 {offsets = [48, 0, 0], sizes = [4, 8, 512], strides = [1, 1, 1]} : vector<64x8x512xf32> to vector<4x8x512xf32>
    %slice3A_678 = vector.extract_strided_slice %mul3A_617 {offsets = [52, 0, 0], sizes = [4, 8, 512], strides = [1, 1, 1]} : vector<64x8x512xf32> to vector<4x8x512xf32>
    %add3A_679 = arith.addf %slice3A_677, %slice3A_678 : vector<4x8x512xf32>
    %slice3A_680 = vector.extract_strided_slice %add3A_679 {offsets = [0, 0, 0], sizes = [2, 8, 512], strides = [1, 1, 1]} : vector<4x8x512xf32> to vector<2x8x512xf32>
    %slice3A_681 = vector.extract_strided_slice %add3A_679 {offsets = [2, 0, 0], sizes = [2, 8, 512], strides = [1, 1, 1]} : vector<4x8x512xf32> to vector<2x8x512xf32>
    %add3A_682 = arith.addf %slice3A_680, %slice3A_681 : vector<2x8x512xf32>
    %slice3A_683 = vector.extract_strided_slice %add3A_682 {offsets = [0, 0, 0], sizes = [1, 8, 512], strides = [1, 1, 1]} : vector<2x8x512xf32> to vector<1x8x512xf32>
    %slice3A_684 = vector.extract_strided_slice %add3A_682 {offsets = [1, 0, 0], sizes = [1, 8, 512], strides = [1, 1, 1]} : vector<2x8x512xf32> to vector<1x8x512xf32>
    %add3A_685 = arith.addf %slice3A_683, %slice3A_684 : vector<1x8x512xf32>
    %add3A_686 = arith.addf %add3A_676, %add3A_685 : vector<1x8x512xf32>
    %slice3A_687 = vector.extract_strided_slice %mul3A_617 {offsets = [56, 0, 0], sizes = [4, 8, 512], strides = [1, 1, 1]} : vector<64x8x512xf32> to vector<4x8x512xf32>
    %slice3A_688 = vector.extract_strided_slice %mul3A_617 {offsets = [60, 0, 0], sizes = [4, 8, 512], strides = [1, 1, 1]} : vector<64x8x512xf32> to vector<4x8x512xf32>
    %add3A_689 = arith.addf %slice3A_687, %slice3A_688 : vector<4x8x512xf32>
    %slice3A_690 = vector.extract_strided_slice %add3A_689 {offsets = [0, 0, 0], sizes = [2, 8, 512], strides = [1, 1, 1]} : vector<4x8x512xf32> to vector<2x8x512xf32>
    %slice3A_691 = vector.extract_strided_slice %add3A_689 {offsets = [2, 0, 0], sizes = [2, 8, 512], strides = [1, 1, 1]} : vector<4x8x512xf32> to vector<2x8x512xf32>
    %add3A_692 = arith.addf %slice3A_690, %slice3A_691 : vector<2x8x512xf32>
    %slice3A_693 = vector.extract_strided_slice %add3A_692 {offsets = [0, 0, 0], sizes = [1, 8, 512], strides = [1, 1, 1]} : vector<2x8x512xf32> to vector<1x8x512xf32>
    %slice3A_694 = vector.extract_strided_slice %add3A_692 {offsets = [1, 0, 0], sizes = [1, 8, 512], strides = [1, 1, 1]} : vector<2x8x512xf32> to vector<1x8x512xf32>
    %add3A_695 = arith.addf %slice3A_693, %slice3A_694 : vector<1x8x512xf32>
    %add3A_696 = arith.addf %add3A_686, %add3A_695 : vector<1x8x512xf32>
    %reduce_min3A_697 = arith.constant dense<0x7F800000> : vector<1x8xf32>
    %reduce_min3A_698 = vector.multi_reduction <minimumf>, %add3A_696, %reduce_min3A_697 [2] : vector<1x8x512xf32> to vector<1x8xf32>
    %broadcast_in_dim3A_699 = vector.shape_cast %reduce_min3A_698 : vector<1x8xf32> to vector<1x8x1xf32>
    %eq3A_700 = vector.broadcast %broadcast_in_dim3A_699 : vector<1x8x1xf32> to vector<1x8x512xf32>
    %eq3A_701 = arith.cmpf oeq, %add3A_696, %eq3A_700 : vector<1x8x512xf32>
    %jit3A_702 = arith.constant 512 : i32
    %broadcast_in_dim3A_703 = vector.broadcast %jit3A_702 : i32 to vector<1x8x512xi32>
    %select_n3A_704 = arith.select %eq3A_701, %iota3A, %broadcast_in_dim3A_703 : vector<1x8x512xi1>, vector<1x8x512xi32>
    %reduce_min3A_705 = arith.constant dense<2147483647> : vector<1x8xi32>
    %reduce_min3A_706 = vector.multi_reduction <minsi>, %select_n3A_704, %reduce_min3A_705 [2] : vector<1x8x512xi32> to vector<1x8xi32>
    %broadcast_in_dim3A_707 = vector.shape_cast %reduce_min3A_706 : vector<1x8xi32> to vector<1x8x1xi32>
    %reshape3A_708 = vector.shape_cast %broadcast_in_dim3A_707 : vector<1x8x1xi32> to vector<8x1xi32>
    %swap3A_709 = arith.constant 48 : index
    %swap3A_710 = arith.constant 0 : index
    %swap3A_711 = vector.load %arg2[%swap3A_709, %swap3A_710] : memref<128x1xi32, #tpu.memory_space<vmem>>, vector<8x1xi32>
    tpu.vector_store %arg2[%swap3A_709, %swap3A_710], %reshape3A_708 {strides = array<i32>} : memref<128x1xi32, #tpu.memory_space<vmem>>, vector<8x1xi32>,
    %get3A_712 = arith.constant 0 : index
    %get3A_713 = arith.constant 56 : index
    %get3A_714 = vector.load %arg0[%get3A_712, %get3A_713] : memref<64x128xf32, #tpu.memory_space<vmem>>, vector<64x8xf32>
    %broadcast_in_dim3A_715 = vector.shape_cast %get3A_714 : vector<64x8xf32> to vector<64x8x1xf32>
    %broadcast_in_dim3A_716 = vector.shape_cast %get3A_1 : vector<64x512xf32> to vector<64x1x512xf32>
    %sub3A_717 = vector.broadcast %broadcast_in_dim3A_715 : vector<64x8x1xf32> to vector<64x8x512xf32>
    %sub3A_718 = vector.broadcast %broadcast_in_dim3A_716 : vector<64x1x512xf32> to vector<64x8x512xf32>
    %sub3A_719 = arith.subf %sub3A_717, %sub3A_718 : vector<64x8x512xf32>
    %mul3A_720 = arith.mulf %sub3A_719, %sub3A_719 : vector<64x8x512xf32>
    %slice3A_721 = vector.extract_strided_slice %mul3A_720 {offsets = [0, 0, 0], sizes = [4, 8, 512], strides = [1, 1, 1]} : vector<64x8x512xf32> to vector<4x8x512xf32>
    %slice3A_722 = vector.extract_strided_slice %mul3A_720 {offsets = [4, 0, 0], sizes = [4, 8, 512], strides = [1, 1, 1]} : vector<64x8x512xf32> to vector<4x8x512xf32>
    %add3A_723 = arith.addf %slice3A_721, %slice3A_722 : vector<4x8x512xf32>
    %slice3A_724 = vector.extract_strided_slice %add3A_723 {offsets = [0, 0, 0], sizes = [2, 8, 512], strides = [1, 1, 1]} : vector<4x8x512xf32> to vector<2x8x512xf32>
    %slice3A_725 = vector.extract_strided_slice %add3A_723 {offsets = [2, 0, 0], sizes = [2, 8, 512], strides = [1, 1, 1]} : vector<4x8x512xf32> to vector<2x8x512xf32>
    %add3A_726 = arith.addf %slice3A_724, %slice3A_725 : vector<2x8x512xf32>
    %slice3A_727 = vector.extract_strided_slice %add3A_726 {offsets = [0, 0, 0], sizes = [1, 8, 512], strides = [1, 1, 1]} : vector<2x8x512xf32> to vector<1x8x512xf32>
    %slice3A_728 = vector.extract_strided_slice %add3A_726 {offsets = [1, 0, 0], sizes = [1, 8, 512], strides = [1, 1, 1]} : vector<2x8x512xf32> to vector<1x8x512xf32>
    %add3A_729 = arith.addf %slice3A_727, %slice3A_728 : vector<1x8x512xf32>
    %slice3A_730 = vector.extract_strided_slice %mul3A_720 {offsets = [8, 0, 0], sizes = [4, 8, 512], strides = [1, 1, 1]} : vector<64x8x512xf32> to vector<4x8x512xf32>
    %slice3A_731 = vector.extract_strided_slice %mul3A_720 {offsets = [12, 0, 0], sizes = [4, 8, 512], strides = [1, 1, 1]} : vector<64x8x512xf32> to vector<4x8x512xf32>
    %add3A_732 = arith.addf %slice3A_730, %slice3A_731 : vector<4x8x512xf32>
    %slice3A_733 = vector.extract_strided_slice %add3A_732 {offsets = [0, 0, 0], sizes = [2, 8, 512], strides = [1, 1, 1]} : vector<4x8x512xf32> to vector<2x8x512xf32>
    %slice3A_734 = vector.extract_strided_slice %add3A_732 {offsets = [2, 0, 0], sizes = [2, 8, 512], strides = [1, 1, 1]} : vector<4x8x512xf32> to vector<2x8x512xf32>
    %add3A_735 = arith.addf %slice3A_733, %slice3A_734 : vector<2x8x512xf32>
    %slice3A_736 = vector.extract_strided_slice %add3A_735 {offsets = [0, 0, 0], sizes = [1, 8, 512], strides = [1, 1, 1]} : vector<2x8x512xf32> to vector<1x8x512xf32>
    %slice3A_737 = vector.extract_strided_slice %add3A_735 {offsets = [1, 0, 0], sizes = [1, 8, 512], strides = [1, 1, 1]} : vector<2x8x512xf32> to vector<1x8x512xf32>
    %add3A_738 = arith.addf %slice3A_736, %slice3A_737 : vector<1x8x512xf32>
    %add3A_739 = arith.addf %add3A_729, %add3A_738 : vector<1x8x512xf32>
    %slice3A_740 = vector.extract_strided_slice %mul3A_720 {offsets = [16, 0, 0], sizes = [4, 8, 512], strides = [1, 1, 1]} : vector<64x8x512xf32> to vector<4x8x512xf32>
    %slice3A_741 = vector.extract_strided_slice %mul3A_720 {offsets = [20, 0, 0], sizes = [4, 8, 512], strides = [1, 1, 1]} : vector<64x8x512xf32> to vector<4x8x512xf32>
    %add3A_742 = arith.addf %slice3A_740, %slice3A_741 : vector<4x8x512xf32>
    %slice3A_743 = vector.extract_strided_slice %add3A_742 {offsets = [0, 0, 0], sizes = [2, 8, 512], strides = [1, 1, 1]} : vector<4x8x512xf32> to vector<2x8x512xf32>
    %slice3A_744 = vector.extract_strided_slice %add3A_742 {offsets = [2, 0, 0], sizes = [2, 8, 512], strides = [1, 1, 1]} : vector<4x8x512xf32> to vector<2x8x512xf32>
    %add3A_745 = arith.addf %slice3A_743, %slice3A_744 : vector<2x8x512xf32>
    %slice3A_746 = vector.extract_strided_slice %add3A_745 {offsets = [0, 0, 0], sizes = [1, 8, 512], strides = [1, 1, 1]} : vector<2x8x512xf32> to vector<1x8x512xf32>
    %slice3A_747 = vector.extract_strided_slice %add3A_745 {offsets = [1, 0, 0], sizes = [1, 8, 512], strides = [1, 1, 1]} : vector<2x8x512xf32> to vector<1x8x512xf32>
    %add3A_748 = arith.addf %slice3A_746, %slice3A_747 : vector<1x8x512xf32>
    %add3A_749 = arith.addf %add3A_739, %add3A_748 : vector<1x8x512xf32>
    %slice3A_750 = vector.extract_strided_slice %mul3A_720 {offsets = [24, 0, 0], sizes = [4, 8, 512], strides = [1, 1, 1]} : vector<64x8x512xf32> to vector<4x8x512xf32>
    %slice3A_751 = vector.extract_strided_slice %mul3A_720 {offsets = [28, 0, 0], sizes = [4, 8, 512], strides = [1, 1, 1]} : vector<64x8x512xf32> to vector<4x8x512xf32>
    %add3A_752 = arith.addf %slice3A_750, %slice3A_751 : vector<4x8x512xf32>
    %slice3A_753 = vector.extract_strided_slice %add3A_752 {offsets = [0, 0, 0], sizes = [2, 8, 512], strides = [1, 1, 1]} : vector<4x8x512xf32> to vector<2x8x512xf32>
    %slice3A_754 = vector.extract_strided_slice %add3A_752 {offsets = [2, 0, 0], sizes = [2, 8, 512], strides = [1, 1, 1]} : vector<4x8x512xf32> to vector<2x8x512xf32>
    %add3A_755 = arith.addf %slice3A_753, %slice3A_754 : vector<2x8x512xf32>
    %slice3A_756 = vector.extract_strided_slice %add3A_755 {offsets = [0, 0, 0], sizes = [1, 8, 512], strides = [1, 1, 1]} : vector<2x8x512xf32> to vector<1x8x512xf32>
    %slice3A_757 = vector.extract_strided_slice %add3A_755 {offsets = [1, 0, 0], sizes = [1, 8, 512], strides = [1, 1, 1]} : vector<2x8x512xf32> to vector<1x8x512xf32>
    %add3A_758 = arith.addf %slice3A_756, %slice3A_757 : vector<1x8x512xf32>
    %add3A_759 = arith.addf %add3A_749, %add3A_758 : vector<1x8x512xf32>
    %slice3A_760 = vector.extract_strided_slice %mul3A_720 {offsets = [32, 0, 0], sizes = [4, 8, 512], strides = [1, 1, 1]} : vector<64x8x512xf32> to vector<4x8x512xf32>
    %slice3A_761 = vector.extract_strided_slice %mul3A_720 {offsets = [36, 0, 0], sizes = [4, 8, 512], strides = [1, 1, 1]} : vector<64x8x512xf32> to vector<4x8x512xf32>
    %add3A_762 = arith.addf %slice3A_760, %slice3A_761 : vector<4x8x512xf32>
    %slice3A_763 = vector.extract_strided_slice %add3A_762 {offsets = [0, 0, 0], sizes = [2, 8, 512], strides = [1, 1, 1]} : vector<4x8x512xf32> to vector<2x8x512xf32>
    %slice3A_764 = vector.extract_strided_slice %add3A_762 {offsets = [2, 0, 0], sizes = [2, 8, 512], strides = [1, 1, 1]} : vector<4x8x512xf32> to vector<2x8x512xf32>
    %add3A_765 = arith.addf %slice3A_763, %slice3A_764 : vector<2x8x512xf32>
    %slice3A_766 = vector.extract_strided_slice %add3A_765 {offsets = [0, 0, 0], sizes = [1, 8, 512], strides = [1, 1, 1]} : vector<2x8x512xf32> to vector<1x8x512xf32>
    %slice3A_767 = vector.extract_strided_slice %add3A_765 {offsets = [1, 0, 0], sizes = [1, 8, 512], strides = [1, 1, 1]} : vector<2x8x512xf32> to vector<1x8x512xf32>
    %add3A_768 = arith.addf %slice3A_766, %slice3A_767 : vector<1x8x512xf32>
    %add3A_769 = arith.addf %add3A_759, %add3A_768 : vector<1x8x512xf32>
    %slice3A_770 = vector.extract_strided_slice %mul3A_720 {offsets = [40, 0, 0], sizes = [4, 8, 512], strides = [1, 1, 1]} : vector<64x8x512xf32> to vector<4x8x512xf32>
    %slice3A_771 = vector.extract_strided_slice %mul3A_720 {offsets = [44, 0, 0], sizes = [4, 8, 512], strides = [1, 1, 1]} : vector<64x8x512xf32> to vector<4x8x512xf32>
    %add3A_772 = arith.addf %slice3A_770, %slice3A_771 : vector<4x8x512xf32>
    %slice3A_773 = vector.extract_strided_slice %add3A_772 {offsets = [0, 0, 0], sizes = [2, 8, 512], strides = [1, 1, 1]} : vector<4x8x512xf32> to vector<2x8x512xf32>
    %slice3A_774 = vector.extract_strided_slice %add3A_772 {offsets = [2, 0, 0], sizes = [2, 8, 512], strides = [1, 1, 1]} : vector<4x8x512xf32> to vector<2x8x512xf32>
    %add3A_775 = arith.addf %slice3A_773, %slice3A_774 : vector<2x8x512xf32>
    %slice3A_776 = vector.extract_strided_slice %add3A_775 {offsets = [0, 0, 0], sizes = [1, 8, 512], strides = [1, 1, 1]} : vector<2x8x512xf32> to vector<1x8x512xf32>
    %slice3A_777 = vector.extract_strided_slice %add3A_775 {offsets = [1, 0, 0], sizes = [1, 8, 512], strides = [1, 1, 1]} : vector<2x8x512xf32> to vector<1x8x512xf32>
    %add3A_778 = arith.addf %slice3A_776, %slice3A_777 : vector<1x8x512xf32>
    %add3A_779 = arith.addf %add3A_769, %add3A_778 : vector<1x8x512xf32>
    %slice3A_780 = vector.extract_strided_slice %mul3A_720 {offsets = [48, 0, 0], sizes = [4, 8, 512], strides = [1, 1, 1]} : vector<64x8x512xf32> to vector<4x8x512xf32>
    %slice3A_781 = vector.extract_strided_slice %mul3A_720 {offsets = [52, 0, 0], sizes = [4, 8, 512], strides = [1, 1, 1]} : vector<64x8x512xf32> to vector<4x8x512xf32>
    %add3A_782 = arith.addf %slice3A_780, %slice3A_781 : vector<4x8x512xf32>
    %slice3A_783 = vector.extract_strided_slice %add3A_782 {offsets = [0, 0, 0], sizes = [2, 8, 512], strides = [1, 1, 1]} : vector<4x8x512xf32> to vector<2x8x512xf32>
    %slice3A_784 = vector.extract_strided_slice %add3A_782 {offsets = [2, 0, 0], sizes = [2, 8, 512], strides = [1, 1, 1]} : vector<4x8x512xf32> to vector<2x8x512xf32>
    %add3A_785 = arith.addf %slice3A_783, %slice3A_784 : vector<2x8x512xf32>
    %slice3A_786 = vector.extract_strided_slice %add3A_785 {offsets = [0, 0, 0], sizes = [1, 8, 512], strides = [1, 1, 1]} : vector<2x8x512xf32> to vector<1x8x512xf32>
    %slice3A_787 = vector.extract_strided_slice %add3A_785 {offsets = [1, 0, 0], sizes = [1, 8, 512], strides = [1, 1, 1]} : vector<2x8x512xf32> to vector<1x8x512xf32>
    %add3A_788 = arith.addf %slice3A_786, %slice3A_787 : vector<1x8x512xf32>
    %add3A_789 = arith.addf %add3A_779, %add3A_788 : vector<1x8x512xf32>
    %slice3A_790 = vector.extract_strided_slice %mul3A_720 {offsets = [56, 0, 0], sizes = [4, 8, 512], strides = [1, 1, 1]} : vector<64x8x512xf32> to vector<4x8x512xf32>
    %slice3A_791 = vector.extract_strided_slice %mul3A_720 {offsets = [60, 0, 0], sizes = [4, 8, 512], strides = [1, 1, 1]} : vector<64x8x512xf32> to vector<4x8x512xf32>
    %add3A_792 = arith.addf %slice3A_790, %slice3A_791 : vector<4x8x512xf32>
    %slice3A_793 = vector.extract_strided_slice %add3A_792 {offsets = [0, 0, 0], sizes = [2, 8, 512], strides = [1, 1, 1]} : vector<4x8x512xf32> to vector<2x8x512xf32>
    %slice3A_794 = vector.extract_strided_slice %add3A_792 {offsets = [2, 0, 0], sizes = [2, 8, 512], strides = [1, 1, 1]} : vector<4x8x512xf32> to vector<2x8x512xf32>
    %add3A_795 = arith.addf %slice3A_793, %slice3A_794 : vector<2x8x512xf32>
    %slice3A_796 = vector.extract_strided_slice %add3A_795 {offsets = [0, 0, 0], sizes = [1, 8, 512], strides = [1, 1, 1]} : vector<2x8x512xf32> to vector<1x8x512xf32>
    %slice3A_797 = vector.extract_strided_slice %add3A_795 {offsets = [1, 0, 0], sizes = [1, 8, 512], strides = [1, 1, 1]} : vector<2x8x512xf32> to vector<1x8x512xf32>
    %add3A_798 = arith.addf %slice3A_796, %slice3A_797 : vector<1x8x512xf32>
    %add3A_799 = arith.addf %add3A_789, %add3A_798 : vector<1x8x512xf32>
    %reduce_min3A_800 = arith.constant dense<0x7F800000> : vector<1x8xf32>
    %reduce_min3A_801 = vector.multi_reduction <minimumf>, %add3A_799, %reduce_min3A_800 [2] : vector<1x8x512xf32> to vector<1x8xf32>
    %broadcast_in_dim3A_802 = vector.shape_cast %reduce_min3A_801 : vector<1x8xf32> to vector<1x8x1xf32>
    %eq3A_803 = vector.broadcast %broadcast_in_dim3A_802 : vector<1x8x1xf32> to vector<1x8x512xf32>
    %eq3A_804 = arith.cmpf oeq, %add3A_799, %eq3A_803 : vector<1x8x512xf32>
    %jit3A_805 = arith.constant 512 : i32
    %broadcast_in_dim3A_806 = vector.broadcast %jit3A_805 : i32 to vector<1x8x512xi32>
    %select_n3A_807 = arith.select %eq3A_804, %iota3A, %broadcast_in_dim3A_806 : vector<1x8x512xi1>, vector<1x8x512xi32>
    %reduce_min3A_808 = arith.constant dense<2147483647> : vector<1x8xi32>
    %reduce_min3A_809 = vector.multi_reduction <minsi>, %select_n3A_807, %reduce_min3A_808 [2] : vector<1x8x512xi32> to vector<1x8xi32>
    %broadcast_in_dim3A_810 = vector.shape_cast %reduce_min3A_809 : vector<1x8xi32> to vector<1x8x1xi32>
    %reshape3A_811 = vector.shape_cast %broadcast_in_dim3A_810 : vector<1x8x1xi32> to vector<8x1xi32>
    %swap3A_812 = arith.constant 56 : index
    %swap3A_813 = arith.constant 0 : index
    %swap3A_814 = vector.load %arg2[%swap3A_812, %swap3A_813] : memref<128x1xi32, #tpu.memory_space<vmem>>, vector<8x1xi32>
    tpu.vector_store %arg2[%swap3A_812, %swap3A_813], %reshape3A_811 {strides = array<i32>} : memref<128x1xi32, #tpu.memory_space<vmem>>, vector<8x1xi32>,
    %get3A_815 = arith.constant 0 : index
    %get3A_816 = arith.constant 64 : index
    %get3A_817 = vector.load %arg0[%get3A_815, %get3A_816] : memref<64x128xf32, #tpu.memory_space<vmem>>, vector<64x8xf32>
    %broadcast_in_dim3A_818 = vector.shape_cast %get3A_817 : vector<64x8xf32> to vector<64x8x1xf32>
    %broadcast_in_dim3A_819 = vector.shape_cast %get3A_1 : vector<64x512xf32> to vector<64x1x512xf32>
    %sub3A_820 = vector.broadcast %broadcast_in_dim3A_818 : vector<64x8x1xf32> to vector<64x8x512xf32>
    %sub3A_821 = vector.broadcast %broadcast_in_dim3A_819 : vector<64x1x512xf32> to vector<64x8x512xf32>
    %sub3A_822 = arith.subf %sub3A_820, %sub3A_821 : vector<64x8x512xf32>
    %mul3A_823 = arith.mulf %sub3A_822, %sub3A_822 : vector<64x8x512xf32>
    %slice3A_824 = vector.extract_strided_slice %mul3A_823 {offsets = [0, 0, 0], sizes = [4, 8, 512], strides = [1, 1, 1]} : vector<64x8x512xf32> to vector<4x8x512xf32>
    %slice3A_825 = vector.extract_strided_slice %mul3A_823 {offsets = [4, 0, 0], sizes = [4, 8, 512], strides = [1, 1, 1]} : vector<64x8x512xf32> to vector<4x8x512xf32>
    %add3A_826 = arith.addf %slice3A_824, %slice3A_825 : vector<4x8x512xf32>
    %slice3A_827 = vector.extract_strided_slice %add3A_826 {offsets = [0, 0, 0], sizes = [2, 8, 512], strides = [1, 1, 1]} : vector<4x8x512xf32> to vector<2x8x512xf32>
    %slice3A_828 = vector.extract_strided_slice %add3A_826 {offsets = [2, 0, 0], sizes = [2, 8, 512], strides = [1, 1, 1]} : vector<4x8x512xf32> to vector<2x8x512xf32>
    %add3A_829 = arith.addf %slice3A_827, %slice3A_828 : vector<2x8x512xf32>
    %slice3A_830 = vector.extract_strided_slice %add3A_829 {offsets = [0, 0, 0], sizes = [1, 8, 512], strides = [1, 1, 1]} : vector<2x8x512xf32> to vector<1x8x512xf32>
    %slice3A_831 = vector.extract_strided_slice %add3A_829 {offsets = [1, 0, 0], sizes = [1, 8, 512], strides = [1, 1, 1]} : vector<2x8x512xf32> to vector<1x8x512xf32>
    %add3A_832 = arith.addf %slice3A_830, %slice3A_831 : vector<1x8x512xf32>
    %slice3A_833 = vector.extract_strided_slice %mul3A_823 {offsets = [8, 0, 0], sizes = [4, 8, 512], strides = [1, 1, 1]} : vector<64x8x512xf32> to vector<4x8x512xf32>
    %slice3A_834 = vector.extract_strided_slice %mul3A_823 {offsets = [12, 0, 0], sizes = [4, 8, 512], strides = [1, 1, 1]} : vector<64x8x512xf32> to vector<4x8x512xf32>
    %add3A_835 = arith.addf %slice3A_833, %slice3A_834 : vector<4x8x512xf32>
    %slice3A_836 = vector.extract_strided_slice %add3A_835 {offsets = [0, 0, 0], sizes = [2, 8, 512], strides = [1, 1, 1]} : vector<4x8x512xf32> to vector<2x8x512xf32>
    %slice3A_837 = vector.extract_strided_slice %add3A_835 {offsets = [2, 0, 0], sizes = [2, 8, 512], strides = [1, 1, 1]} : vector<4x8x512xf32> to vector<2x8x512xf32>
    %add3A_838 = arith.addf %slice3A_836, %slice3A_837 : vector<2x8x512xf32>
    %slice3A_839 = vector.extract_strided_slice %add3A_838 {offsets = [0, 0, 0], sizes = [1, 8, 512], strides = [1, 1, 1]} : vector<2x8x512xf32> to vector<1x8x512xf32>
    %slice3A_840 = vector.extract_strided_slice %add3A_838 {offsets = [1, 0, 0], sizes = [1, 8, 512], strides = [1, 1, 1]} : vector<2x8x512xf32> to vector<1x8x512xf32>
    %add3A_841 = arith.addf %slice3A_839, %slice3A_840 : vector<1x8x512xf32>
    %add3A_842 = arith.addf %add3A_832, %add3A_841 : vector<1x8x512xf32>
    %slice3A_843 = vector.extract_strided_slice %mul3A_823 {offsets = [16, 0, 0], sizes = [4, 8, 512], strides = [1, 1, 1]} : vector<64x8x512xf32> to vector<4x8x512xf32>
    %slice3A_844 = vector.extract_strided_slice %mul3A_823 {offsets = [20, 0, 0], sizes = [4, 8, 512], strides = [1, 1, 1]} : vector<64x8x512xf32> to vector<4x8x512xf32>
    %add3A_845 = arith.addf %slice3A_843, %slice3A_844 : vector<4x8x512xf32>
    %slice3A_846 = vector.extract_strided_slice %add3A_845 {offsets = [0, 0, 0], sizes = [2, 8, 512], strides = [1, 1, 1]} : vector<4x8x512xf32> to vector<2x8x512xf32>
    %slice3A_847 = vector.extract_strided_slice %add3A_845 {offsets = [2, 0, 0], sizes = [2, 8, 512], strides = [1, 1, 1]} : vector<4x8x512xf32> to vector<2x8x512xf32>
    %add3A_848 = arith.addf %slice3A_846, %slice3A_847 : vector<2x8x512xf32>
    %slice3A_849 = vector.extract_strided_slice %add3A_848 {offsets = [0, 0, 0], sizes = [1, 8, 512], strides = [1, 1, 1]} : vector<2x8x512xf32> to vector<1x8x512xf32>
    %slice3A_850 = vector.extract_strided_slice %add3A_848 {offsets = [1, 0, 0], sizes = [1, 8, 512], strides = [1, 1, 1]} : vector<2x8x512xf32> to vector<1x8x512xf32>
    %add3A_851 = arith.addf %slice3A_849, %slice3A_850 : vector<1x8x512xf32>
    %add3A_852 = arith.addf %add3A_842, %add3A_851 : vector<1x8x512xf32>
    %slice3A_853 = vector.extract_strided_slice %mul3A_823 {offsets = [24, 0, 0], sizes = [4, 8, 512], strides = [1, 1, 1]} : vector<64x8x512xf32> to vector<4x8x512xf32>
    %slice3A_854 = vector.extract_strided_slice %mul3A_823 {offsets = [28, 0, 0], sizes = [4, 8, 512], strides = [1, 1, 1]} : vector<64x8x512xf32> to vector<4x8x512xf32>
    %add3A_855 = arith.addf %slice3A_853, %slice3A_854 : vector<4x8x512xf32>
    %slice3A_856 = vector.extract_strided_slice %add3A_855 {offsets = [0, 0, 0], sizes = [2, 8, 512], strides = [1, 1, 1]} : vector<4x8x512xf32> to vector<2x8x512xf32>
    %slice3A_857 = vector.extract_strided_slice %add3A_855 {offsets = [2, 0, 0], sizes = [2, 8, 512], strides = [1, 1, 1]} : vector<4x8x512xf32> to vector<2x8x512xf32>
    %add3A_858 = arith.addf %slice3A_856, %slice3A_857 : vector<2x8x512xf32>
    %slice3A_859 = vector.extract_strided_slice %add3A_858 {offsets = [0, 0, 0], sizes = [1, 8, 512], strides = [1, 1, 1]} : vector<2x8x512xf32> to vector<1x8x512xf32>
    %slice3A_860 = vector.extract_strided_slice %add3A_858 {offsets = [1, 0, 0], sizes = [1, 8, 512], strides = [1, 1, 1]} : vector<2x8x512xf32> to vector<1x8x512xf32>
    %add3A_861 = arith.addf %slice3A_859, %slice3A_860 : vector<1x8x512xf32>
    %add3A_862 = arith.addf %add3A_852, %add3A_861 : vector<1x8x512xf32>
    %slice3A_863 = vector.extract_strided_slice %mul3A_823 {offsets = [32, 0, 0], sizes = [4, 8, 512], strides = [1, 1, 1]} : vector<64x8x512xf32> to vector<4x8x512xf32>
    %slice3A_864 = vector.extract_strided_slice %mul3A_823 {offsets = [36, 0, 0], sizes = [4, 8, 512], strides = [1, 1, 1]} : vector<64x8x512xf32> to vector<4x8x512xf32>
    %add3A_865 = arith.addf %slice3A_863, %slice3A_864 : vector<4x8x512xf32>
    %slice3A_866 = vector.extract_strided_slice %add3A_865 {offsets = [0, 0, 0], sizes = [2, 8, 512], strides = [1, 1, 1]} : vector<4x8x512xf32> to vector<2x8x512xf32>
    %slice3A_867 = vector.extract_strided_slice %add3A_865 {offsets = [2, 0, 0], sizes = [2, 8, 512], strides = [1, 1, 1]} : vector<4x8x512xf32> to vector<2x8x512xf32>
    %add3A_868 = arith.addf %slice3A_866, %slice3A_867 : vector<2x8x512xf32>
    %slice3A_869 = vector.extract_strided_slice %add3A_868 {offsets = [0, 0, 0], sizes = [1, 8, 512], strides = [1, 1, 1]} : vector<2x8x512xf32> to vector<1x8x512xf32>
    %slice3A_870 = vector.extract_strided_slice %add3A_868 {offsets = [1, 0, 0], sizes = [1, 8, 512], strides = [1, 1, 1]} : vector<2x8x512xf32> to vector<1x8x512xf32>
    %add3A_871 = arith.addf %slice3A_869, %slice3A_870 : vector<1x8x512xf32>
    %add3A_872 = arith.addf %add3A_862, %add3A_871 : vector<1x8x512xf32>
    %slice3A_873 = vector.extract_strided_slice %mul3A_823 {offsets = [40, 0, 0], sizes = [4, 8, 512], strides = [1, 1, 1]} : vector<64x8x512xf32> to vector<4x8x512xf32>
    %slice3A_874 = vector.extract_strided_slice %mul3A_823 {offsets = [44, 0, 0], sizes = [4, 8, 512], strides = [1, 1, 1]} : vector<64x8x512xf32> to vector<4x8x512xf32>
    %add3A_875 = arith.addf %slice3A_873, %slice3A_874 : vector<4x8x512xf32>
    %slice3A_876 = vector.extract_strided_slice %add3A_875 {offsets = [0, 0, 0], sizes = [2, 8, 512], strides = [1, 1, 1]} : vector<4x8x512xf32> to vector<2x8x512xf32>
    %slice3A_877 = vector.extract_strided_slice %add3A_875 {offsets = [2, 0, 0], sizes = [2, 8, 512], strides = [1, 1, 1]} : vector<4x8x512xf32> to vector<2x8x512xf32>
    %add3A_878 = arith.addf %slice3A_876, %slice3A_877 : vector<2x8x512xf32>
    %slice3A_879 = vector.extract_strided_slice %add3A_878 {offsets = [0, 0, 0], sizes = [1, 8, 512], strides = [1, 1, 1]} : vector<2x8x512xf32> to vector<1x8x512xf32>
    %slice3A_880 = vector.extract_strided_slice %add3A_878 {offsets = [1, 0, 0], sizes = [1, 8, 512], strides = [1, 1, 1]} : vector<2x8x512xf32> to vector<1x8x512xf32>
    %add3A_881 = arith.addf %slice3A_879, %slice3A_880 : vector<1x8x512xf32>
    %add3A_882 = arith.addf %add3A_872, %add3A_881 : vector<1x8x512xf32>
    %slice3A_883 = vector.extract_strided_slice %mul3A_823 {offsets = [48, 0, 0], sizes = [4, 8, 512], strides = [1, 1, 1]} : vector<64x8x512xf32> to vector<4x8x512xf32>
    %slice3A_884 = vector.extract_strided_slice %mul3A_823 {offsets = [52, 0, 0], sizes = [4, 8, 512], strides = [1, 1, 1]} : vector<64x8x512xf32> to vector<4x8x512xf32>
    %add3A_885 = arith.addf %slice3A_883, %slice3A_884 : vector<4x8x512xf32>
    %slice3A_886 = vector.extract_strided_slice %add3A_885 {offsets = [0, 0, 0], sizes = [2, 8, 512], strides = [1, 1, 1]} : vector<4x8x512xf32> to vector<2x8x512xf32>
    %slice3A_887 = vector.extract_strided_slice %add3A_885 {offsets = [2, 0, 0], sizes = [2, 8, 512], strides = [1, 1, 1]} : vector<4x8x512xf32> to vector<2x8x512xf32>
    %add3A_888 = arith.addf %slice3A_886, %slice3A_887 : vector<2x8x512xf32>
    %slice3A_889 = vector.extract_strided_slice %add3A_888 {offsets = [0, 0, 0], sizes = [1, 8, 512], strides = [1, 1, 1]} : vector<2x8x512xf32> to vector<1x8x512xf32>
    %slice3A_890 = vector.extract_strided_slice %add3A_888 {offsets = [1, 0, 0], sizes = [1, 8, 512], strides = [1, 1, 1]} : vector<2x8x512xf32> to vector<1x8x512xf32>
    %add3A_891 = arith.addf %slice3A_889, %slice3A_890 : vector<1x8x512xf32>
    %add3A_892 = arith.addf %add3A_882, %add3A_891 : vector<1x8x512xf32>
    %slice3A_893 = vector.extract_strided_slice %mul3A_823 {offsets = [56, 0, 0], sizes = [4, 8, 512], strides = [1, 1, 1]} : vector<64x8x512xf32> to vector<4x8x512xf32>
    %slice3A_894 = vector.extract_strided_slice %mul3A_823 {offsets = [60, 0, 0], sizes = [4, 8, 512], strides = [1, 1, 1]} : vector<64x8x512xf32> to vector<4x8x512xf32>
    %add3A_895 = arith.addf %slice3A_893, %slice3A_894 : vector<4x8x512xf32>
    %slice3A_896 = vector.extract_strided_slice %add3A_895 {offsets = [0, 0, 0], sizes = [2, 8, 512], strides = [1, 1, 1]} : vector<4x8x512xf32> to vector<2x8x512xf32>
    %slice3A_897 = vector.extract_strided_slice %add3A_895 {offsets = [2, 0, 0], sizes = [2, 8, 512], strides = [1, 1, 1]} : vector<4x8x512xf32> to vector<2x8x512xf32>
    %add3A_898 = arith.addf %slice3A_896, %slice3A_897 : vector<2x8x512xf32>
    %slice3A_899 = vector.extract_strided_slice %add3A_898 {offsets = [0, 0, 0], sizes = [1, 8, 512], strides = [1, 1, 1]} : vector<2x8x512xf32> to vector<1x8x512xf32>
    %slice3A_900 = vector.extract_strided_slice %add3A_898 {offsets = [1, 0, 0], sizes = [1, 8, 512], strides = [1, 1, 1]} : vector<2x8x512xf32> to vector<1x8x512xf32>
    %add3A_901 = arith.addf %slice3A_899, %slice3A_900 : vector<1x8x512xf32>
    %add3A_902 = arith.addf %add3A_892, %add3A_901 : vector<1x8x512xf32>
    %reduce_min3A_903 = arith.constant dense<0x7F800000> : vector<1x8xf32>
    %reduce_min3A_904 = vector.multi_reduction <minimumf>, %add3A_902, %reduce_min3A_903 [2] : vector<1x8x512xf32> to vector<1x8xf32>
    %broadcast_in_dim3A_905 = vector.shape_cast %reduce_min3A_904 : vector<1x8xf32> to vector<1x8x1xf32>
    %eq3A_906 = vector.broadcast %broadcast_in_dim3A_905 : vector<1x8x1xf32> to vector<1x8x512xf32>
    %eq3A_907 = arith.cmpf oeq, %add3A_902, %eq3A_906 : vector<1x8x512xf32>
    %jit3A_908 = arith.constant 512 : i32
    %broadcast_in_dim3A_909 = vector.broadcast %jit3A_908 : i32 to vector<1x8x512xi32>
    %select_n3A_910 = arith.select %eq3A_907, %iota3A, %broadcast_in_dim3A_909 : vector<1x8x512xi1>, vector<1x8x512xi32>
    %reduce_min3A_911 = arith.constant dense<2147483647> : vector<1x8xi32>
    %reduce_min3A_912 = vector.multi_reduction <minsi>, %select_n3A_910, %reduce_min3A_911 [2] : vector<1x8x512xi32> to vector<1x8xi32>
    %broadcast_in_dim3A_913 = vector.shape_cast %reduce_min3A_912 : vector<1x8xi32> to vector<1x8x1xi32>
    %reshape3A_914 = vector.shape_cast %broadcast_in_dim3A_913 : vector<1x8x1xi32> to vector<8x1xi32>
    %swap3A_915 = arith.constant 64 : index
    %swap3A_916 = arith.constant 0 : index
    %swap3A_917 = vector.load %arg2[%swap3A_915, %swap3A_916] : memref<128x1xi32, #tpu.memory_space<vmem>>, vector<8x1xi32>
    tpu.vector_store %arg2[%swap3A_915, %swap3A_916], %reshape3A_914 {strides = array<i32>} : memref<128x1xi32, #tpu.memory_space<vmem>>, vector<8x1xi32>,
    %get3A_918 = arith.constant 0 : index
    %get3A_919 = arith.constant 72 : index
    %get3A_920 = vector.load %arg0[%get3A_918, %get3A_919] : memref<64x128xf32, #tpu.memory_space<vmem>>, vector<64x8xf32>
    %broadcast_in_dim3A_921 = vector.shape_cast %get3A_920 : vector<64x8xf32> to vector<64x8x1xf32>
    %broadcast_in_dim3A_922 = vector.shape_cast %get3A_1 : vector<64x512xf32> to vector<64x1x512xf32>
    %sub3A_923 = vector.broadcast %broadcast_in_dim3A_921 : vector<64x8x1xf32> to vector<64x8x512xf32>
    %sub3A_924 = vector.broadcast %broadcast_in_dim3A_922 : vector<64x1x512xf32> to vector<64x8x512xf32>
    %sub3A_925 = arith.subf %sub3A_923, %sub3A_924 : vector<64x8x512xf32>
    %mul3A_926 = arith.mulf %sub3A_925, %sub3A_925 : vector<64x8x512xf32>
    %slice3A_927 = vector.extract_strided_slice %mul3A_926 {offsets = [0, 0, 0], sizes = [4, 8, 512], strides = [1, 1, 1]} : vector<64x8x512xf32> to vector<4x8x512xf32>
    %slice3A_928 = vector.extract_strided_slice %mul3A_926 {offsets = [4, 0, 0], sizes = [4, 8, 512], strides = [1, 1, 1]} : vector<64x8x512xf32> to vector<4x8x512xf32>
    %add3A_929 = arith.addf %slice3A_927, %slice3A_928 : vector<4x8x512xf32>
    %slice3A_930 = vector.extract_strided_slice %add3A_929 {offsets = [0, 0, 0], sizes = [2, 8, 512], strides = [1, 1, 1]} : vector<4x8x512xf32> to vector<2x8x512xf32>
    %slice3A_931 = vector.extract_strided_slice %add3A_929 {offsets = [2, 0, 0], sizes = [2, 8, 512], strides = [1, 1, 1]} : vector<4x8x512xf32> to vector<2x8x512xf32>
    %add3A_932 = arith.addf %slice3A_930, %slice3A_931 : vector<2x8x512xf32>
    %slice3A_933 = vector.extract_strided_slice %add3A_932 {offsets = [0, 0, 0], sizes = [1, 8, 512], strides = [1, 1, 1]} : vector<2x8x512xf32> to vector<1x8x512xf32>
    %slice3A_934 = vector.extract_strided_slice %add3A_932 {offsets = [1, 0, 0], sizes = [1, 8, 512], strides = [1, 1, 1]} : vector<2x8x512xf32> to vector<1x8x512xf32>
    %add3A_935 = arith.addf %slice3A_933, %slice3A_934 : vector<1x8x512xf32>
    %slice3A_936 = vector.extract_strided_slice %mul3A_926 {offsets = [8, 0, 0], sizes = [4, 8, 512], strides = [1, 1, 1]} : vector<64x8x512xf32> to vector<4x8x512xf32>
    %slice3A_937 = vector.extract_strided_slice %mul3A_926 {offsets = [12, 0, 0], sizes = [4, 8, 512], strides = [1, 1, 1]} : vector<64x8x512xf32> to vector<4x8x512xf32>
    %add3A_938 = arith.addf %slice3A_936, %slice3A_937 : vector<4x8x512xf32>
    %slice3A_939 = vector.extract_strided_slice %add3A_938 {offsets = [0, 0, 0], sizes = [2, 8, 512], strides = [1, 1, 1]} : vector<4x8x512xf32> to vector<2x8x512xf32>
    %slice3A_940 = vector.extract_strided_slice %add3A_938 {offsets = [2, 0, 0], sizes = [2, 8, 512], strides = [1, 1, 1]} : vector<4x8x512xf32> to vector<2x8x512xf32>
    %add3A_941 = arith.addf %slice3A_939, %slice3A_940 : vector<2x8x512xf32>
    %slice3A_942 = vector.extract_strided_slice %add3A_941 {offsets = [0, 0, 0], sizes = [1, 8, 512], strides = [1, 1, 1]} : vector<2x8x512xf32> to vector<1x8x512xf32>
    %slice3A_943 = vector.extract_strided_slice %add3A_941 {offsets = [1, 0, 0], sizes = [1, 8, 512], strides = [1, 1, 1]} : vector<2x8x512xf32> to vector<1x8x512xf32>
    %add3A_944 = arith.addf %slice3A_942, %slice3A_943 : vector<1x8x512xf32>
    %add3A_945 = arith.addf %add3A_935, %add3A_944 : vector<1x8x512xf32>
    %slice3A_946 = vector.extract_strided_slice %mul3A_926 {offsets = [16, 0, 0], sizes = [4, 8, 512], strides = [1, 1, 1]} : vector<64x8x512xf32> to vector<4x8x512xf32>
    %slice3A_947 = vector.extract_strided_slice %mul3A_926 {offsets = [20, 0, 0], sizes = [4, 8, 512], strides = [1, 1, 1]} : vector<64x8x512xf32> to vector<4x8x512xf32>
    %add3A_948 = arith.addf %slice3A_946, %slice3A_947 : vector<4x8x512xf32>
    %slice3A_949 = vector.extract_strided_slice %add3A_948 {offsets = [0, 0, 0], sizes = [2, 8, 512], strides = [1, 1, 1]} : vector<4x8x512xf32> to vector<2x8x512xf32>
    %slice3A_950 = vector.extract_strided_slice %add3A_948 {offsets = [2, 0, 0], sizes = [2, 8, 512], strides = [1, 1, 1]} : vector<4x8x512xf32> to vector<2x8x512xf32>
    %add3A_951 = arith.addf %slice3A_949, %slice3A_950 : vector<2x8x512xf32>
    %slice3A_952 = vector.extract_strided_slice %add3A_951 {offsets = [0, 0, 0], sizes = [1, 8, 512], strides = [1, 1, 1]} : vector<2x8x512xf32> to vector<1x8x512xf32>
    %slice3A_953 = vector.extract_strided_slice %add3A_951 {offsets = [1, 0, 0], sizes = [1, 8, 512], strides = [1, 1, 1]} : vector<2x8x512xf32> to vector<1x8x512xf32>
    %add3A_954 = arith.addf %slice3A_952, %slice3A_953 : vector<1x8x512xf32>
    %add3A_955 = arith.addf %add3A_945, %add3A_954 : vector<1x8x512xf32>
    %slice3A_956 = vector.extract_strided_slice %mul3A_926 {offsets = [24, 0, 0], sizes = [4, 8, 512], strides = [1, 1, 1]} : vector<64x8x512xf32> to vector<4x8x512xf32>
    %slice3A_957 = vector.extract_strided_slice %mul3A_926 {offsets = [28, 0, 0], sizes = [4, 8, 512], strides = [1, 1, 1]} : vector<64x8x512xf32> to vector<4x8x512xf32>
    %add3A_958 = arith.addf %slice3A_956, %slice3A_957 : vector<4x8x512xf32>
    %slice3A_959 = vector.extract_strided_slice %add3A_958 {offsets = [0, 0, 0], sizes = [2, 8, 512], strides = [1, 1, 1]} : vector<4x8x512xf32> to vector<2x8x512xf32>
    %slice3A_960 = vector.extract_strided_slice %add3A_958 {offsets = [2, 0, 0], sizes = [2, 8, 512], strides = [1, 1, 1]} : vector<4x8x512xf32> to vector<2x8x512xf32>
    %add3A_961 = arith.addf %slice3A_959, %slice3A_960 : vector<2x8x512xf32>
    %slice3A_962 = vector.extract_strided_slice %add3A_961 {offsets = [0, 0, 0], sizes = [1, 8, 512], strides = [1, 1, 1]} : vector<2x8x512xf32> to vector<1x8x512xf32>
    %slice3A_963 = vector.extract_strided_slice %add3A_961 {offsets = [1, 0, 0], sizes = [1, 8, 512], strides = [1, 1, 1]} : vector<2x8x512xf32> to vector<1x8x512xf32>
    %add3A_964 = arith.addf %slice3A_962, %slice3A_963 : vector<1x8x512xf32>
    %add3A_965 = arith.addf %add3A_955, %add3A_964 : vector<1x8x512xf32>
    %slice3A_966 = vector.extract_strided_slice %mul3A_926 {offsets = [32, 0, 0], sizes = [4, 8, 512], strides = [1, 1, 1]} : vector<64x8x512xf32> to vector<4x8x512xf32>
    %slice3A_967 = vector.extract_strided_slice %mul3A_926 {offsets = [36, 0, 0], sizes = [4, 8, 512], strides = [1, 1, 1]} : vector<64x8x512xf32> to vector<4x8x512xf32>
    %add3A_968 = arith.addf %slice3A_966, %slice3A_967 : vector<4x8x512xf32>
    %slice3A_969 = vector.extract_strided_slice %add3A_968 {offsets = [0, 0, 0], sizes = [2, 8, 512], strides = [1, 1, 1]} : vector<4x8x512xf32> to vector<2x8x512xf32>
    %slice3A_970 = vector.extract_strided_slice %add3A_968 {offsets = [2, 0, 0], sizes = [2, 8, 512], strides = [1, 1, 1]} : vector<4x8x512xf32> to vector<2x8x512xf32>
    %add3A_971 = arith.addf %slice3A_969, %slice3A_970 : vector<2x8x512xf32>
    %slice3A_972 = vector.extract_strided_slice %add3A_971 {offsets = [0, 0, 0], sizes = [1, 8, 512], strides = [1, 1, 1]} : vector<2x8x512xf32> to vector<1x8x512xf32>
    %slice3A_973 = vector.extract_strided_slice %add3A_971 {offsets = [1, 0, 0], sizes = [1, 8, 512], strides = [1, 1, 1]} : vector<2x8x512xf32> to vector<1x8x512xf32>
    %add3A_974 = arith.addf %slice3A_972, %slice3A_973 : vector<1x8x512xf32>
    %add3A_975 = arith.addf %add3A_965, %add3A_974 : vector<1x8x512xf32>
    %slice3A_976 = vector.extract_strided_slice %mul3A_926 {offsets = [40, 0, 0], sizes = [4, 8, 512], strides = [1, 1, 1]} : vector<64x8x512xf32> to vector<4x8x512xf32>
    %slice3A_977 = vector.extract_strided_slice %mul3A_926 {offsets = [44, 0, 0], sizes = [4, 8, 512], strides = [1, 1, 1]} : vector<64x8x512xf32> to vector<4x8x512xf32>
    %add3A_978 = arith.addf %slice3A_976, %slice3A_977 : vector<4x8x512xf32>
    %slice3A_979 = vector.extract_strided_slice %add3A_978 {offsets = [0, 0, 0], sizes = [2, 8, 512], strides = [1, 1, 1]} : vector<4x8x512xf32> to vector<2x8x512xf32>
    %slice3A_980 = vector.extract_strided_slice %add3A_978 {offsets = [2, 0, 0], sizes = [2, 8, 512], strides = [1, 1, 1]} : vector<4x8x512xf32> to vector<2x8x512xf32>
    %add3A_981 = arith.addf %slice3A_979, %slice3A_980 : vector<2x8x512xf32>
    %slice3A_982 = vector.extract_strided_slice %add3A_981 {offsets = [0, 0, 0], sizes = [1, 8, 512], strides = [1, 1, 1]} : vector<2x8x512xf32> to vector<1x8x512xf32>
    %slice3A_983 = vector.extract_strided_slice %add3A_981 {offsets = [1, 0, 0], sizes = [1, 8, 512], strides = [1, 1, 1]} : vector<2x8x512xf32> to vector<1x8x512xf32>
    %add3A_984 = arith.addf %slice3A_982, %slice3A_983 : vector<1x8x512xf32>
    %add3A_985 = arith.addf %add3A_975, %add3A_984 : vector<1x8x512xf32>
    %slice3A_986 = vector.extract_strided_slice %mul3A_926 {offsets = [48, 0, 0], sizes = [4, 8, 512], strides = [1, 1, 1]} : vector<64x8x512xf32> to vector<4x8x512xf32>
    %slice3A_987 = vector.extract_strided_slice %mul3A_926 {offsets = [52, 0, 0], sizes = [4, 8, 512], strides = [1, 1, 1]} : vector<64x8x512xf32> to vector<4x8x512xf32>
    %add3A_988 = arith.addf %slice3A_986, %slice3A_987 : vector<4x8x512xf32>
    %slice3A_989 = vector.extract_strided_slice %add3A_988 {offsets = [0, 0, 0], sizes = [2, 8, 512], strides = [1, 1, 1]} : vector<4x8x512xf32> to vector<2x8x512xf32>
    %slice3A_990 = vector.extract_strided_slice %add3A_988 {offsets = [2, 0, 0], sizes = [2, 8, 512], strides = [1, 1, 1]} : vector<4x8x512xf32> to vector<2x8x512xf32>
    %add3A_991 = arith.addf %slice3A_989, %slice3A_990 : vector<2x8x512xf32>
    %slice3A_992 = vector.extract_strided_slice %add3A_991 {offsets = [0, 0, 0], sizes = [1, 8, 512], strides = [1, 1, 1]} : vector<2x8x512xf32> to vector<1x8x512xf32>
    %slice3A_993 = vector.extract_strided_slice %add3A_991 {offsets = [1, 0, 0], sizes = [1, 8, 512], strides = [1, 1, 1]} : vector<2x8x512xf32> to vector<1x8x512xf32>
    %add3A_994 = arith.addf %slice3A_992, %slice3A_993 : vector<1x8x512xf32>
    %add3A_995 = arith.addf %add3A_985, %add3A_994 : vector<1x8x512xf32>
    %slice3A_996 = vector.extract_strided_slice %mul3A_926 {offsets = [56, 0, 0], sizes = [4, 8, 512], strides = [1, 1, 1]} : vector<64x8x512xf32> to vector<4x8x512xf32>
    %slice3A_997 = vector.extract_strided_slice %mul3A_926 {offsets = [60, 0, 0], sizes = [4, 8, 512], strides = [1, 1, 1]} : vector<64x8x512xf32> to vector<4x8x512xf32>
    %add3A_998 = arith.addf %slice3A_996, %slice3A_997 : vector<4x8x512xf32>
    %slice3A_999 = vector.extract_strided_slice %add3A_998 {offsets = [0, 0, 0], sizes = [2, 8, 512], strides = [1, 1, 1]} : vector<4x8x512xf32> to vector<2x8x512xf32>
    %slice3A_1000 = vector.extract_strided_slice %add3A_998 {offsets = [2, 0, 0], sizes = [2, 8, 512], strides = [1, 1, 1]} : vector<4x8x512xf32> to vector<2x8x512xf32>
    %add3A_1001 = arith.addf %slice3A_999, %slice3A_1000 : vector<2x8x512xf32>
    %slice3A_1002 = vector.extract_strided_slice %add3A_1001 {offsets = [0, 0, 0], sizes = [1, 8, 512], strides = [1, 1, 1]} : vector<2x8x512xf32> to vector<1x8x512xf32>
    %slice3A_1003 = vector.extract_strided_slice %add3A_1001 {offsets = [1, 0, 0], sizes = [1, 8, 512], strides = [1, 1, 1]} : vector<2x8x512xf32> to vector<1x8x512xf32>
    %add3A_1004 = arith.addf %slice3A_1002, %slice3A_1003 : vector<1x8x512xf32>
    %add3A_1005 = arith.addf %add3A_995, %add3A_1004 : vector<1x8x512xf32>
    %reduce_min3A_1006 = arith.constant dense<0x7F800000> : vector<1x8xf32>
    %reduce_min3A_1007 = vector.multi_reduction <minimumf>, %add3A_1005, %reduce_min3A_1006 [2] : vector<1x8x512xf32> to vector<1x8xf32>
    %broadcast_in_dim3A_1008 = vector.shape_cast %reduce_min3A_1007 : vector<1x8xf32> to vector<1x8x1xf32>
    %eq3A_1009 = vector.broadcast %broadcast_in_dim3A_1008 : vector<1x8x1xf32> to vector<1x8x512xf32>
    %eq3A_1010 = arith.cmpf oeq, %add3A_1005, %eq3A_1009 : vector<1x8x512xf32>
    %jit3A_1011 = arith.constant 512 : i32
    %broadcast_in_dim3A_1012 = vector.broadcast %jit3A_1011 : i32 to vector<1x8x512xi32>
    %select_n3A_1013 = arith.select %eq3A_1010, %iota3A, %broadcast_in_dim3A_1012 : vector<1x8x512xi1>, vector<1x8x512xi32>
    %reduce_min3A_1014 = arith.constant dense<2147483647> : vector<1x8xi32>
    %reduce_min3A_1015 = vector.multi_reduction <minsi>, %select_n3A_1013, %reduce_min3A_1014 [2] : vector<1x8x512xi32> to vector<1x8xi32>
    %broadcast_in_dim3A_1016 = vector.shape_cast %reduce_min3A_1015 : vector<1x8xi32> to vector<1x8x1xi32>
    %reshape3A_1017 = vector.shape_cast %broadcast_in_dim3A_1016 : vector<1x8x1xi32> to vector<8x1xi32>
    %swap3A_1018 = arith.constant 72 : index
    %swap3A_1019 = arith.constant 0 : index
    %swap3A_1020 = vector.load %arg2[%swap3A_1018, %swap3A_1019] : memref<128x1xi32, #tpu.memory_space<vmem>>, vector<8x1xi32>
    tpu.vector_store %arg2[%swap3A_1018, %swap3A_1019], %reshape3A_1017 {strides = array<i32>} : memref<128x1xi32, #tpu.memory_space<vmem>>, vector<8x1xi32>,
    %get3A_1021 = arith.constant 0 : index
    %get3A_1022 = arith.constant 80 : index
    %get3A_1023 = vector.load %arg0[%get3A_1021, %get3A_1022] : memref<64x128xf32, #tpu.memory_space<vmem>>, vector<64x8xf32>
    %broadcast_in_dim3A_1024 = vector.shape_cast %get3A_1023 : vector<64x8xf32> to vector<64x8x1xf32>
    %broadcast_in_dim3A_1025 = vector.shape_cast %get3A_1 : vector<64x512xf32> to vector<64x1x512xf32>
    %sub3A_1026 = vector.broadcast %broadcast_in_dim3A_1024 : vector<64x8x1xf32> to vector<64x8x512xf32>
    %sub3A_1027 = vector.broadcast %broadcast_in_dim3A_1025 : vector<64x1x512xf32> to vector<64x8x512xf32>
    %sub3A_1028 = arith.subf %sub3A_1026, %sub3A_1027 : vector<64x8x512xf32>
    %mul3A_1029 = arith.mulf %sub3A_1028, %sub3A_1028 : vector<64x8x512xf32>
    %slice3A_1030 = vector.extract_strided_slice %mul3A_1029 {offsets = [0, 0, 0], sizes = [4, 8, 512], strides = [1, 1, 1]} : vector<64x8x512xf32> to vector<4x8x512xf32>
    %slice3A_1031 = vector.extract_strided_slice %mul3A_1029 {offsets = [4, 0, 0], sizes = [4, 8, 512], strides = [1, 1, 1]} : vector<64x8x512xf32> to vector<4x8x512xf32>
    %add3A_1032 = arith.addf %slice3A_1030, %slice3A_1031 : vector<4x8x512xf32>
    %slice3A_1033 = vector.extract_strided_slice %add3A_1032 {offsets = [0, 0, 0], sizes = [2, 8, 512], strides = [1, 1, 1]} : vector<4x8x512xf32> to vector<2x8x512xf32>
    %slice3A_1034 = vector.extract_strided_slice %add3A_1032 {offsets = [2, 0, 0], sizes = [2, 8, 512], strides = [1, 1, 1]} : vector<4x8x512xf32> to vector<2x8x512xf32>
    %add3A_1035 = arith.addf %slice3A_1033, %slice3A_1034 : vector<2x8x512xf32>
    %slice3A_1036 = vector.extract_strided_slice %add3A_1035 {offsets = [0, 0, 0], sizes = [1, 8, 512], strides = [1, 1, 1]} : vector<2x8x512xf32> to vector<1x8x512xf32>
    %slice3A_1037 = vector.extract_strided_slice %add3A_1035 {offsets = [1, 0, 0], sizes = [1, 8, 512], strides = [1, 1, 1]} : vector<2x8x512xf32> to vector<1x8x512xf32>
    %add3A_1038 = arith.addf %slice3A_1036, %slice3A_1037 : vector<1x8x512xf32>
    %slice3A_1039 = vector.extract_strided_slice %mul3A_1029 {offsets = [8, 0, 0], sizes = [4, 8, 512], strides = [1, 1, 1]} : vector<64x8x512xf32> to vector<4x8x512xf32>
    %slice3A_1040 = vector.extract_strided_slice %mul3A_1029 {offsets = [12, 0, 0], sizes = [4, 8, 512], strides = [1, 1, 1]} : vector<64x8x512xf32> to vector<4x8x512xf32>
    %add3A_1041 = arith.addf %slice3A_1039, %slice3A_1040 : vector<4x8x512xf32>
    %slice3A_1042 = vector.extract_strided_slice %add3A_1041 {offsets = [0, 0, 0], sizes = [2, 8, 512], strides = [1, 1, 1]} : vector<4x8x512xf32> to vector<2x8x512xf32>
    %slice3A_1043 = vector.extract_strided_slice %add3A_1041 {offsets = [2, 0, 0], sizes = [2, 8, 512], strides = [1, 1, 1]} : vector<4x8x512xf32> to vector<2x8x512xf32>
    %add3A_1044 = arith.addf %slice3A_1042, %slice3A_1043 : vector<2x8x512xf32>
    %slice3A_1045 = vector.extract_strided_slice %add3A_1044 {offsets = [0, 0, 0], sizes = [1, 8, 512], strides = [1, 1, 1]} : vector<2x8x512xf32> to vector<1x8x512xf32>
    %slice3A_1046 = vector.extract_strided_slice %add3A_1044 {offsets = [1, 0, 0], sizes = [1, 8, 512], strides = [1, 1, 1]} : vector<2x8x512xf32> to vector<1x8x512xf32>
    %add3A_1047 = arith.addf %slice3A_1045, %slice3A_1046 : vector<1x8x512xf32>
    %add3A_1048 = arith.addf %add3A_1038, %add3A_1047 : vector<1x8x512xf32>
    %slice3A_1049 = vector.extract_strided_slice %mul3A_1029 {offsets = [16, 0, 0], sizes = [4, 8, 512], strides = [1, 1, 1]} : vector<64x8x512xf32> to vector<4x8x512xf32>
    %slice3A_1050 = vector.extract_strided_slice %mul3A_1029 {offsets = [20, 0, 0], sizes = [4, 8, 512], strides = [1, 1, 1]} : vector<64x8x512xf32> to vector<4x8x512xf32>
    %add3A_1051 = arith.addf %slice3A_1049, %slice3A_1050 : vector<4x8x512xf32>
    %slice3A_1052 = vector.extract_strided_slice %add3A_1051 {offsets = [0, 0, 0], sizes = [2, 8, 512], strides = [1, 1, 1]} : vector<4x8x512xf32> to vector<2x8x512xf32>
    %slice3A_1053 = vector.extract_strided_slice %add3A_1051 {offsets = [2, 0, 0], sizes = [2, 8, 512], strides = [1, 1, 1]} : vector<4x8x512xf32> to vector<2x8x512xf32>
    %add3A_1054 = arith.addf %slice3A_1052, %slice3A_1053 : vector<2x8x512xf32>
    %slice3A_1055 = vector.extract_strided_slice %add3A_1054 {offsets = [0, 0, 0], sizes = [1, 8, 512], strides = [1, 1, 1]} : vector<2x8x512xf32> to vector<1x8x512xf32>
    %slice3A_1056 = vector.extract_strided_slice %add3A_1054 {offsets = [1, 0, 0], sizes = [1, 8, 512], strides = [1, 1, 1]} : vector<2x8x512xf32> to vector<1x8x512xf32>
    %add3A_1057 = arith.addf %slice3A_1055, %slice3A_1056 : vector<1x8x512xf32>
    %add3A_1058 = arith.addf %add3A_1048, %add3A_1057 : vector<1x8x512xf32>
    %slice3A_1059 = vector.extract_strided_slice %mul3A_1029 {offsets = [24, 0, 0], sizes = [4, 8, 512], strides = [1, 1, 1]} : vector<64x8x512xf32> to vector<4x8x512xf32>
    %slice3A_1060 = vector.extract_strided_slice %mul3A_1029 {offsets = [28, 0, 0], sizes = [4, 8, 512], strides = [1, 1, 1]} : vector<64x8x512xf32> to vector<4x8x512xf32>
    %add3A_1061 = arith.addf %slice3A_1059, %slice3A_1060 : vector<4x8x512xf32>
    %slice3A_1062 = vector.extract_strided_slice %add3A_1061 {offsets = [0, 0, 0], sizes = [2, 8, 512], strides = [1, 1, 1]} : vector<4x8x512xf32> to vector<2x8x512xf32>
    %slice3A_1063 = vector.extract_strided_slice %add3A_1061 {offsets = [2, 0, 0], sizes = [2, 8, 512], strides = [1, 1, 1]} : vector<4x8x512xf32> to vector<2x8x512xf32>
    %add3A_1064 = arith.addf %slice3A_1062, %slice3A_1063 : vector<2x8x512xf32>
    %slice3A_1065 = vector.extract_strided_slice %add3A_1064 {offsets = [0, 0, 0], sizes = [1, 8, 512], strides = [1, 1, 1]} : vector<2x8x512xf32> to vector<1x8x512xf32>
    %slice3A_1066 = vector.extract_strided_slice %add3A_1064 {offsets = [1, 0, 0], sizes = [1, 8, 512], strides = [1, 1, 1]} : vector<2x8x512xf32> to vector<1x8x512xf32>
    %add3A_1067 = arith.addf %slice3A_1065, %slice3A_1066 : vector<1x8x512xf32>
    %add3A_1068 = arith.addf %add3A_1058, %add3A_1067 : vector<1x8x512xf32>
    %slice3A_1069 = vector.extract_strided_slice %mul3A_1029 {offsets = [32, 0, 0], sizes = [4, 8, 512], strides = [1, 1, 1]} : vector<64x8x512xf32> to vector<4x8x512xf32>
    %slice3A_1070 = vector.extract_strided_slice %mul3A_1029 {offsets = [36, 0, 0], sizes = [4, 8, 512], strides = [1, 1, 1]} : vector<64x8x512xf32> to vector<4x8x512xf32>
    %add3A_1071 = arith.addf %slice3A_1069, %slice3A_1070 : vector<4x8x512xf32>
    %slice3A_1072 = vector.extract_strided_slice %add3A_1071 {offsets = [0, 0, 0], sizes = [2, 8, 512], strides = [1, 1, 1]} : vector<4x8x512xf32> to vector<2x8x512xf32>
    %slice3A_1073 = vector.extract_strided_slice %add3A_1071 {offsets = [2, 0, 0], sizes = [2, 8, 512], strides = [1, 1, 1]} : vector<4x8x512xf32> to vector<2x8x512xf32>
    %add3A_1074 = arith.addf %slice3A_1072, %slice3A_1073 : vector<2x8x512xf32>
    %slice3A_1075 = vector.extract_strided_slice %add3A_1074 {offsets = [0, 0, 0], sizes = [1, 8, 512], strides = [1, 1, 1]} : vector<2x8x512xf32> to vector<1x8x512xf32>
    %slice3A_1076 = vector.extract_strided_slice %add3A_1074 {offsets = [1, 0, 0], sizes = [1, 8, 512], strides = [1, 1, 1]} : vector<2x8x512xf32> to vector<1x8x512xf32>
    %add3A_1077 = arith.addf %slice3A_1075, %slice3A_1076 : vector<1x8x512xf32>
    %add3A_1078 = arith.addf %add3A_1068, %add3A_1077 : vector<1x8x512xf32>
    %slice3A_1079 = vector.extract_strided_slice %mul3A_1029 {offsets = [40, 0, 0], sizes = [4, 8, 512], strides = [1, 1, 1]} : vector<64x8x512xf32> to vector<4x8x512xf32>
    %slice3A_1080 = vector.extract_strided_slice %mul3A_1029 {offsets = [44, 0, 0], sizes = [4, 8, 512], strides = [1, 1, 1]} : vector<64x8x512xf32> to vector<4x8x512xf32>
    %add3A_1081 = arith.addf %slice3A_1079, %slice3A_1080 : vector<4x8x512xf32>
    %slice3A_1082 = vector.extract_strided_slice %add3A_1081 {offsets = [0, 0, 0], sizes = [2, 8, 512], strides = [1, 1, 1]} : vector<4x8x512xf32> to vector<2x8x512xf32>
    %slice3A_1083 = vector.extract_strided_slice %add3A_1081 {offsets = [2, 0, 0], sizes = [2, 8, 512], strides = [1, 1, 1]} : vector<4x8x512xf32> to vector<2x8x512xf32>
    %add3A_1084 = arith.addf %slice3A_1082, %slice3A_1083 : vector<2x8x512xf32>
    %slice3A_1085 = vector.extract_strided_slice %add3A_1084 {offsets = [0, 0, 0], sizes = [1, 8, 512], strides = [1, 1, 1]} : vector<2x8x512xf32> to vector<1x8x512xf32>
    %slice3A_1086 = vector.extract_strided_slice %add3A_1084 {offsets = [1, 0, 0], sizes = [1, 8, 512], strides = [1, 1, 1]} : vector<2x8x512xf32> to vector<1x8x512xf32>
    %add3A_1087 = arith.addf %slice3A_1085, %slice3A_1086 : vector<1x8x512xf32>
    %add3A_1088 = arith.addf %add3A_1078, %add3A_1087 : vector<1x8x512xf32>
    %slice3A_1089 = vector.extract_strided_slice %mul3A_1029 {offsets = [48, 0, 0], sizes = [4, 8, 512], strides = [1, 1, 1]} : vector<64x8x512xf32> to vector<4x8x512xf32>
    %slice3A_1090 = vector.extract_strided_slice %mul3A_1029 {offsets = [52, 0, 0], sizes = [4, 8, 512], strides = [1, 1, 1]} : vector<64x8x512xf32> to vector<4x8x512xf32>
    %add3A_1091 = arith.addf %slice3A_1089, %slice3A_1090 : vector<4x8x512xf32>
    %slice3A_1092 = vector.extract_strided_slice %add3A_1091 {offsets = [0, 0, 0], sizes = [2, 8, 512], strides = [1, 1, 1]} : vector<4x8x512xf32> to vector<2x8x512xf32>
    %slice3A_1093 = vector.extract_strided_slice %add3A_1091 {offsets = [2, 0, 0], sizes = [2, 8, 512], strides = [1, 1, 1]} : vector<4x8x512xf32> to vector<2x8x512xf32>
    %add3A_1094 = arith.addf %slice3A_1092, %slice3A_1093 : vector<2x8x512xf32>
    %slice3A_1095 = vector.extract_strided_slice %add3A_1094 {offsets = [0, 0, 0], sizes = [1, 8, 512], strides = [1, 1, 1]} : vector<2x8x512xf32> to vector<1x8x512xf32>
    %slice3A_1096 = vector.extract_strided_slice %add3A_1094 {offsets = [1, 0, 0], sizes = [1, 8, 512], strides = [1, 1, 1]} : vector<2x8x512xf32> to vector<1x8x512xf32>
    %add3A_1097 = arith.addf %slice3A_1095, %slice3A_1096 : vector<1x8x512xf32>
    %add3A_1098 = arith.addf %add3A_1088, %add3A_1097 : vector<1x8x512xf32>
    %slice3A_1099 = vector.extract_strided_slice %mul3A_1029 {offsets = [56, 0, 0], sizes = [4, 8, 512], strides = [1, 1, 1]} : vector<64x8x512xf32> to vector<4x8x512xf32>
    %slice3A_1100 = vector.extract_strided_slice %mul3A_1029 {offsets = [60, 0, 0], sizes = [4, 8, 512], strides = [1, 1, 1]} : vector<64x8x512xf32> to vector<4x8x512xf32>
    %add3A_1101 = arith.addf %slice3A_1099, %slice3A_1100 : vector<4x8x512xf32>
    %slice3A_1102 = vector.extract_strided_slice %add3A_1101 {offsets = [0, 0, 0], sizes = [2, 8, 512], strides = [1, 1, 1]} : vector<4x8x512xf32> to vector<2x8x512xf32>
    %slice3A_1103 = vector.extract_strided_slice %add3A_1101 {offsets = [2, 0, 0], sizes = [2, 8, 512], strides = [1, 1, 1]} : vector<4x8x512xf32> to vector<2x8x512xf32>
    %add3A_1104 = arith.addf %slice3A_1102, %slice3A_1103 : vector<2x8x512xf32>
    %slice3A_1105 = vector.extract_strided_slice %add3A_1104 {offsets = [0, 0, 0], sizes = [1, 8, 512], strides = [1, 1, 1]} : vector<2x8x512xf32> to vector<1x8x512xf32>
    %slice3A_1106 = vector.extract_strided_slice %add3A_1104 {offsets = [1, 0, 0], sizes = [1, 8, 512], strides = [1, 1, 1]} : vector<2x8x512xf32> to vector<1x8x512xf32>
    %add3A_1107 = arith.addf %slice3A_1105, %slice3A_1106 : vector<1x8x512xf32>
    %add3A_1108 = arith.addf %add3A_1098, %add3A_1107 : vector<1x8x512xf32>
    %reduce_min3A_1109 = arith.constant dense<0x7F800000> : vector<1x8xf32>
    %reduce_min3A_1110 = vector.multi_reduction <minimumf>, %add3A_1108, %reduce_min3A_1109 [2] : vector<1x8x512xf32> to vector<1x8xf32>
    %broadcast_in_dim3A_1111 = vector.shape_cast %reduce_min3A_1110 : vector<1x8xf32> to vector<1x8x1xf32>
    %eq3A_1112 = vector.broadcast %broadcast_in_dim3A_1111 : vector<1x8x1xf32> to vector<1x8x512xf32>
    %eq3A_1113 = arith.cmpf oeq, %add3A_1108, %eq3A_1112 : vector<1x8x512xf32>
    %jit3A_1114 = arith.constant 512 : i32
    %broadcast_in_dim3A_1115 = vector.broadcast %jit3A_1114 : i32 to vector<1x8x512xi32>
    %select_n3A_1116 = arith.select %eq3A_1113, %iota3A, %broadcast_in_dim3A_1115 : vector<1x8x512xi1>, vector<1x8x512xi32>
    %reduce_min3A_1117 = arith.constant dense<2147483647> : vector<1x8xi32>
    %reduce_min3A_1118 = vector.multi_reduction <minsi>, %select_n3A_1116, %reduce_min3A_1117 [2] : vector<1x8x512xi32> to vector<1x8xi32>
    %broadcast_in_dim3A_1119 = vector.shape_cast %reduce_min3A_1118 : vector<1x8xi32> to vector<1x8x1xi32>
    %reshape3A_1120 = vector.shape_cast %broadcast_in_dim3A_1119 : vector<1x8x1xi32> to vector<8x1xi32>
    %swap3A_1121 = arith.constant 80 : index
    %swap3A_1122 = arith.constant 0 : index
    %swap3A_1123 = vector.load %arg2[%swap3A_1121, %swap3A_1122] : memref<128x1xi32, #tpu.memory_space<vmem>>, vector<8x1xi32>
    tpu.vector_store %arg2[%swap3A_1121, %swap3A_1122], %reshape3A_1120 {strides = array<i32>} : memref<128x1xi32, #tpu.memory_space<vmem>>, vector<8x1xi32>,
    %get3A_1124 = arith.constant 0 : index
    %get3A_1125 = arith.constant 88 : index
    %get3A_1126 = vector.load %arg0[%get3A_1124, %get3A_1125] : memref<64x128xf32, #tpu.memory_space<vmem>>, vector<64x8xf32>
    %broadcast_in_dim3A_1127 = vector.shape_cast %get3A_1126 : vector<64x8xf32> to vector<64x8x1xf32>
    %broadcast_in_dim3A_1128 = vector.shape_cast %get3A_1 : vector<64x512xf32> to vector<64x1x512xf32>
    %sub3A_1129 = vector.broadcast %broadcast_in_dim3A_1127 : vector<64x8x1xf32> to vector<64x8x512xf32>
    %sub3A_1130 = vector.broadcast %broadcast_in_dim3A_1128 : vector<64x1x512xf32> to vector<64x8x512xf32>
    %sub3A_1131 = arith.subf %sub3A_1129, %sub3A_1130 : vector<64x8x512xf32>
    %mul3A_1132 = arith.mulf %sub3A_1131, %sub3A_1131 : vector<64x8x512xf32>
    %slice3A_1133 = vector.extract_strided_slice %mul3A_1132 {offsets = [0, 0, 0], sizes = [4, 8, 512], strides = [1, 1, 1]} : vector<64x8x512xf32> to vector<4x8x512xf32>
    %slice3A_1134 = vector.extract_strided_slice %mul3A_1132 {offsets = [4, 0, 0], sizes = [4, 8, 512], strides = [1, 1, 1]} : vector<64x8x512xf32> to vector<4x8x512xf32>
    %add3A_1135 = arith.addf %slice3A_1133, %slice3A_1134 : vector<4x8x512xf32>
    %slice3A_1136 = vector.extract_strided_slice %add3A_1135 {offsets = [0, 0, 0], sizes = [2, 8, 512], strides = [1, 1, 1]} : vector<4x8x512xf32> to vector<2x8x512xf32>
    %slice3A_1137 = vector.extract_strided_slice %add3A_1135 {offsets = [2, 0, 0], sizes = [2, 8, 512], strides = [1, 1, 1]} : vector<4x8x512xf32> to vector<2x8x512xf32>
    %add3A_1138 = arith.addf %slice3A_1136, %slice3A_1137 : vector<2x8x512xf32>
    %slice3A_1139 = vector.extract_strided_slice %add3A_1138 {offsets = [0, 0, 0], sizes = [1, 8, 512], strides = [1, 1, 1]} : vector<2x8x512xf32> to vector<1x8x512xf32>
    %slice3A_1140 = vector.extract_strided_slice %add3A_1138 {offsets = [1, 0, 0], sizes = [1, 8, 512], strides = [1, 1, 1]} : vector<2x8x512xf32> to vector<1x8x512xf32>
    %add3A_1141 = arith.addf %slice3A_1139, %slice3A_1140 : vector<1x8x512xf32>
    %slice3A_1142 = vector.extract_strided_slice %mul3A_1132 {offsets = [8, 0, 0], sizes = [4, 8, 512], strides = [1, 1, 1]} : vector<64x8x512xf32> to vector<4x8x512xf32>
    %slice3A_1143 = vector.extract_strided_slice %mul3A_1132 {offsets = [12, 0, 0], sizes = [4, 8, 512], strides = [1, 1, 1]} : vector<64x8x512xf32> to vector<4x8x512xf32>
    %add3A_1144 = arith.addf %slice3A_1142, %slice3A_1143 : vector<4x8x512xf32>
    %slice3A_1145 = vector.extract_strided_slice %add3A_1144 {offsets = [0, 0, 0], sizes = [2, 8, 512], strides = [1, 1, 1]} : vector<4x8x512xf32> to vector<2x8x512xf32>
    %slice3A_1146 = vector.extract_strided_slice %add3A_1144 {offsets = [2, 0, 0], sizes = [2, 8, 512], strides = [1, 1, 1]} : vector<4x8x512xf32> to vector<2x8x512xf32>
    %add3A_1147 = arith.addf %slice3A_1145, %slice3A_1146 : vector<2x8x512xf32>
    %slice3A_1148 = vector.extract_strided_slice %add3A_1147 {offsets = [0, 0, 0], sizes = [1, 8, 512], strides = [1, 1, 1]} : vector<2x8x512xf32> to vector<1x8x512xf32>
    %slice3A_1149 = vector.extract_strided_slice %add3A_1147 {offsets = [1, 0, 0], sizes = [1, 8, 512], strides = [1, 1, 1]} : vector<2x8x512xf32> to vector<1x8x512xf32>
    %add3A_1150 = arith.addf %slice3A_1148, %slice3A_1149 : vector<1x8x512xf32>
    %add3A_1151 = arith.addf %add3A_1141, %add3A_1150 : vector<1x8x512xf32>
    %slice3A_1152 = vector.extract_strided_slice %mul3A_1132 {offsets = [16, 0, 0], sizes = [4, 8, 512], strides = [1, 1, 1]} : vector<64x8x512xf32> to vector<4x8x512xf32>
    %slice3A_1153 = vector.extract_strided_slice %mul3A_1132 {offsets = [20, 0, 0], sizes = [4, 8, 512], strides = [1, 1, 1]} : vector<64x8x512xf32> to vector<4x8x512xf32>
    %add3A_1154 = arith.addf %slice3A_1152, %slice3A_1153 : vector<4x8x512xf32>
    %slice3A_1155 = vector.extract_strided_slice %add3A_1154 {offsets = [0, 0, 0], sizes = [2, 8, 512], strides = [1, 1, 1]} : vector<4x8x512xf32> to vector<2x8x512xf32>
    %slice3A_1156 = vector.extract_strided_slice %add3A_1154 {offsets = [2, 0, 0], sizes = [2, 8, 512], strides = [1, 1, 1]} : vector<4x8x512xf32> to vector<2x8x512xf32>
    %add3A_1157 = arith.addf %slice3A_1155, %slice3A_1156 : vector<2x8x512xf32>
    %slice3A_1158 = vector.extract_strided_slice %add3A_1157 {offsets = [0, 0, 0], sizes = [1, 8, 512], strides = [1, 1, 1]} : vector<2x8x512xf32> to vector<1x8x512xf32>
    %slice3A_1159 = vector.extract_strided_slice %add3A_1157 {offsets = [1, 0, 0], sizes = [1, 8, 512], strides = [1, 1, 1]} : vector<2x8x512xf32> to vector<1x8x512xf32>
    %add3A_1160 = arith.addf %slice3A_1158, %slice3A_1159 : vector<1x8x512xf32>
    %add3A_1161 = arith.addf %add3A_1151, %add3A_1160 : vector<1x8x512xf32>
    %slice3A_1162 = vector.extract_strided_slice %mul3A_1132 {offsets = [24, 0, 0], sizes = [4, 8, 512], strides = [1, 1, 1]} : vector<64x8x512xf32> to vector<4x8x512xf32>
    %slice3A_1163 = vector.extract_strided_slice %mul3A_1132 {offsets = [28, 0, 0], sizes = [4, 8, 512], strides = [1, 1, 1]} : vector<64x8x512xf32> to vector<4x8x512xf32>
    %add3A_1164 = arith.addf %slice3A_1162, %slice3A_1163 : vector<4x8x512xf32>
    %slice3A_1165 = vector.extract_strided_slice %add3A_1164 {offsets = [0, 0, 0], sizes = [2, 8, 512], strides = [1, 1, 1]} : vector<4x8x512xf32> to vector<2x8x512xf32>
    %slice3A_1166 = vector.extract_strided_slice %add3A_1164 {offsets = [2, 0, 0], sizes = [2, 8, 512], strides = [1, 1, 1]} : vector<4x8x512xf32> to vector<2x8x512xf32>
    %add3A_1167 = arith.addf %slice3A_1165, %slice3A_1166 : vector<2x8x512xf32>
    %slice3A_1168 = vector.extract_strided_slice %add3A_1167 {offsets = [0, 0, 0], sizes = [1, 8, 512], strides = [1, 1, 1]} : vector<2x8x512xf32> to vector<1x8x512xf32>
    %slice3A_1169 = vector.extract_strided_slice %add3A_1167 {offsets = [1, 0, 0], sizes = [1, 8, 512], strides = [1, 1, 1]} : vector<2x8x512xf32> to vector<1x8x512xf32>
    %add3A_1170 = arith.addf %slice3A_1168, %slice3A_1169 : vector<1x8x512xf32>
    %add3A_1171 = arith.addf %add3A_1161, %add3A_1170 : vector<1x8x512xf32>
    %slice3A_1172 = vector.extract_strided_slice %mul3A_1132 {offsets = [32, 0, 0], sizes = [4, 8, 512], strides = [1, 1, 1]} : vector<64x8x512xf32> to vector<4x8x512xf32>
    %slice3A_1173 = vector.extract_strided_slice %mul3A_1132 {offsets = [36, 0, 0], sizes = [4, 8, 512], strides = [1, 1, 1]} : vector<64x8x512xf32> to vector<4x8x512xf32>
    %add3A_1174 = arith.addf %slice3A_1172, %slice3A_1173 : vector<4x8x512xf32>
    %slice3A_1175 = vector.extract_strided_slice %add3A_1174 {offsets = [0, 0, 0], sizes = [2, 8, 512], strides = [1, 1, 1]} : vector<4x8x512xf32> to vector<2x8x512xf32>
    %slice3A_1176 = vector.extract_strided_slice %add3A_1174 {offsets = [2, 0, 0], sizes = [2, 8, 512], strides = [1, 1, 1]} : vector<4x8x512xf32> to vector<2x8x512xf32>
    %add3A_1177 = arith.addf %slice3A_1175, %slice3A_1176 : vector<2x8x512xf32>
    %slice3A_1178 = vector.extract_strided_slice %add3A_1177 {offsets = [0, 0, 0], sizes = [1, 8, 512], strides = [1, 1, 1]} : vector<2x8x512xf32> to vector<1x8x512xf32>
    %slice3A_1179 = vector.extract_strided_slice %add3A_1177 {offsets = [1, 0, 0], sizes = [1, 8, 512], strides = [1, 1, 1]} : vector<2x8x512xf32> to vector<1x8x512xf32>
    %add3A_1180 = arith.addf %slice3A_1178, %slice3A_1179 : vector<1x8x512xf32>
    %add3A_1181 = arith.addf %add3A_1171, %add3A_1180 : vector<1x8x512xf32>
    %slice3A_1182 = vector.extract_strided_slice %mul3A_1132 {offsets = [40, 0, 0], sizes = [4, 8, 512], strides = [1, 1, 1]} : vector<64x8x512xf32> to vector<4x8x512xf32>
    %slice3A_1183 = vector.extract_strided_slice %mul3A_1132 {offsets = [44, 0, 0], sizes = [4, 8, 512], strides = [1, 1, 1]} : vector<64x8x512xf32> to vector<4x8x512xf32>
    %add3A_1184 = arith.addf %slice3A_1182, %slice3A_1183 : vector<4x8x512xf32>
    %slice3A_1185 = vector.extract_strided_slice %add3A_1184 {offsets = [0, 0, 0], sizes = [2, 8, 512], strides = [1, 1, 1]} : vector<4x8x512xf32> to vector<2x8x512xf32>
    %slice3A_1186 = vector.extract_strided_slice %add3A_1184 {offsets = [2, 0, 0], sizes = [2, 8, 512], strides = [1, 1, 1]} : vector<4x8x512xf32> to vector<2x8x512xf32>
    %add3A_1187 = arith.addf %slice3A_1185, %slice3A_1186 : vector<2x8x512xf32>
    %slice3A_1188 = vector.extract_strided_slice %add3A_1187 {offsets = [0, 0, 0], sizes = [1, 8, 512], strides = [1, 1, 1]} : vector<2x8x512xf32> to vector<1x8x512xf32>
    %slice3A_1189 = vector.extract_strided_slice %add3A_1187 {offsets = [1, 0, 0], sizes = [1, 8, 512], strides = [1, 1, 1]} : vector<2x8x512xf32> to vector<1x8x512xf32>
    %add3A_1190 = arith.addf %slice3A_1188, %slice3A_1189 : vector<1x8x512xf32>
    %add3A_1191 = arith.addf %add3A_1181, %add3A_1190 : vector<1x8x512xf32>
    %slice3A_1192 = vector.extract_strided_slice %mul3A_1132 {offsets = [48, 0, 0], sizes = [4, 8, 512], strides = [1, 1, 1]} : vector<64x8x512xf32> to vector<4x8x512xf32>
    %slice3A_1193 = vector.extract_strided_slice %mul3A_1132 {offsets = [52, 0, 0], sizes = [4, 8, 512], strides = [1, 1, 1]} : vector<64x8x512xf32> to vector<4x8x512xf32>
    %add3A_1194 = arith.addf %slice3A_1192, %slice3A_1193 : vector<4x8x512xf32>
    %slice3A_1195 = vector.extract_strided_slice %add3A_1194 {offsets = [0, 0, 0], sizes = [2, 8, 512], strides = [1, 1, 1]} : vector<4x8x512xf32> to vector<2x8x512xf32>
    %slice3A_1196 = vector.extract_strided_slice %add3A_1194 {offsets = [2, 0, 0], sizes = [2, 8, 512], strides = [1, 1, 1]} : vector<4x8x512xf32> to vector<2x8x512xf32>
    %add3A_1197 = arith.addf %slice3A_1195, %slice3A_1196 : vector<2x8x512xf32>
    %slice3A_1198 = vector.extract_strided_slice %add3A_1197 {offsets = [0, 0, 0], sizes = [1, 8, 512], strides = [1, 1, 1]} : vector<2x8x512xf32> to vector<1x8x512xf32>
    %slice3A_1199 = vector.extract_strided_slice %add3A_1197 {offsets = [1, 0, 0], sizes = [1, 8, 512], strides = [1, 1, 1]} : vector<2x8x512xf32> to vector<1x8x512xf32>
    %add3A_1200 = arith.addf %slice3A_1198, %slice3A_1199 : vector<1x8x512xf32>
    %add3A_1201 = arith.addf %add3A_1191, %add3A_1200 : vector<1x8x512xf32>
    %slice3A_1202 = vector.extract_strided_slice %mul3A_1132 {offsets = [56, 0, 0], sizes = [4, 8, 512], strides = [1, 1, 1]} : vector<64x8x512xf32> to vector<4x8x512xf32>
    %slice3A_1203 = vector.extract_strided_slice %mul3A_1132 {offsets = [60, 0, 0], sizes = [4, 8, 512], strides = [1, 1, 1]} : vector<64x8x512xf32> to vector<4x8x512xf32>
    %add3A_1204 = arith.addf %slice3A_1202, %slice3A_1203 : vector<4x8x512xf32>
    %slice3A_1205 = vector.extract_strided_slice %add3A_1204 {offsets = [0, 0, 0], sizes = [2, 8, 512], strides = [1, 1, 1]} : vector<4x8x512xf32> to vector<2x8x512xf32>
    %slice3A_1206 = vector.extract_strided_slice %add3A_1204 {offsets = [2, 0, 0], sizes = [2, 8, 512], strides = [1, 1, 1]} : vector<4x8x512xf32> to vector<2x8x512xf32>
    %add3A_1207 = arith.addf %slice3A_1205, %slice3A_1206 : vector<2x8x512xf32>
    %slice3A_1208 = vector.extract_strided_slice %add3A_1207 {offsets = [0, 0, 0], sizes = [1, 8, 512], strides = [1, 1, 1]} : vector<2x8x512xf32> to vector<1x8x512xf32>
    %slice3A_1209 = vector.extract_strided_slice %add3A_1207 {offsets = [1, 0, 0], sizes = [1, 8, 512], strides = [1, 1, 1]} : vector<2x8x512xf32> to vector<1x8x512xf32>
    %add3A_1210 = arith.addf %slice3A_1208, %slice3A_1209 : vector<1x8x512xf32>
    %add3A_1211 = arith.addf %add3A_1201, %add3A_1210 : vector<1x8x512xf32>
    %reduce_min3A_1212 = arith.constant dense<0x7F800000> : vector<1x8xf32>
    %reduce_min3A_1213 = vector.multi_reduction <minimumf>, %add3A_1211, %reduce_min3A_1212 [2] : vector<1x8x512xf32> to vector<1x8xf32>
    %broadcast_in_dim3A_1214 = vector.shape_cast %reduce_min3A_1213 : vector<1x8xf32> to vector<1x8x1xf32>
    %eq3A_1215 = vector.broadcast %broadcast_in_dim3A_1214 : vector<1x8x1xf32> to vector<1x8x512xf32>
    %eq3A_1216 = arith.cmpf oeq, %add3A_1211, %eq3A_1215 : vector<1x8x512xf32>
    %jit3A_1217 = arith.constant 512 : i32
    %broadcast_in_dim3A_1218 = vector.broadcast %jit3A_1217 : i32 to vector<1x8x512xi32>
    %select_n3A_1219 = arith.select %eq3A_1216, %iota3A, %broadcast_in_dim3A_1218 : vector<1x8x512xi1>, vector<1x8x512xi32>
    %reduce_min3A_1220 = arith.constant dense<2147483647> : vector<1x8xi32>
    %reduce_min3A_1221 = vector.multi_reduction <minsi>, %select_n3A_1219, %reduce_min3A_1220 [2] : vector<1x8x512xi32> to vector<1x8xi32>
    %broadcast_in_dim3A_1222 = vector.shape_cast %reduce_min3A_1221 : vector<1x8xi32> to vector<1x8x1xi32>
    %reshape3A_1223 = vector.shape_cast %broadcast_in_dim3A_1222 : vector<1x8x1xi32> to vector<8x1xi32>
    %swap3A_1224 = arith.constant 88 : index
    %swap3A_1225 = arith.constant 0 : index
    %swap3A_1226 = vector.load %arg2[%swap3A_1224, %swap3A_1225] : memref<128x1xi32, #tpu.memory_space<vmem>>, vector<8x1xi32>
    tpu.vector_store %arg2[%swap3A_1224, %swap3A_1225], %reshape3A_1223 {strides = array<i32>} : memref<128x1xi32, #tpu.memory_space<vmem>>, vector<8x1xi32>,
    %get3A_1227 = arith.constant 0 : index
    %get3A_1228 = arith.constant 96 : index
    %get3A_1229 = vector.load %arg0[%get3A_1227, %get3A_1228] : memref<64x128xf32, #tpu.memory_space<vmem>>, vector<64x8xf32>
    %broadcast_in_dim3A_1230 = vector.shape_cast %get3A_1229 : vector<64x8xf32> to vector<64x8x1xf32>
    %broadcast_in_dim3A_1231 = vector.shape_cast %get3A_1 : vector<64x512xf32> to vector<64x1x512xf32>
    %sub3A_1232 = vector.broadcast %broadcast_in_dim3A_1230 : vector<64x8x1xf32> to vector<64x8x512xf32>
    %sub3A_1233 = vector.broadcast %broadcast_in_dim3A_1231 : vector<64x1x512xf32> to vector<64x8x512xf32>
    %sub3A_1234 = arith.subf %sub3A_1232, %sub3A_1233 : vector<64x8x512xf32>
    %mul3A_1235 = arith.mulf %sub3A_1234, %sub3A_1234 : vector<64x8x512xf32>
    %slice3A_1236 = vector.extract_strided_slice %mul3A_1235 {offsets = [0, 0, 0], sizes = [4, 8, 512], strides = [1, 1, 1]} : vector<64x8x512xf32> to vector<4x8x512xf32>
    %slice3A_1237 = vector.extract_strided_slice %mul3A_1235 {offsets = [4, 0, 0], sizes = [4, 8, 512], strides = [1, 1, 1]} : vector<64x8x512xf32> to vector<4x8x512xf32>
    %add3A_1238 = arith.addf %slice3A_1236, %slice3A_1237 : vector<4x8x512xf32>
    %slice3A_1239 = vector.extract_strided_slice %add3A_1238 {offsets = [0, 0, 0], sizes = [2, 8, 512], strides = [1, 1, 1]} : vector<4x8x512xf32> to vector<2x8x512xf32>
    %slice3A_1240 = vector.extract_strided_slice %add3A_1238 {offsets = [2, 0, 0], sizes = [2, 8, 512], strides = [1, 1, 1]} : vector<4x8x512xf32> to vector<2x8x512xf32>
    %add3A_1241 = arith.addf %slice3A_1239, %slice3A_1240 : vector<2x8x512xf32>
    %slice3A_1242 = vector.extract_strided_slice %add3A_1241 {offsets = [0, 0, 0], sizes = [1, 8, 512], strides = [1, 1, 1]} : vector<2x8x512xf32> to vector<1x8x512xf32>
    %slice3A_1243 = vector.extract_strided_slice %add3A_1241 {offsets = [1, 0, 0], sizes = [1, 8, 512], strides = [1, 1, 1]} : vector<2x8x512xf32> to vector<1x8x512xf32>
    %add3A_1244 = arith.addf %slice3A_1242, %slice3A_1243 : vector<1x8x512xf32>
    %slice3A_1245 = vector.extract_strided_slice %mul3A_1235 {offsets = [8, 0, 0], sizes = [4, 8, 512], strides = [1, 1, 1]} : vector<64x8x512xf32> to vector<4x8x512xf32>
    %slice3A_1246 = vector.extract_strided_slice %mul3A_1235 {offsets = [12, 0, 0], sizes = [4, 8, 512], strides = [1, 1, 1]} : vector<64x8x512xf32> to vector<4x8x512xf32>
    %add3A_1247 = arith.addf %slice3A_1245, %slice3A_1246 : vector<4x8x512xf32>
    %slice3A_1248 = vector.extract_strided_slice %add3A_1247 {offsets = [0, 0, 0], sizes = [2, 8, 512], strides = [1, 1, 1]} : vector<4x8x512xf32> to vector<2x8x512xf32>
    %slice3A_1249 = vector.extract_strided_slice %add3A_1247 {offsets = [2, 0, 0], sizes = [2, 8, 512], strides = [1, 1, 1]} : vector<4x8x512xf32> to vector<2x8x512xf32>
    %add3A_1250 = arith.addf %slice3A_1248, %slice3A_1249 : vector<2x8x512xf32>
    %slice3A_1251 = vector.extract_strided_slice %add3A_1250 {offsets = [0, 0, 0], sizes = [1, 8, 512], strides = [1, 1, 1]} : vector<2x8x512xf32> to vector<1x8x512xf32>
    %slice3A_1252 = vector.extract_strided_slice %add3A_1250 {offsets = [1, 0, 0], sizes = [1, 8, 512], strides = [1, 1, 1]} : vector<2x8x512xf32> to vector<1x8x512xf32>
    %add3A_1253 = arith.addf %slice3A_1251, %slice3A_1252 : vector<1x8x512xf32>
    %add3A_1254 = arith.addf %add3A_1244, %add3A_1253 : vector<1x8x512xf32>
    %slice3A_1255 = vector.extract_strided_slice %mul3A_1235 {offsets = [16, 0, 0], sizes = [4, 8, 512], strides = [1, 1, 1]} : vector<64x8x512xf32> to vector<4x8x512xf32>
    %slice3A_1256 = vector.extract_strided_slice %mul3A_1235 {offsets = [20, 0, 0], sizes = [4, 8, 512], strides = [1, 1, 1]} : vector<64x8x512xf32> to vector<4x8x512xf32>
    %add3A_1257 = arith.addf %slice3A_1255, %slice3A_1256 : vector<4x8x512xf32>
    %slice3A_1258 = vector.extract_strided_slice %add3A_1257 {offsets = [0, 0, 0], sizes = [2, 8, 512], strides = [1, 1, 1]} : vector<4x8x512xf32> to vector<2x8x512xf32>
    %slice3A_1259 = vector.extract_strided_slice %add3A_1257 {offsets = [2, 0, 0], sizes = [2, 8, 512], strides = [1, 1, 1]} : vector<4x8x512xf32> to vector<2x8x512xf32>
    %add3A_1260 = arith.addf %slice3A_1258, %slice3A_1259 : vector<2x8x512xf32>
    %slice3A_1261 = vector.extract_strided_slice %add3A_1260 {offsets = [0, 0, 0], sizes = [1, 8, 512], strides = [1, 1, 1]} : vector<2x8x512xf32> to vector<1x8x512xf32>
    %slice3A_1262 = vector.extract_strided_slice %add3A_1260 {offsets = [1, 0, 0], sizes = [1, 8, 512], strides = [1, 1, 1]} : vector<2x8x512xf32> to vector<1x8x512xf32>
    %add3A_1263 = arith.addf %slice3A_1261, %slice3A_1262 : vector<1x8x512xf32>
    %add3A_1264 = arith.addf %add3A_1254, %add3A_1263 : vector<1x8x512xf32>
    %slice3A_1265 = vector.extract_strided_slice %mul3A_1235 {offsets = [24, 0, 0], sizes = [4, 8, 512], strides = [1, 1, 1]} : vector<64x8x512xf32> to vector<4x8x512xf32>
    %slice3A_1266 = vector.extract_strided_slice %mul3A_1235 {offsets = [28, 0, 0], sizes = [4, 8, 512], strides = [1, 1, 1]} : vector<64x8x512xf32> to vector<4x8x512xf32>
    %add3A_1267 = arith.addf %slice3A_1265, %slice3A_1266 : vector<4x8x512xf32>
    %slice3A_1268 = vector.extract_strided_slice %add3A_1267 {offsets = [0, 0, 0], sizes = [2, 8, 512], strides = [1, 1, 1]} : vector<4x8x512xf32> to vector<2x8x512xf32>
    %slice3A_1269 = vector.extract_strided_slice %add3A_1267 {offsets = [2, 0, 0], sizes = [2, 8, 512], strides = [1, 1, 1]} : vector<4x8x512xf32> to vector<2x8x512xf32>
    %add3A_1270 = arith.addf %slice3A_1268, %slice3A_1269 : vector<2x8x512xf32>
    %slice3A_1271 = vector.extract_strided_slice %add3A_1270 {offsets = [0, 0, 0], sizes = [1, 8, 512], strides = [1, 1, 1]} : vector<2x8x512xf32> to vector<1x8x512xf32>
    %slice3A_1272 = vector.extract_strided_slice %add3A_1270 {offsets = [1, 0, 0], sizes = [1, 8, 512], strides = [1, 1, 1]} : vector<2x8x512xf32> to vector<1x8x512xf32>
    %add3A_1273 = arith.addf %slice3A_1271, %slice3A_1272 : vector<1x8x512xf32>
    %add3A_1274 = arith.addf %add3A_1264, %add3A_1273 : vector<1x8x512xf32>
    %slice3A_1275 = vector.extract_strided_slice %mul3A_1235 {offsets = [32, 0, 0], sizes = [4, 8, 512], strides = [1, 1, 1]} : vector<64x8x512xf32> to vector<4x8x512xf32>
    %slice3A_1276 = vector.extract_strided_slice %mul3A_1235 {offsets = [36, 0, 0], sizes = [4, 8, 512], strides = [1, 1, 1]} : vector<64x8x512xf32> to vector<4x8x512xf32>
    %add3A_1277 = arith.addf %slice3A_1275, %slice3A_1276 : vector<4x8x512xf32>
    %slice3A_1278 = vector.extract_strided_slice %add3A_1277 {offsets = [0, 0, 0], sizes = [2, 8, 512], strides = [1, 1, 1]} : vector<4x8x512xf32> to vector<2x8x512xf32>
    %slice3A_1279 = vector.extract_strided_slice %add3A_1277 {offsets = [2, 0, 0], sizes = [2, 8, 512], strides = [1, 1, 1]} : vector<4x8x512xf32> to vector<2x8x512xf32>
    %add3A_1280 = arith.addf %slice3A_1278, %slice3A_1279 : vector<2x8x512xf32>
    %slice3A_1281 = vector.extract_strided_slice %add3A_1280 {offsets = [0, 0, 0], sizes = [1, 8, 512], strides = [1, 1, 1]} : vector<2x8x512xf32> to vector<1x8x512xf32>
    %slice3A_1282 = vector.extract_strided_slice %add3A_1280 {offsets = [1, 0, 0], sizes = [1, 8, 512], strides = [1, 1, 1]} : vector<2x8x512xf32> to vector<1x8x512xf32>
    %add3A_1283 = arith.addf %slice3A_1281, %slice3A_1282 : vector<1x8x512xf32>
    %add3A_1284 = arith.addf %add3A_1274, %add3A_1283 : vector<1x8x512xf32>
    %slice3A_1285 = vector.extract_strided_slice %mul3A_1235 {offsets = [40, 0, 0], sizes = [4, 8, 512], strides = [1, 1, 1]} : vector<64x8x512xf32> to vector<4x8x512xf32>
    %slice3A_1286 = vector.extract_strided_slice %mul3A_1235 {offsets = [44, 0, 0], sizes = [4, 8, 512], strides = [1, 1, 1]} : vector<64x8x512xf32> to vector<4x8x512xf32>
    %add3A_1287 = arith.addf %slice3A_1285, %slice3A_1286 : vector<4x8x512xf32>
    %slice3A_1288 = vector.extract_strided_slice %add3A_1287 {offsets = [0, 0, 0], sizes = [2, 8, 512], strides = [1, 1, 1]} : vector<4x8x512xf32> to vector<2x8x512xf32>
    %slice3A_1289 = vector.extract_strided_slice %add3A_1287 {offsets = [2, 0, 0], sizes = [2, 8, 512], strides = [1, 1, 1]} : vector<4x8x512xf32> to vector<2x8x512xf32>
    %add3A_1290 = arith.addf %slice3A_1288, %slice3A_1289 : vector<2x8x512xf32>
    %slice3A_1291 = vector.extract_strided_slice %add3A_1290 {offsets = [0, 0, 0], sizes = [1, 8, 512], strides = [1, 1, 1]} : vector<2x8x512xf32> to vector<1x8x512xf32>
    %slice3A_1292 = vector.extract_strided_slice %add3A_1290 {offsets = [1, 0, 0], sizes = [1, 8, 512], strides = [1, 1, 1]} : vector<2x8x512xf32> to vector<1x8x512xf32>
    %add3A_1293 = arith.addf %slice3A_1291, %slice3A_1292 : vector<1x8x512xf32>
    %add3A_1294 = arith.addf %add3A_1284, %add3A_1293 : vector<1x8x512xf32>
    %slice3A_1295 = vector.extract_strided_slice %mul3A_1235 {offsets = [48, 0, 0], sizes = [4, 8, 512], strides = [1, 1, 1]} : vector<64x8x512xf32> to vector<4x8x512xf32>
    %slice3A_1296 = vector.extract_strided_slice %mul3A_1235 {offsets = [52, 0, 0], sizes = [4, 8, 512], strides = [1, 1, 1]} : vector<64x8x512xf32> to vector<4x8x512xf32>
    %add3A_1297 = arith.addf %slice3A_1295, %slice3A_1296 : vector<4x8x512xf32>
    %slice3A_1298 = vector.extract_strided_slice %add3A_1297 {offsets = [0, 0, 0], sizes = [2, 8, 512], strides = [1, 1, 1]} : vector<4x8x512xf32> to vector<2x8x512xf32>
    %slice3A_1299 = vector.extract_strided_slice %add3A_1297 {offsets = [2, 0, 0], sizes = [2, 8, 512], strides = [1, 1, 1]} : vector<4x8x512xf32> to vector<2x8x512xf32>
    %add3A_1300 = arith.addf %slice3A_1298, %slice3A_1299 : vector<2x8x512xf32>
    %slice3A_1301 = vector.extract_strided_slice %add3A_1300 {offsets = [0, 0, 0], sizes = [1, 8, 512], strides = [1, 1, 1]} : vector<2x8x512xf32> to vector<1x8x512xf32>
    %slice3A_1302 = vector.extract_strided_slice %add3A_1300 {offsets = [1, 0, 0], sizes = [1, 8, 512], strides = [1, 1, 1]} : vector<2x8x512xf32> to vector<1x8x512xf32>
    %add3A_1303 = arith.addf %slice3A_1301, %slice3A_1302 : vector<1x8x512xf32>
    %add3A_1304 = arith.addf %add3A_1294, %add3A_1303 : vector<1x8x512xf32>
    %slice3A_1305 = vector.extract_strided_slice %mul3A_1235 {offsets = [56, 0, 0], sizes = [4, 8, 512], strides = [1, 1, 1]} : vector<64x8x512xf32> to vector<4x8x512xf32>
    %slice3A_1306 = vector.extract_strided_slice %mul3A_1235 {offsets = [60, 0, 0], sizes = [4, 8, 512], strides = [1, 1, 1]} : vector<64x8x512xf32> to vector<4x8x512xf32>
    %add3A_1307 = arith.addf %slice3A_1305, %slice3A_1306 : vector<4x8x512xf32>
    %slice3A_1308 = vector.extract_strided_slice %add3A_1307 {offsets = [0, 0, 0], sizes = [2, 8, 512], strides = [1, 1, 1]} : vector<4x8x512xf32> to vector<2x8x512xf32>
    %slice3A_1309 = vector.extract_strided_slice %add3A_1307 {offsets = [2, 0, 0], sizes = [2, 8, 512], strides = [1, 1, 1]} : vector<4x8x512xf32> to vector<2x8x512xf32>
    %add3A_1310 = arith.addf %slice3A_1308, %slice3A_1309 : vector<2x8x512xf32>
    %slice3A_1311 = vector.extract_strided_slice %add3A_1310 {offsets = [0, 0, 0], sizes = [1, 8, 512], strides = [1, 1, 1]} : vector<2x8x512xf32> to vector<1x8x512xf32>
    %slice3A_1312 = vector.extract_strided_slice %add3A_1310 {offsets = [1, 0, 0], sizes = [1, 8, 512], strides = [1, 1, 1]} : vector<2x8x512xf32> to vector<1x8x512xf32>
    %add3A_1313 = arith.addf %slice3A_1311, %slice3A_1312 : vector<1x8x512xf32>
    %add3A_1314 = arith.addf %add3A_1304, %add3A_1313 : vector<1x8x512xf32>
    %reduce_min3A_1315 = arith.constant dense<0x7F800000> : vector<1x8xf32>
    %reduce_min3A_1316 = vector.multi_reduction <minimumf>, %add3A_1314, %reduce_min3A_1315 [2] : vector<1x8x512xf32> to vector<1x8xf32>
    %broadcast_in_dim3A_1317 = vector.shape_cast %reduce_min3A_1316 : vector<1x8xf32> to vector<1x8x1xf32>
    %eq3A_1318 = vector.broadcast %broadcast_in_dim3A_1317 : vector<1x8x1xf32> to vector<1x8x512xf32>
    %eq3A_1319 = arith.cmpf oeq, %add3A_1314, %eq3A_1318 : vector<1x8x512xf32>
    %jit3A_1320 = arith.constant 512 : i32
    %broadcast_in_dim3A_1321 = vector.broadcast %jit3A_1320 : i32 to vector<1x8x512xi32>
    %select_n3A_1322 = arith.select %eq3A_1319, %iota3A, %broadcast_in_dim3A_1321 : vector<1x8x512xi1>, vector<1x8x512xi32>
    %reduce_min3A_1323 = arith.constant dense<2147483647> : vector<1x8xi32>
    %reduce_min3A_1324 = vector.multi_reduction <minsi>, %select_n3A_1322, %reduce_min3A_1323 [2] : vector<1x8x512xi32> to vector<1x8xi32>
    %broadcast_in_dim3A_1325 = vector.shape_cast %reduce_min3A_1324 : vector<1x8xi32> to vector<1x8x1xi32>
    %reshape3A_1326 = vector.shape_cast %broadcast_in_dim3A_1325 : vector<1x8x1xi32> to vector<8x1xi32>
    %swap3A_1327 = arith.constant 96 : index
    %swap3A_1328 = arith.constant 0 : index
    %swap3A_1329 = vector.load %arg2[%swap3A_1327, %swap3A_1328] : memref<128x1xi32, #tpu.memory_space<vmem>>, vector<8x1xi32>
    tpu.vector_store %arg2[%swap3A_1327, %swap3A_1328], %reshape3A_1326 {strides = array<i32>} : memref<128x1xi32, #tpu.memory_space<vmem>>, vector<8x1xi32>,
    %get3A_1330 = arith.constant 0 : index
    %get3A_1331 = arith.constant 104 : index
    %get3A_1332 = vector.load %arg0[%get3A_1330, %get3A_1331] : memref<64x128xf32, #tpu.memory_space<vmem>>, vector<64x8xf32>
    %broadcast_in_dim3A_1333 = vector.shape_cast %get3A_1332 : vector<64x8xf32> to vector<64x8x1xf32>
    %broadcast_in_dim3A_1334 = vector.shape_cast %get3A_1 : vector<64x512xf32> to vector<64x1x512xf32>
    %sub3A_1335 = vector.broadcast %broadcast_in_dim3A_1333 : vector<64x8x1xf32> to vector<64x8x512xf32>
    %sub3A_1336 = vector.broadcast %broadcast_in_dim3A_1334 : vector<64x1x512xf32> to vector<64x8x512xf32>
    %sub3A_1337 = arith.subf %sub3A_1335, %sub3A_1336 : vector<64x8x512xf32>
    %mul3A_1338 = arith.mulf %sub3A_1337, %sub3A_1337 : vector<64x8x512xf32>
    %slice3A_1339 = vector.extract_strided_slice %mul3A_1338 {offsets = [0, 0, 0], sizes = [4, 8, 512], strides = [1, 1, 1]} : vector<64x8x512xf32> to vector<4x8x512xf32>
    %slice3A_1340 = vector.extract_strided_slice %mul3A_1338 {offsets = [4, 0, 0], sizes = [4, 8, 512], strides = [1, 1, 1]} : vector<64x8x512xf32> to vector<4x8x512xf32>
    %add3A_1341 = arith.addf %slice3A_1339, %slice3A_1340 : vector<4x8x512xf32>
    %slice3A_1342 = vector.extract_strided_slice %add3A_1341 {offsets = [0, 0, 0], sizes = [2, 8, 512], strides = [1, 1, 1]} : vector<4x8x512xf32> to vector<2x8x512xf32>
    %slice3A_1343 = vector.extract_strided_slice %add3A_1341 {offsets = [2, 0, 0], sizes = [2, 8, 512], strides = [1, 1, 1]} : vector<4x8x512xf32> to vector<2x8x512xf32>
    %add3A_1344 = arith.addf %slice3A_1342, %slice3A_1343 : vector<2x8x512xf32>
    %slice3A_1345 = vector.extract_strided_slice %add3A_1344 {offsets = [0, 0, 0], sizes = [1, 8, 512], strides = [1, 1, 1]} : vector<2x8x512xf32> to vector<1x8x512xf32>
    %slice3A_1346 = vector.extract_strided_slice %add3A_1344 {offsets = [1, 0, 0], sizes = [1, 8, 512], strides = [1, 1, 1]} : vector<2x8x512xf32> to vector<1x8x512xf32>
    %add3A_1347 = arith.addf %slice3A_1345, %slice3A_1346 : vector<1x8x512xf32>
    %slice3A_1348 = vector.extract_strided_slice %mul3A_1338 {offsets = [8, 0, 0], sizes = [4, 8, 512], strides = [1, 1, 1]} : vector<64x8x512xf32> to vector<4x8x512xf32>
    %slice3A_1349 = vector.extract_strided_slice %mul3A_1338 {offsets = [12, 0, 0], sizes = [4, 8, 512], strides = [1, 1, 1]} : vector<64x8x512xf32> to vector<4x8x512xf32>
    %add3A_1350 = arith.addf %slice3A_1348, %slice3A_1349 : vector<4x8x512xf32>
    %slice3A_1351 = vector.extract_strided_slice %add3A_1350 {offsets = [0, 0, 0], sizes = [2, 8, 512], strides = [1, 1, 1]} : vector<4x8x512xf32> to vector<2x8x512xf32>
    %slice3A_1352 = vector.extract_strided_slice %add3A_1350 {offsets = [2, 0, 0], sizes = [2, 8, 512], strides = [1, 1, 1]} : vector<4x8x512xf32> to vector<2x8x512xf32>
    %add3A_1353 = arith.addf %slice3A_1351, %slice3A_1352 : vector<2x8x512xf32>
    %slice3A_1354 = vector.extract_strided_slice %add3A_1353 {offsets = [0, 0, 0], sizes = [1, 8, 512], strides = [1, 1, 1]} : vector<2x8x512xf32> to vector<1x8x512xf32>
    %slice3A_1355 = vector.extract_strided_slice %add3A_1353 {offsets = [1, 0, 0], sizes = [1, 8, 512], strides = [1, 1, 1]} : vector<2x8x512xf32> to vector<1x8x512xf32>
    %add3A_1356 = arith.addf %slice3A_1354, %slice3A_1355 : vector<1x8x512xf32>
    %add3A_1357 = arith.addf %add3A_1347, %add3A_1356 : vector<1x8x512xf32>
    %slice3A_1358 = vector.extract_strided_slice %mul3A_1338 {offsets = [16, 0, 0], sizes = [4, 8, 512], strides = [1, 1, 1]} : vector<64x8x512xf32> to vector<4x8x512xf32>
    %slice3A_1359 = vector.extract_strided_slice %mul3A_1338 {offsets = [20, 0, 0], sizes = [4, 8, 512], strides = [1, 1, 1]} : vector<64x8x512xf32> to vector<4x8x512xf32>
    %add3A_1360 = arith.addf %slice3A_1358, %slice3A_1359 : vector<4x8x512xf32>
    %slice3A_1361 = vector.extract_strided_slice %add3A_1360 {offsets = [0, 0, 0], sizes = [2, 8, 512], strides = [1, 1, 1]} : vector<4x8x512xf32> to vector<2x8x512xf32>
    %slice3A_1362 = vector.extract_strided_slice %add3A_1360 {offsets = [2, 0, 0], sizes = [2, 8, 512], strides = [1, 1, 1]} : vector<4x8x512xf32> to vector<2x8x512xf32>
    %add3A_1363 = arith.addf %slice3A_1361, %slice3A_1362 : vector<2x8x512xf32>
    %slice3A_1364 = vector.extract_strided_slice %add3A_1363 {offsets = [0, 0, 0], sizes = [1, 8, 512], strides = [1, 1, 1]} : vector<2x8x512xf32> to vector<1x8x512xf32>
    %slice3A_1365 = vector.extract_strided_slice %add3A_1363 {offsets = [1, 0, 0], sizes = [1, 8, 512], strides = [1, 1, 1]} : vector<2x8x512xf32> to vector<1x8x512xf32>
    %add3A_1366 = arith.addf %slice3A_1364, %slice3A_1365 : vector<1x8x512xf32>
    %add3A_1367 = arith.addf %add3A_1357, %add3A_1366 : vector<1x8x512xf32>
    %slice3A_1368 = vector.extract_strided_slice %mul3A_1338 {offsets = [24, 0, 0], sizes = [4, 8, 512], strides = [1, 1, 1]} : vector<64x8x512xf32> to vector<4x8x512xf32>
    %slice3A_1369 = vector.extract_strided_slice %mul3A_1338 {offsets = [28, 0, 0], sizes = [4, 8, 512], strides = [1, 1, 1]} : vector<64x8x512xf32> to vector<4x8x512xf32>
    %add3A_1370 = arith.addf %slice3A_1368, %slice3A_1369 : vector<4x8x512xf32>
    %slice3A_1371 = vector.extract_strided_slice %add3A_1370 {offsets = [0, 0, 0], sizes = [2, 8, 512], strides = [1, 1, 1]} : vector<4x8x512xf32> to vector<2x8x512xf32>
    %slice3A_1372 = vector.extract_strided_slice %add3A_1370 {offsets = [2, 0, 0], sizes = [2, 8, 512], strides = [1, 1, 1]} : vector<4x8x512xf32> to vector<2x8x512xf32>
    %add3A_1373 = arith.addf %slice3A_1371, %slice3A_1372 : vector<2x8x512xf32>
    %slice3A_1374 = vector.extract_strided_slice %add3A_1373 {offsets = [0, 0, 0], sizes = [1, 8, 512], strides = [1, 1, 1]} : vector<2x8x512xf32> to vector<1x8x512xf32>
    %slice3A_1375 = vector.extract_strided_slice %add3A_1373 {offsets = [1, 0, 0], sizes = [1, 8, 512], strides = [1, 1, 1]} : vector<2x8x512xf32> to vector<1x8x512xf32>
    %add3A_1376 = arith.addf %slice3A_1374, %slice3A_1375 : vector<1x8x512xf32>
    %add3A_1377 = arith.addf %add3A_1367, %add3A_1376 : vector<1x8x512xf32>
    %slice3A_1378 = vector.extract_strided_slice %mul3A_1338 {offsets = [32, 0, 0], sizes = [4, 8, 512], strides = [1, 1, 1]} : vector<64x8x512xf32> to vector<4x8x512xf32>
    %slice3A_1379 = vector.extract_strided_slice %mul3A_1338 {offsets = [36, 0, 0], sizes = [4, 8, 512], strides = [1, 1, 1]} : vector<64x8x512xf32> to vector<4x8x512xf32>
    %add3A_1380 = arith.addf %slice3A_1378, %slice3A_1379 : vector<4x8x512xf32>
    %slice3A_1381 = vector.extract_strided_slice %add3A_1380 {offsets = [0, 0, 0], sizes = [2, 8, 512], strides = [1, 1, 1]} : vector<4x8x512xf32> to vector<2x8x512xf32>
    %slice3A_1382 = vector.extract_strided_slice %add3A_1380 {offsets = [2, 0, 0], sizes = [2, 8, 512], strides = [1, 1, 1]} : vector<4x8x512xf32> to vector<2x8x512xf32>
    %add3A_1383 = arith.addf %slice3A_1381, %slice3A_1382 : vector<2x8x512xf32>
    %slice3A_1384 = vector.extract_strided_slice %add3A_1383 {offsets = [0, 0, 0], sizes = [1, 8, 512], strides = [1, 1, 1]} : vector<2x8x512xf32> to vector<1x8x512xf32>
    %slice3A_1385 = vector.extract_strided_slice %add3A_1383 {offsets = [1, 0, 0], sizes = [1, 8, 512], strides = [1, 1, 1]} : vector<2x8x512xf32> to vector<1x8x512xf32>
    %add3A_1386 = arith.addf %slice3A_1384, %slice3A_1385 : vector<1x8x512xf32>
    %add3A_1387 = arith.addf %add3A_1377, %add3A_1386 : vector<1x8x512xf32>
    %slice3A_1388 = vector.extract_strided_slice %mul3A_1338 {offsets = [40, 0, 0], sizes = [4, 8, 512], strides = [1, 1, 1]} : vector<64x8x512xf32> to vector<4x8x512xf32>
    %slice3A_1389 = vector.extract_strided_slice %mul3A_1338 {offsets = [44, 0, 0], sizes = [4, 8, 512], strides = [1, 1, 1]} : vector<64x8x512xf32> to vector<4x8x512xf32>
    %add3A_1390 = arith.addf %slice3A_1388, %slice3A_1389 : vector<4x8x512xf32>
    %slice3A_1391 = vector.extract_strided_slice %add3A_1390 {offsets = [0, 0, 0], sizes = [2, 8, 512], strides = [1, 1, 1]} : vector<4x8x512xf32> to vector<2x8x512xf32>
    %slice3A_1392 = vector.extract_strided_slice %add3A_1390 {offsets = [2, 0, 0], sizes = [2, 8, 512], strides = [1, 1, 1]} : vector<4x8x512xf32> to vector<2x8x512xf32>
    %add3A_1393 = arith.addf %slice3A_1391, %slice3A_1392 : vector<2x8x512xf32>
    %slice3A_1394 = vector.extract_strided_slice %add3A_1393 {offsets = [0, 0, 0], sizes = [1, 8, 512], strides = [1, 1, 1]} : vector<2x8x512xf32> to vector<1x8x512xf32>
    %slice3A_1395 = vector.extract_strided_slice %add3A_1393 {offsets = [1, 0, 0], sizes = [1, 8, 512], strides = [1, 1, 1]} : vector<2x8x512xf32> to vector<1x8x512xf32>
    %add3A_1396 = arith.addf %slice3A_1394, %slice3A_1395 : vector<1x8x512xf32>
    %add3A_1397 = arith.addf %add3A_1387, %add3A_1396 : vector<1x8x512xf32>
    %slice3A_1398 = vector.extract_strided_slice %mul3A_1338 {offsets = [48, 0, 0], sizes = [4, 8, 512], strides = [1, 1, 1]} : vector<64x8x512xf32> to vector<4x8x512xf32>
    %slice3A_1399 = vector.extract_strided_slice %mul3A_1338 {offsets = [52, 0, 0], sizes = [4, 8, 512], strides = [1, 1, 1]} : vector<64x8x512xf32> to vector<4x8x512xf32>
    %add3A_1400 = arith.addf %slice3A_1398, %slice3A_1399 : vector<4x8x512xf32>
    %slice3A_1401 = vector.extract_strided_slice %add3A_1400 {offsets = [0, 0, 0], sizes = [2, 8, 512], strides = [1, 1, 1]} : vector<4x8x512xf32> to vector<2x8x512xf32>
    %slice3A_1402 = vector.extract_strided_slice %add3A_1400 {offsets = [2, 0, 0], sizes = [2, 8, 512], strides = [1, 1, 1]} : vector<4x8x512xf32> to vector<2x8x512xf32>
    %add3A_1403 = arith.addf %slice3A_1401, %slice3A_1402 : vector<2x8x512xf32>
    %slice3A_1404 = vector.extract_strided_slice %add3A_1403 {offsets = [0, 0, 0], sizes = [1, 8, 512], strides = [1, 1, 1]} : vector<2x8x512xf32> to vector<1x8x512xf32>
    %slice3A_1405 = vector.extract_strided_slice %add3A_1403 {offsets = [1, 0, 0], sizes = [1, 8, 512], strides = [1, 1, 1]} : vector<2x8x512xf32> to vector<1x8x512xf32>
    %add3A_1406 = arith.addf %slice3A_1404, %slice3A_1405 : vector<1x8x512xf32>
    %add3A_1407 = arith.addf %add3A_1397, %add3A_1406 : vector<1x8x512xf32>
    %slice3A_1408 = vector.extract_strided_slice %mul3A_1338 {offsets = [56, 0, 0], sizes = [4, 8, 512], strides = [1, 1, 1]} : vector<64x8x512xf32> to vector<4x8x512xf32>
    %slice3A_1409 = vector.extract_strided_slice %mul3A_1338 {offsets = [60, 0, 0], sizes = [4, 8, 512], strides = [1, 1, 1]} : vector<64x8x512xf32> to vector<4x8x512xf32>
    %add3A_1410 = arith.addf %slice3A_1408, %slice3A_1409 : vector<4x8x512xf32>
    %slice3A_1411 = vector.extract_strided_slice %add3A_1410 {offsets = [0, 0, 0], sizes = [2, 8, 512], strides = [1, 1, 1]} : vector<4x8x512xf32> to vector<2x8x512xf32>
    %slice3A_1412 = vector.extract_strided_slice %add3A_1410 {offsets = [2, 0, 0], sizes = [2, 8, 512], strides = [1, 1, 1]} : vector<4x8x512xf32> to vector<2x8x512xf32>
    %add3A_1413 = arith.addf %slice3A_1411, %slice3A_1412 : vector<2x8x512xf32>
    %slice3A_1414 = vector.extract_strided_slice %add3A_1413 {offsets = [0, 0, 0], sizes = [1, 8, 512], strides = [1, 1, 1]} : vector<2x8x512xf32> to vector<1x8x512xf32>
    %slice3A_1415 = vector.extract_strided_slice %add3A_1413 {offsets = [1, 0, 0], sizes = [1, 8, 512], strides = [1, 1, 1]} : vector<2x8x512xf32> to vector<1x8x512xf32>
    %add3A_1416 = arith.addf %slice3A_1414, %slice3A_1415 : vector<1x8x512xf32>
    %add3A_1417 = arith.addf %add3A_1407, %add3A_1416 : vector<1x8x512xf32>
    %reduce_min3A_1418 = arith.constant dense<0x7F800000> : vector<1x8xf32>
    %reduce_min3A_1419 = vector.multi_reduction <minimumf>, %add3A_1417, %reduce_min3A_1418 [2] : vector<1x8x512xf32> to vector<1x8xf32>
    %broadcast_in_dim3A_1420 = vector.shape_cast %reduce_min3A_1419 : vector<1x8xf32> to vector<1x8x1xf32>
    %eq3A_1421 = vector.broadcast %broadcast_in_dim3A_1420 : vector<1x8x1xf32> to vector<1x8x512xf32>
    %eq3A_1422 = arith.cmpf oeq, %add3A_1417, %eq3A_1421 : vector<1x8x512xf32>
    %jit3A_1423 = arith.constant 512 : i32
    %broadcast_in_dim3A_1424 = vector.broadcast %jit3A_1423 : i32 to vector<1x8x512xi32>
    %select_n3A_1425 = arith.select %eq3A_1422, %iota3A, %broadcast_in_dim3A_1424 : vector<1x8x512xi1>, vector<1x8x512xi32>
    %reduce_min3A_1426 = arith.constant dense<2147483647> : vector<1x8xi32>
    %reduce_min3A_1427 = vector.multi_reduction <minsi>, %select_n3A_1425, %reduce_min3A_1426 [2] : vector<1x8x512xi32> to vector<1x8xi32>
    %broadcast_in_dim3A_1428 = vector.shape_cast %reduce_min3A_1427 : vector<1x8xi32> to vector<1x8x1xi32>
    %reshape3A_1429 = vector.shape_cast %broadcast_in_dim3A_1428 : vector<1x8x1xi32> to vector<8x1xi32>
    %swap3A_1430 = arith.constant 104 : index
    %swap3A_1431 = arith.constant 0 : index
    %swap3A_1432 = vector.load %arg2[%swap3A_1430, %swap3A_1431] : memref<128x1xi32, #tpu.memory_space<vmem>>, vector<8x1xi32>
    tpu.vector_store %arg2[%swap3A_1430, %swap3A_1431], %reshape3A_1429 {strides = array<i32>} : memref<128x1xi32, #tpu.memory_space<vmem>>, vector<8x1xi32>,
    %get3A_1433 = arith.constant 0 : index
    %get3A_1434 = arith.constant 112 : index
    %get3A_1435 = vector.load %arg0[%get3A_1433, %get3A_1434] : memref<64x128xf32, #tpu.memory_space<vmem>>, vector<64x8xf32>
    %broadcast_in_dim3A_1436 = vector.shape_cast %get3A_1435 : vector<64x8xf32> to vector<64x8x1xf32>
    %broadcast_in_dim3A_1437 = vector.shape_cast %get3A_1 : vector<64x512xf32> to vector<64x1x512xf32>
    %sub3A_1438 = vector.broadcast %broadcast_in_dim3A_1436 : vector<64x8x1xf32> to vector<64x8x512xf32>
    %sub3A_1439 = vector.broadcast %broadcast_in_dim3A_1437 : vector<64x1x512xf32> to vector<64x8x512xf32>
    %sub3A_1440 = arith.subf %sub3A_1438, %sub3A_1439 : vector<64x8x512xf32>
    %mul3A_1441 = arith.mulf %sub3A_1440, %sub3A_1440 : vector<64x8x512xf32>
    %slice3A_1442 = vector.extract_strided_slice %mul3A_1441 {offsets = [0, 0, 0], sizes = [4, 8, 512], strides = [1, 1, 1]} : vector<64x8x512xf32> to vector<4x8x512xf32>
    %slice3A_1443 = vector.extract_strided_slice %mul3A_1441 {offsets = [4, 0, 0], sizes = [4, 8, 512], strides = [1, 1, 1]} : vector<64x8x512xf32> to vector<4x8x512xf32>
    %add3A_1444 = arith.addf %slice3A_1442, %slice3A_1443 : vector<4x8x512xf32>
    %slice3A_1445 = vector.extract_strided_slice %add3A_1444 {offsets = [0, 0, 0], sizes = [2, 8, 512], strides = [1, 1, 1]} : vector<4x8x512xf32> to vector<2x8x512xf32>
    %slice3A_1446 = vector.extract_strided_slice %add3A_1444 {offsets = [2, 0, 0], sizes = [2, 8, 512], strides = [1, 1, 1]} : vector<4x8x512xf32> to vector<2x8x512xf32>
    %add3A_1447 = arith.addf %slice3A_1445, %slice3A_1446 : vector<2x8x512xf32>
    %slice3A_1448 = vector.extract_strided_slice %add3A_1447 {offsets = [0, 0, 0], sizes = [1, 8, 512], strides = [1, 1, 1]} : vector<2x8x512xf32> to vector<1x8x512xf32>
    %slice3A_1449 = vector.extract_strided_slice %add3A_1447 {offsets = [1, 0, 0], sizes = [1, 8, 512], strides = [1, 1, 1]} : vector<2x8x512xf32> to vector<1x8x512xf32>
    %add3A_1450 = arith.addf %slice3A_1448, %slice3A_1449 : vector<1x8x512xf32>
    %slice3A_1451 = vector.extract_strided_slice %mul3A_1441 {offsets = [8, 0, 0], sizes = [4, 8, 512], strides = [1, 1, 1]} : vector<64x8x512xf32> to vector<4x8x512xf32>
    %slice3A_1452 = vector.extract_strided_slice %mul3A_1441 {offsets = [12, 0, 0], sizes = [4, 8, 512], strides = [1, 1, 1]} : vector<64x8x512xf32> to vector<4x8x512xf32>
    %add3A_1453 = arith.addf %slice3A_1451, %slice3A_1452 : vector<4x8x512xf32>
    %slice3A_1454 = vector.extract_strided_slice %add3A_1453 {offsets = [0, 0, 0], sizes = [2, 8, 512], strides = [1, 1, 1]} : vector<4x8x512xf32> to vector<2x8x512xf32>
    %slice3A_1455 = vector.extract_strided_slice %add3A_1453 {offsets = [2, 0, 0], sizes = [2, 8, 512], strides = [1, 1, 1]} : vector<4x8x512xf32> to vector<2x8x512xf32>
    %add3A_1456 = arith.addf %slice3A_1454, %slice3A_1455 : vector<2x8x512xf32>
    %slice3A_1457 = vector.extract_strided_slice %add3A_1456 {offsets = [0, 0, 0], sizes = [1, 8, 512], strides = [1, 1, 1]} : vector<2x8x512xf32> to vector<1x8x512xf32>
    %slice3A_1458 = vector.extract_strided_slice %add3A_1456 {offsets = [1, 0, 0], sizes = [1, 8, 512], strides = [1, 1, 1]} : vector<2x8x512xf32> to vector<1x8x512xf32>
    %add3A_1459 = arith.addf %slice3A_1457, %slice3A_1458 : vector<1x8x512xf32>
    %add3A_1460 = arith.addf %add3A_1450, %add3A_1459 : vector<1x8x512xf32>
    %slice3A_1461 = vector.extract_strided_slice %mul3A_1441 {offsets = [16, 0, 0], sizes = [4, 8, 512], strides = [1, 1, 1]} : vector<64x8x512xf32> to vector<4x8x512xf32>
    %slice3A_1462 = vector.extract_strided_slice %mul3A_1441 {offsets = [20, 0, 0], sizes = [4, 8, 512], strides = [1, 1, 1]} : vector<64x8x512xf32> to vector<4x8x512xf32>
    %add3A_1463 = arith.addf %slice3A_1461, %slice3A_1462 : vector<4x8x512xf32>
    %slice3A_1464 = vector.extract_strided_slice %add3A_1463 {offsets = [0, 0, 0], sizes = [2, 8, 512], strides = [1, 1, 1]} : vector<4x8x512xf32> to vector<2x8x512xf32>
    %slice3A_1465 = vector.extract_strided_slice %add3A_1463 {offsets = [2, 0, 0], sizes = [2, 8, 512], strides = [1, 1, 1]} : vector<4x8x512xf32> to vector<2x8x512xf32>
    %add3A_1466 = arith.addf %slice3A_1464, %slice3A_1465 : vector<2x8x512xf32>
    %slice3A_1467 = vector.extract_strided_slice %add3A_1466 {offsets = [0, 0, 0], sizes = [1, 8, 512], strides = [1, 1, 1]} : vector<2x8x512xf32> to vector<1x8x512xf32>
    %slice3A_1468 = vector.extract_strided_slice %add3A_1466 {offsets = [1, 0, 0], sizes = [1, 8, 512], strides = [1, 1, 1]} : vector<2x8x512xf32> to vector<1x8x512xf32>
    %add3A_1469 = arith.addf %slice3A_1467, %slice3A_1468 : vector<1x8x512xf32>
    %add3A_1470 = arith.addf %add3A_1460, %add3A_1469 : vector<1x8x512xf32>
    %slice3A_1471 = vector.extract_strided_slice %mul3A_1441 {offsets = [24, 0, 0], sizes = [4, 8, 512], strides = [1, 1, 1]} : vector<64x8x512xf32> to vector<4x8x512xf32>
    %slice3A_1472 = vector.extract_strided_slice %mul3A_1441 {offsets = [28, 0, 0], sizes = [4, 8, 512], strides = [1, 1, 1]} : vector<64x8x512xf32> to vector<4x8x512xf32>
    %add3A_1473 = arith.addf %slice3A_1471, %slice3A_1472 : vector<4x8x512xf32>
    %slice3A_1474 = vector.extract_strided_slice %add3A_1473 {offsets = [0, 0, 0], sizes = [2, 8, 512], strides = [1, 1, 1]} : vector<4x8x512xf32> to vector<2x8x512xf32>
    %slice3A_1475 = vector.extract_strided_slice %add3A_1473 {offsets = [2, 0, 0], sizes = [2, 8, 512], strides = [1, 1, 1]} : vector<4x8x512xf32> to vector<2x8x512xf32>
    %add3A_1476 = arith.addf %slice3A_1474, %slice3A_1475 : vector<2x8x512xf32>
    %slice3A_1477 = vector.extract_strided_slice %add3A_1476 {offsets = [0, 0, 0], sizes = [1, 8, 512], strides = [1, 1, 1]} : vector<2x8x512xf32> to vector<1x8x512xf32>
    %slice3A_1478 = vector.extract_strided_slice %add3A_1476 {offsets = [1, 0, 0], sizes = [1, 8, 512], strides = [1, 1, 1]} : vector<2x8x512xf32> to vector<1x8x512xf32>
    %add3A_1479 = arith.addf %slice3A_1477, %slice3A_1478 : vector<1x8x512xf32>
    %add3A_1480 = arith.addf %add3A_1470, %add3A_1479 : vector<1x8x512xf32>
    %slice3A_1481 = vector.extract_strided_slice %mul3A_1441 {offsets = [32, 0, 0], sizes = [4, 8, 512], strides = [1, 1, 1]} : vector<64x8x512xf32> to vector<4x8x512xf32>
    %slice3A_1482 = vector.extract_strided_slice %mul3A_1441 {offsets = [36, 0, 0], sizes = [4, 8, 512], strides = [1, 1, 1]} : vector<64x8x512xf32> to vector<4x8x512xf32>
    %add3A_1483 = arith.addf %slice3A_1481, %slice3A_1482 : vector<4x8x512xf32>
    %slice3A_1484 = vector.extract_strided_slice %add3A_1483 {offsets = [0, 0, 0], sizes = [2, 8, 512], strides = [1, 1, 1]} : vector<4x8x512xf32> to vector<2x8x512xf32>
    %slice3A_1485 = vector.extract_strided_slice %add3A_1483 {offsets = [2, 0, 0], sizes = [2, 8, 512], strides = [1, 1, 1]} : vector<4x8x512xf32> to vector<2x8x512xf32>
    %add3A_1486 = arith.addf %slice3A_1484, %slice3A_1485 : vector<2x8x512xf32>
    %slice3A_1487 = vector.extract_strided_slice %add3A_1486 {offsets = [0, 0, 0], sizes = [1, 8, 512], strides = [1, 1, 1]} : vector<2x8x512xf32> to vector<1x8x512xf32>
    %slice3A_1488 = vector.extract_strided_slice %add3A_1486 {offsets = [1, 0, 0], sizes = [1, 8, 512], strides = [1, 1, 1]} : vector<2x8x512xf32> to vector<1x8x512xf32>
    %add3A_1489 = arith.addf %slice3A_1487, %slice3A_1488 : vector<1x8x512xf32>
    %add3A_1490 = arith.addf %add3A_1480, %add3A_1489 : vector<1x8x512xf32>
    %slice3A_1491 = vector.extract_strided_slice %mul3A_1441 {offsets = [40, 0, 0], sizes = [4, 8, 512], strides = [1, 1, 1]} : vector<64x8x512xf32> to vector<4x8x512xf32>
    %slice3A_1492 = vector.extract_strided_slice %mul3A_1441 {offsets = [44, 0, 0], sizes = [4, 8, 512], strides = [1, 1, 1]} : vector<64x8x512xf32> to vector<4x8x512xf32>
    %add3A_1493 = arith.addf %slice3A_1491, %slice3A_1492 : vector<4x8x512xf32>
    %slice3A_1494 = vector.extract_strided_slice %add3A_1493 {offsets = [0, 0, 0], sizes = [2, 8, 512], strides = [1, 1, 1]} : vector<4x8x512xf32> to vector<2x8x512xf32>
    %slice3A_1495 = vector.extract_strided_slice %add3A_1493 {offsets = [2, 0, 0], sizes = [2, 8, 512], strides = [1, 1, 1]} : vector<4x8x512xf32> to vector<2x8x512xf32>
    %add3A_1496 = arith.addf %slice3A_1494, %slice3A_1495 : vector<2x8x512xf32>
    %slice3A_1497 = vector.extract_strided_slice %add3A_1496 {offsets = [0, 0, 0], sizes = [1, 8, 512], strides = [1, 1, 1]} : vector<2x8x512xf32> to vector<1x8x512xf32>
    %slice3A_1498 = vector.extract_strided_slice %add3A_1496 {offsets = [1, 0, 0], sizes = [1, 8, 512], strides = [1, 1, 1]} : vector<2x8x512xf32> to vector<1x8x512xf32>
    %add3A_1499 = arith.addf %slice3A_1497, %slice3A_1498 : vector<1x8x512xf32>
    %add3A_1500 = arith.addf %add3A_1490, %add3A_1499 : vector<1x8x512xf32>
    %slice3A_1501 = vector.extract_strided_slice %mul3A_1441 {offsets = [48, 0, 0], sizes = [4, 8, 512], strides = [1, 1, 1]} : vector<64x8x512xf32> to vector<4x8x512xf32>
    %slice3A_1502 = vector.extract_strided_slice %mul3A_1441 {offsets = [52, 0, 0], sizes = [4, 8, 512], strides = [1, 1, 1]} : vector<64x8x512xf32> to vector<4x8x512xf32>
    %add3A_1503 = arith.addf %slice3A_1501, %slice3A_1502 : vector<4x8x512xf32>
    %slice3A_1504 = vector.extract_strided_slice %add3A_1503 {offsets = [0, 0, 0], sizes = [2, 8, 512], strides = [1, 1, 1]} : vector<4x8x512xf32> to vector<2x8x512xf32>
    %slice3A_1505 = vector.extract_strided_slice %add3A_1503 {offsets = [2, 0, 0], sizes = [2, 8, 512], strides = [1, 1, 1]} : vector<4x8x512xf32> to vector<2x8x512xf32>
    %add3A_1506 = arith.addf %slice3A_1504, %slice3A_1505 : vector<2x8x512xf32>
    %slice3A_1507 = vector.extract_strided_slice %add3A_1506 {offsets = [0, 0, 0], sizes = [1, 8, 512], strides = [1, 1, 1]} : vector<2x8x512xf32> to vector<1x8x512xf32>
    %slice3A_1508 = vector.extract_strided_slice %add3A_1506 {offsets = [1, 0, 0], sizes = [1, 8, 512], strides = [1, 1, 1]} : vector<2x8x512xf32> to vector<1x8x512xf32>
    %add3A_1509 = arith.addf %slice3A_1507, %slice3A_1508 : vector<1x8x512xf32>
    %add3A_1510 = arith.addf %add3A_1500, %add3A_1509 : vector<1x8x512xf32>
    %slice3A_1511 = vector.extract_strided_slice %mul3A_1441 {offsets = [56, 0, 0], sizes = [4, 8, 512], strides = [1, 1, 1]} : vector<64x8x512xf32> to vector<4x8x512xf32>
    %slice3A_1512 = vector.extract_strided_slice %mul3A_1441 {offsets = [60, 0, 0], sizes = [4, 8, 512], strides = [1, 1, 1]} : vector<64x8x512xf32> to vector<4x8x512xf32>
    %add3A_1513 = arith.addf %slice3A_1511, %slice3A_1512 : vector<4x8x512xf32>
    %slice3A_1514 = vector.extract_strided_slice %add3A_1513 {offsets = [0, 0, 0], sizes = [2, 8, 512], strides = [1, 1, 1]} : vector<4x8x512xf32> to vector<2x8x512xf32>
    %slice3A_1515 = vector.extract_strided_slice %add3A_1513 {offsets = [2, 0, 0], sizes = [2, 8, 512], strides = [1, 1, 1]} : vector<4x8x512xf32> to vector<2x8x512xf32>
    %add3A_1516 = arith.addf %slice3A_1514, %slice3A_1515 : vector<2x8x512xf32>
    %slice3A_1517 = vector.extract_strided_slice %add3A_1516 {offsets = [0, 0, 0], sizes = [1, 8, 512], strides = [1, 1, 1]} : vector<2x8x512xf32> to vector<1x8x512xf32>
    %slice3A_1518 = vector.extract_strided_slice %add3A_1516 {offsets = [1, 0, 0], sizes = [1, 8, 512], strides = [1, 1, 1]} : vector<2x8x512xf32> to vector<1x8x512xf32>
    %add3A_1519 = arith.addf %slice3A_1517, %slice3A_1518 : vector<1x8x512xf32>
    %add3A_1520 = arith.addf %add3A_1510, %add3A_1519 : vector<1x8x512xf32>
    %reduce_min3A_1521 = arith.constant dense<0x7F800000> : vector<1x8xf32>
    %reduce_min3A_1522 = vector.multi_reduction <minimumf>, %add3A_1520, %reduce_min3A_1521 [2] : vector<1x8x512xf32> to vector<1x8xf32>
    %broadcast_in_dim3A_1523 = vector.shape_cast %reduce_min3A_1522 : vector<1x8xf32> to vector<1x8x1xf32>
    %eq3A_1524 = vector.broadcast %broadcast_in_dim3A_1523 : vector<1x8x1xf32> to vector<1x8x512xf32>
    %eq3A_1525 = arith.cmpf oeq, %add3A_1520, %eq3A_1524 : vector<1x8x512xf32>
    %jit3A_1526 = arith.constant 512 : i32
    %broadcast_in_dim3A_1527 = vector.broadcast %jit3A_1526 : i32 to vector<1x8x512xi32>
    %select_n3A_1528 = arith.select %eq3A_1525, %iota3A, %broadcast_in_dim3A_1527 : vector<1x8x512xi1>, vector<1x8x512xi32>
    %reduce_min3A_1529 = arith.constant dense<2147483647> : vector<1x8xi32>
    %reduce_min3A_1530 = vector.multi_reduction <minsi>, %select_n3A_1528, %reduce_min3A_1529 [2] : vector<1x8x512xi32> to vector<1x8xi32>
    %broadcast_in_dim3A_1531 = vector.shape_cast %reduce_min3A_1530 : vector<1x8xi32> to vector<1x8x1xi32>
    %reshape3A_1532 = vector.shape_cast %broadcast_in_dim3A_1531 : vector<1x8x1xi32> to vector<8x1xi32>
    %swap3A_1533 = arith.constant 112 : index
    %swap3A_1534 = arith.constant 0 : index
    %swap3A_1535 = vector.load %arg2[%swap3A_1533, %swap3A_1534] : memref<128x1xi32, #tpu.memory_space<vmem>>, vector<8x1xi32>
    tpu.vector_store %arg2[%swap3A_1533, %swap3A_1534], %reshape3A_1532 {strides = array<i32>} : memref<128x1xi32, #tpu.memory_space<vmem>>, vector<8x1xi32>,
    %get3A_1536 = arith.constant 0 : index
    %get3A_1537 = arith.constant 120 : index
    %get3A_1538 = vector.load %arg0[%get3A_1536, %get3A_1537] : memref<64x128xf32, #tpu.memory_space<vmem>>, vector<64x8xf32>
    %broadcast_in_dim3A_1539 = vector.shape_cast %get3A_1538 : vector<64x8xf32> to vector<64x8x1xf32>
    %broadcast_in_dim3A_1540 = vector.shape_cast %get3A_1 : vector<64x512xf32> to vector<64x1x512xf32>
    %sub3A_1541 = vector.broadcast %broadcast_in_dim3A_1539 : vector<64x8x1xf32> to vector<64x8x512xf32>
    %sub3A_1542 = vector.broadcast %broadcast_in_dim3A_1540 : vector<64x1x512xf32> to vector<64x8x512xf32>
    %sub3A_1543 = arith.subf %sub3A_1541, %sub3A_1542 : vector<64x8x512xf32>
    %mul3A_1544 = arith.mulf %sub3A_1543, %sub3A_1543 : vector<64x8x512xf32>
    %slice3A_1545 = vector.extract_strided_slice %mul3A_1544 {offsets = [0, 0, 0], sizes = [4, 8, 512], strides = [1, 1, 1]} : vector<64x8x512xf32> to vector<4x8x512xf32>
    %slice3A_1546 = vector.extract_strided_slice %mul3A_1544 {offsets = [4, 0, 0], sizes = [4, 8, 512], strides = [1, 1, 1]} : vector<64x8x512xf32> to vector<4x8x512xf32>
    %add3A_1547 = arith.addf %slice3A_1545, %slice3A_1546 : vector<4x8x512xf32>
    %slice3A_1548 = vector.extract_strided_slice %add3A_1547 {offsets = [0, 0, 0], sizes = [2, 8, 512], strides = [1, 1, 1]} : vector<4x8x512xf32> to vector<2x8x512xf32>
    %slice3A_1549 = vector.extract_strided_slice %add3A_1547 {offsets = [2, 0, 0], sizes = [2, 8, 512], strides = [1, 1, 1]} : vector<4x8x512xf32> to vector<2x8x512xf32>
    %add3A_1550 = arith.addf %slice3A_1548, %slice3A_1549 : vector<2x8x512xf32>
    %slice3A_1551 = vector.extract_strided_slice %add3A_1550 {offsets = [0, 0, 0], sizes = [1, 8, 512], strides = [1, 1, 1]} : vector<2x8x512xf32> to vector<1x8x512xf32>
    %slice3A_1552 = vector.extract_strided_slice %add3A_1550 {offsets = [1, 0, 0], sizes = [1, 8, 512], strides = [1, 1, 1]} : vector<2x8x512xf32> to vector<1x8x512xf32>
    %add3A_1553 = arith.addf %slice3A_1551, %slice3A_1552 : vector<1x8x512xf32>
    %slice3A_1554 = vector.extract_strided_slice %mul3A_1544 {offsets = [8, 0, 0], sizes = [4, 8, 512], strides = [1, 1, 1]} : vector<64x8x512xf32> to vector<4x8x512xf32>
    %slice3A_1555 = vector.extract_strided_slice %mul3A_1544 {offsets = [12, 0, 0], sizes = [4, 8, 512], strides = [1, 1, 1]} : vector<64x8x512xf32> to vector<4x8x512xf32>
    %add3A_1556 = arith.addf %slice3A_1554, %slice3A_1555 : vector<4x8x512xf32>
    %slice3A_1557 = vector.extract_strided_slice %add3A_1556 {offsets = [0, 0, 0], sizes = [2, 8, 512], strides = [1, 1, 1]} : vector<4x8x512xf32> to vector<2x8x512xf32>
    %slice3A_1558 = vector.extract_strided_slice %add3A_1556 {offsets = [2, 0, 0], sizes = [2, 8, 512], strides = [1, 1, 1]} : vector<4x8x512xf32> to vector<2x8x512xf32>
    %add3A_1559 = arith.addf %slice3A_1557, %slice3A_1558 : vector<2x8x512xf32>
    %slice3A_1560 = vector.extract_strided_slice %add3A_1559 {offsets = [0, 0, 0], sizes = [1, 8, 512], strides = [1, 1, 1]} : vector<2x8x512xf32> to vector<1x8x512xf32>
    %slice3A_1561 = vector.extract_strided_slice %add3A_1559 {offsets = [1, 0, 0], sizes = [1, 8, 512], strides = [1, 1, 1]} : vector<2x8x512xf32> to vector<1x8x512xf32>
    %add3A_1562 = arith.addf %slice3A_1560, %slice3A_1561 : vector<1x8x512xf32>
    %add3A_1563 = arith.addf %add3A_1553, %add3A_1562 : vector<1x8x512xf32>
    %slice3A_1564 = vector.extract_strided_slice %mul3A_1544 {offsets = [16, 0, 0], sizes = [4, 8, 512], strides = [1, 1, 1]} : vector<64x8x512xf32> to vector<4x8x512xf32>
    %slice3A_1565 = vector.extract_strided_slice %mul3A_1544 {offsets = [20, 0, 0], sizes = [4, 8, 512], strides = [1, 1, 1]} : vector<64x8x512xf32> to vector<4x8x512xf32>
    %add3A_1566 = arith.addf %slice3A_1564, %slice3A_1565 : vector<4x8x512xf32>
    %slice3A_1567 = vector.extract_strided_slice %add3A_1566 {offsets = [0, 0, 0], sizes = [2, 8, 512], strides = [1, 1, 1]} : vector<4x8x512xf32> to vector<2x8x512xf32>
    %slice3A_1568 = vector.extract_strided_slice %add3A_1566 {offsets = [2, 0, 0], sizes = [2, 8, 512], strides = [1, 1, 1]} : vector<4x8x512xf32> to vector<2x8x512xf32>
    %add3A_1569 = arith.addf %slice3A_1567, %slice3A_1568 : vector<2x8x512xf32>
    %slice3A_1570 = vector.extract_strided_slice %add3A_1569 {offsets = [0, 0, 0], sizes = [1, 8, 512], strides = [1, 1, 1]} : vector<2x8x512xf32> to vector<1x8x512xf32>
    %slice3A_1571 = vector.extract_strided_slice %add3A_1569 {offsets = [1, 0, 0], sizes = [1, 8, 512], strides = [1, 1, 1]} : vector<2x8x512xf32> to vector<1x8x512xf32>
    %add3A_1572 = arith.addf %slice3A_1570, %slice3A_1571 : vector<1x8x512xf32>
    %add3A_1573 = arith.addf %add3A_1563, %add3A_1572 : vector<1x8x512xf32>
    %slice3A_1574 = vector.extract_strided_slice %mul3A_1544 {offsets = [24, 0, 0], sizes = [4, 8, 512], strides = [1, 1, 1]} : vector<64x8x512xf32> to vector<4x8x512xf32>
    %slice3A_1575 = vector.extract_strided_slice %mul3A_1544 {offsets = [28, 0, 0], sizes = [4, 8, 512], strides = [1, 1, 1]} : vector<64x8x512xf32> to vector<4x8x512xf32>
    %add3A_1576 = arith.addf %slice3A_1574, %slice3A_1575 : vector<4x8x512xf32>
    %slice3A_1577 = vector.extract_strided_slice %add3A_1576 {offsets = [0, 0, 0], sizes = [2, 8, 512], strides = [1, 1, 1]} : vector<4x8x512xf32> to vector<2x8x512xf32>
    %slice3A_1578 = vector.extract_strided_slice %add3A_1576 {offsets = [2, 0, 0], sizes = [2, 8, 512], strides = [1, 1, 1]} : vector<4x8x512xf32> to vector<2x8x512xf32>
    %add3A_1579 = arith.addf %slice3A_1577, %slice3A_1578 : vector<2x8x512xf32>
    %slice3A_1580 = vector.extract_strided_slice %add3A_1579 {offsets = [0, 0, 0], sizes = [1, 8, 512], strides = [1, 1, 1]} : vector<2x8x512xf32> to vector<1x8x512xf32>
    %slice3A_1581 = vector.extract_strided_slice %add3A_1579 {offsets = [1, 0, 0], sizes = [1, 8, 512], strides = [1, 1, 1]} : vector<2x8x512xf32> to vector<1x8x512xf32>
    %add3A_1582 = arith.addf %slice3A_1580, %slice3A_1581 : vector<1x8x512xf32>
    %add3A_1583 = arith.addf %add3A_1573, %add3A_1582 : vector<1x8x512xf32>
    %slice3A_1584 = vector.extract_strided_slice %mul3A_1544 {offsets = [32, 0, 0], sizes = [4, 8, 512], strides = [1, 1, 1]} : vector<64x8x512xf32> to vector<4x8x512xf32>
    %slice3A_1585 = vector.extract_strided_slice %mul3A_1544 {offsets = [36, 0, 0], sizes = [4, 8, 512], strides = [1, 1, 1]} : vector<64x8x512xf32> to vector<4x8x512xf32>
    %add3A_1586 = arith.addf %slice3A_1584, %slice3A_1585 : vector<4x8x512xf32>
    %slice3A_1587 = vector.extract_strided_slice %add3A_1586 {offsets = [0, 0, 0], sizes = [2, 8, 512], strides = [1, 1, 1]} : vector<4x8x512xf32> to vector<2x8x512xf32>
    %slice3A_1588 = vector.extract_strided_slice %add3A_1586 {offsets = [2, 0, 0], sizes = [2, 8, 512], strides = [1, 1, 1]} : vector<4x8x512xf32> to vector<2x8x512xf32>
    %add3A_1589 = arith.addf %slice3A_1587, %slice3A_1588 : vector<2x8x512xf32>
    %slice3A_1590 = vector.extract_strided_slice %add3A_1589 {offsets = [0, 0, 0], sizes = [1, 8, 512], strides = [1, 1, 1]} : vector<2x8x512xf32> to vector<1x8x512xf32>
    %slice3A_1591 = vector.extract_strided_slice %add3A_1589 {offsets = [1, 0, 0], sizes = [1, 8, 512], strides = [1, 1, 1]} : vector<2x8x512xf32> to vector<1x8x512xf32>
    %add3A_1592 = arith.addf %slice3A_1590, %slice3A_1591 : vector<1x8x512xf32>
    %add3A_1593 = arith.addf %add3A_1583, %add3A_1592 : vector<1x8x512xf32>
    %slice3A_1594 = vector.extract_strided_slice %mul3A_1544 {offsets = [40, 0, 0], sizes = [4, 8, 512], strides = [1, 1, 1]} : vector<64x8x512xf32> to vector<4x8x512xf32>
    %slice3A_1595 = vector.extract_strided_slice %mul3A_1544 {offsets = [44, 0, 0], sizes = [4, 8, 512], strides = [1, 1, 1]} : vector<64x8x512xf32> to vector<4x8x512xf32>
    %add3A_1596 = arith.addf %slice3A_1594, %slice3A_1595 : vector<4x8x512xf32>
    %slice3A_1597 = vector.extract_strided_slice %add3A_1596 {offsets = [0, 0, 0], sizes = [2, 8, 512], strides = [1, 1, 1]} : vector<4x8x512xf32> to vector<2x8x512xf32>
    %slice3A_1598 = vector.extract_strided_slice %add3A_1596 {offsets = [2, 0, 0], sizes = [2, 8, 512], strides = [1, 1, 1]} : vector<4x8x512xf32> to vector<2x8x512xf32>
    %add3A_1599 = arith.addf %slice3A_1597, %slice3A_1598 : vector<2x8x512xf32>
    %slice3A_1600 = vector.extract_strided_slice %add3A_1599 {offsets = [0, 0, 0], sizes = [1, 8, 512], strides = [1, 1, 1]} : vector<2x8x512xf32> to vector<1x8x512xf32>
    %slice3A_1601 = vector.extract_strided_slice %add3A_1599 {offsets = [1, 0, 0], sizes = [1, 8, 512], strides = [1, 1, 1]} : vector<2x8x512xf32> to vector<1x8x512xf32>
    %add3A_1602 = arith.addf %slice3A_1600, %slice3A_1601 : vector<1x8x512xf32>
    %add3A_1603 = arith.addf %add3A_1593, %add3A_1602 : vector<1x8x512xf32>
    %slice3A_1604 = vector.extract_strided_slice %mul3A_1544 {offsets = [48, 0, 0], sizes = [4, 8, 512], strides = [1, 1, 1]} : vector<64x8x512xf32> to vector<4x8x512xf32>
    %slice3A_1605 = vector.extract_strided_slice %mul3A_1544 {offsets = [52, 0, 0], sizes = [4, 8, 512], strides = [1, 1, 1]} : vector<64x8x512xf32> to vector<4x8x512xf32>
    %add3A_1606 = arith.addf %slice3A_1604, %slice3A_1605 : vector<4x8x512xf32>
    %slice3A_1607 = vector.extract_strided_slice %add3A_1606 {offsets = [0, 0, 0], sizes = [2, 8, 512], strides = [1, 1, 1]} : vector<4x8x512xf32> to vector<2x8x512xf32>
    %slice3A_1608 = vector.extract_strided_slice %add3A_1606 {offsets = [2, 0, 0], sizes = [2, 8, 512], strides = [1, 1, 1]} : vector<4x8x512xf32> to vector<2x8x512xf32>
    %add3A_1609 = arith.addf %slice3A_1607, %slice3A_1608 : vector<2x8x512xf32>
    %slice3A_1610 = vector.extract_strided_slice %add3A_1609 {offsets = [0, 0, 0], sizes = [1, 8, 512], strides = [1, 1, 1]} : vector<2x8x512xf32> to vector<1x8x512xf32>
    %slice3A_1611 = vector.extract_strided_slice %add3A_1609 {offsets = [1, 0, 0], sizes = [1, 8, 512], strides = [1, 1, 1]} : vector<2x8x512xf32> to vector<1x8x512xf32>
    %add3A_1612 = arith.addf %slice3A_1610, %slice3A_1611 : vector<1x8x512xf32>
    %add3A_1613 = arith.addf %add3A_1603, %add3A_1612 : vector<1x8x512xf32>
    %slice3A_1614 = vector.extract_strided_slice %mul3A_1544 {offsets = [56, 0, 0], sizes = [4, 8, 512], strides = [1, 1, 1]} : vector<64x8x512xf32> to vector<4x8x512xf32>
    %slice3A_1615 = vector.extract_strided_slice %mul3A_1544 {offsets = [60, 0, 0], sizes = [4, 8, 512], strides = [1, 1, 1]} : vector<64x8x512xf32> to vector<4x8x512xf32>
    %add3A_1616 = arith.addf %slice3A_1614, %slice3A_1615 : vector<4x8x512xf32>
    %slice3A_1617 = vector.extract_strided_slice %add3A_1616 {offsets = [0, 0, 0], sizes = [2, 8, 512], strides = [1, 1, 1]} : vector<4x8x512xf32> to vector<2x8x512xf32>
    %slice3A_1618 = vector.extract_strided_slice %add3A_1616 {offsets = [2, 0, 0], sizes = [2, 8, 512], strides = [1, 1, 1]} : vector<4x8x512xf32> to vector<2x8x512xf32>
    %add3A_1619 = arith.addf %slice3A_1617, %slice3A_1618 : vector<2x8x512xf32>
    %slice3A_1620 = vector.extract_strided_slice %add3A_1619 {offsets = [0, 0, 0], sizes = [1, 8, 512], strides = [1, 1, 1]} : vector<2x8x512xf32> to vector<1x8x512xf32>
    %slice3A_1621 = vector.extract_strided_slice %add3A_1619 {offsets = [1, 0, 0], sizes = [1, 8, 512], strides = [1, 1, 1]} : vector<2x8x512xf32> to vector<1x8x512xf32>
    %add3A_1622 = arith.addf %slice3A_1620, %slice3A_1621 : vector<1x8x512xf32>
    %add3A_1623 = arith.addf %add3A_1613, %add3A_1622 : vector<1x8x512xf32>
    %reduce_min3A_1624 = arith.constant dense<0x7F800000> : vector<1x8xf32>
    %reduce_min3A_1625 = vector.multi_reduction <minimumf>, %add3A_1623, %reduce_min3A_1624 [2] : vector<1x8x512xf32> to vector<1x8xf32>
    %broadcast_in_dim3A_1626 = vector.shape_cast %reduce_min3A_1625 : vector<1x8xf32> to vector<1x8x1xf32>
    %eq3A_1627 = vector.broadcast %broadcast_in_dim3A_1626 : vector<1x8x1xf32> to vector<1x8x512xf32>
    %eq3A_1628 = arith.cmpf oeq, %add3A_1623, %eq3A_1627 : vector<1x8x512xf32>
    %jit3A_1629 = arith.constant 512 : i32
    %broadcast_in_dim3A_1630 = vector.broadcast %jit3A_1629 : i32 to vector<1x8x512xi32>
    %select_n3A_1631 = arith.select %eq3A_1628, %iota3A, %broadcast_in_dim3A_1630 : vector<1x8x512xi1>, vector<1x8x512xi32>
    %reduce_min3A_1632 = arith.constant dense<2147483647> : vector<1x8xi32>
    %reduce_min3A_1633 = vector.multi_reduction <minsi>, %select_n3A_1631, %reduce_min3A_1632 [2] : vector<1x8x512xi32> to vector<1x8xi32>
    %broadcast_in_dim3A_1634 = vector.shape_cast %reduce_min3A_1633 : vector<1x8xi32> to vector<1x8x1xi32>
    %reshape3A_1635 = vector.shape_cast %broadcast_in_dim3A_1634 : vector<1x8x1xi32> to vector<8x1xi32>
    %swap3A_1636 = arith.constant 120 : index
    %swap3A_1637 = arith.constant 0 : index
    %swap3A_1638 = vector.load %arg2[%swap3A_1636, %swap3A_1637] : memref<128x1xi32, #tpu.memory_space<vmem>>, vector<8x1xi32>
    tpu.vector_store %arg2[%swap3A_1636, %swap3A_1637], %reshape3A_1635 {strides = array<i32>} : memref<128x1xi32, #tpu.memory_space<vmem>>, vector<8x1xi32>,
    return
  }
}

</mosaic_0001>

<sc_bundles>
// kernel: kernel.5.cloned.1.call-start
scs
__scs_entry_jumppad:
0x0: {  	(pc) =	sbr.rel $0x88, $3  }
0x1: {  	(tag) =	ssettag $0x0;
	lr =	simm.s32 $0x1  }
0x2: {  	[smem:$0x3F9F] =	sst lr;
	_ =	strace $0xD0000000  }
0x3: {  	_ = 	snop  }
0x4: {  	_ = 	snop  }
0x5: {  	_ = 	snop  }
0x6: {  	_ = 	snop  }
0x7: {  	_ = 	snop  }
__scs_overlays_trampoline_lowered:
0x8: {  	[smem:$0x3FAE] =	sst s0  }
0x9: {  	[smem:$0x3FAF] =	sst s1  }
0xa: {  	[smem:$0x3FB0] =	sst s2  }
0xb: {  	[smem:$0x3FB1] =	sst s3  }
0xc: {  	[smem:$0x3FB2] =	sst s4  }
0xd: {  	[smem:$0x3FB3] =	sst s5  }
0xe: {  	[smem:$0x3FB4] =	sst s6  }
0xf: {  	[smem:$0x3FB5] =	sst s7  }
0x10: {  	[smem:$0x3FB6] =	sst s8  }
0x11: {  	[smem:$0x3FB7] =	sst s9;
	s0 =	simm.s32 @!p0 $0x0  }
0x12: {  	s1 =	sld [smem:$0x3F9D];
	s0 =	simm.s32 @p0 $0x1  }
0x13: {  	[smem:$0x3FB8] =	sst s0;
	s0 =	simm.s32 @!p1 $0x0  }
0x14: {  	s2 =	sld [smem:$0x3F9C];
	s0 =	simm.s32 @p1 $0x1  }
0x15: {  	[smem:$0x3FB9] =	sst s0;
	s0 =	simm.s32 @!p2 $0x0  }
0x16: {  	s3 =	sld [smem:$0x3FDB];
	s0 =	simm.s32 @p2 $0x1  }
0x17: {  	s4 =	simm.s32 $0x1BF5;
	[smem:$0x3FBB] =	sst s0  }
0x18: {  	s0 =	sld [smem:$0x3F9E];
	_ =	swait.ge [sflag:s4], $0x0  }
0x19: {  	s7 =	sld [smem:$0x3F9F]  }
0x1a: {  	s8 =	sadd.s32 $0xFFFFE003, lr  }
0x1b: {  	s9 =	sadd.s32 $0xFFFFFEF7, lr;
	s5 =	simm.s32 $0xFFFFFFFF;
	p2 =	slt.u32 s8, $0xFFFFF086  }
0x1c: {  	p1 =	slt.u32 s9, $0xF7A;
	s5 =	simm.s32 @!p2 $0x0  }
0x1d: {  	s5 =	simm.s32 @p1 $0x1;
	p0 =	seq.s32 s7, s2  }
0x1e: {  	s7 =	smul.u32 @!p0 $0xF7A, s2;
	p2 =	seq.s32 @!p0 s5, $0x0  }
0x1f: {  	s9 =	smul.u32 $0xF7A, s1;
	s8 =	simm.s32 @!p0 $0x1BF5;
	p2 =	por !p2, p0  }
0x20: {  	[sflag:s8] =	ssyncset.s32 @!p0 $0xFFFFF086;
	s6 =	sadd.s32 @!p0 s3, s7;
	s7 =	simm.s32 @!p0 $0x108  }
0x21: {  	s3 =	sadd.s32 s3, s9;
	s6 =	sadd.s32 @!p0 $0x88, s6;
	s7 =	simm.s32 @p2 $0x1082  }
0x22: {  	[simem:s7], [sflag:s8] =	dma.local @!p0 [hbm:s6], $0xF7A  }
0x23: {  	s9 =	sor.u32 $0xD0000000, s2;
	s6 =	simm.s32 $0x108;
	_ =	swait.ge @!p0 [sflag:s8], $0x0  }
0x24: {  	s3 =	sadd.s32 $0x88, s3;
	s6 =	simm.s32 @!p1 $0x1082;
	[sflag:s4] =	ssyncset.s32 $0xFFFFF086  }
0x25: {  	[simem:s6], [sflag:s4] =	dma.local [hbm:s3], $0xF7A  }
0x26: {  	[smem:$0x3F9F] =	sst s1;
	(tag) =	ssettag s2;
	_ =	strace s9  }
0x27: {  	s1 =	sld [smem:$0x3FAF]  }
0x28: {  	s2 =	sld [smem:$0x3FB0]  }
0x29: {  	s4 =	sld [smem:$0x3FB2]  }
0x2a: {  	p0 =	seq.s32 s5, $0x0;
	s5 =	sld [smem:$0x3FB3]  }
0x2b: {  	s6 =	sld [smem:$0x3FB4]  }
0x2c: {  	s7 =	sld [smem:$0x3FB5]  }
0x2d: {  	s3 =	simm.s32 $0x108;
	s8 =	sld [smem:$0x3FB6]  }
0x2e: {  	s3 =	simm.s32 @!p0 $0x1082;
	s9 =	sld [smem:$0x3FB7]  }
0x2f: {  	lr =	sadd.s32 s0, s3;
	s0 =	sld [smem:$0x3FAE]  }
0x30: {  	s3 =	sld [smem:$0x3FB1]  }
0x31: {  	[smem:$0x3FBA] =	sst s10  }
0x32: {  	s10 =	sld [smem:$0x3FB8];
	_ =	sdelay $0x3  }
0x33: {  	p0 =	seq.s32 s10, $0x1;
	s10 =	sld [smem:$0x3FBA];
	_ =	sdelay $0x3  }
0x34: {  	[smem:$0x3FBA] =	sst s10  }
0x35: {  	s10 =	sld [smem:$0x3FB9];
	_ =	sdelay $0x3  }
0x36: {  	p1 =	seq.s32 s10, $0x1;
	s10 =	sld [smem:$0x3FBA];
	_ =	sdelay $0x3  }
0x37: {  	[smem:$0x3FBA] =	sst s10  }
0x38: {  	s10 =	sld [smem:$0x3FBB]  }
0x39: {  	_ = 	snop;
	(pc) =	sbr.ind lr, $3  }
0x3a: {  	_ = 	snop  }
0x3b: {  	_ = 	snop  }
0x3c: {  	p2 =	seq.s32 s10, $0x1;
	s10 =	sld [smem:$0x3FBA]  }
0x3d: {  	_ =	shalt  }
0x3e: {  	_ =	shalt  }
0x3f: {  	_ =	shalt  }
0x40: {  	_ =	shalt  }
0x41: {  	_ =	shalt  }
0x42: {  	_ =	shalt  }
0x43: {  	_ =	shalt  }
0x44: {  	_ =	shalt  }
0x45: {  	_ =	shalt  }
0x46: {  	_ =	shalt  }
0x47: {  	_ =	shalt  }
0x48: {  	_ =	shalt  }
0x49: {  	_ =	shalt  }
0x4a: {  	_ =	shalt  }
0x4b: {  	_ =	shalt  }
0x4c: {  	_ =	shalt  }
0x4d: {  	_ =	shalt  }
0x4e: {  	_ =	shalt  }
0x4f: {  	_ =	shalt  }
0x50: {  	_ =	shalt  }
0x51: {  	_ =	shalt  }
0x52: {  	_ =	shalt  }
0x53: {  	_ =	shalt  }
0x54: {  	_ =	shalt  }
0x55: {  	_ =	shalt  }
0x56: {  	_ =	shalt  }
0x57: {  	_ =	shalt  }
0x58: {  	_ =	shalt  }
0x59: {  	_ =	shalt  }
0x5a: {  	_ =	shalt  }
0x5b: {  	_ =	shalt  }
0x5c: {  	_ =	shalt  }
0x5d: {  	_ =	shalt  }
0x5e: {  	_ =	shalt  }
0x5f: {  	_ =	shalt  }
0x60: {  	_ =	shalt  }
0x61: {  	_ =	shalt  }
0x62: {  	_ =	shalt  }
0x63: {  	_ =	shalt  }
0x64: {  	_ =	shalt  }
0x65: {  	_ =	shalt  }
0x66: {  	_ =	shalt  }
0x67: {  	_ =	shalt  }
0x68: {  	_ =	shalt  }
0x69: {  	_ =	shalt  }
0x6a: {  	_ =	shalt  }
0x6b: {  	_ =	shalt  }
0x6c: {  	_ =	shalt  }
0x6d: {  	_ =	shalt  }
0x6e: {  	_ =	shalt  }
0x6f: {  	_ =	shalt  }
0x70: {  	_ =	shalt  }
0x71: {  	_ =	shalt  }
0x72: {  	_ =	shalt  }
0x73: {  	_ =	shalt  }
0x74: {  	_ =	shalt  }
0x75: {  	_ =	shalt  }
0x76: {  	_ =	shalt  }
0x77: {  	_ =	shalt  }
0x78: {  	_ =	shalt  }
0x79: {  	_ =	shalt  }
0x7a: {  	_ =	shalt  }
0x7b: {  	_ =	shalt  }
0x7c: {  	_ =	shalt  }
0x7d: {  	_ =	shalt  }
0x7e: {  	_ =	shalt  }
0x7f: {  	_ =	shalt  }
0x80: {  	_ =	shalt  }
0x81: {  	_ =	shalt  }
0x82: {  	_ =	shalt  }
0x83: {  	_ =	shalt  }
0x84: {  	_ =	shalt  }
0x85: {  	_ =	shalt  }
0x86: {  	_ =	shalt  }
0x87: {  	_ =	shalt  }
.Lfunc_end0:
.L_simem_size_0:
called_computation.1_lowered:
.L_overlay_start_0:
0x88: {  	s2 =	sld [smem:$0x3FD9]  }
0x89: {  	s3 =	sld [smem:$0x3FFE];
	_ =	sdelay $0x1  }
0x8a: {  	s1 =	srdreg.scid  }
0x8b: {  	s0 =	sand.u32 $0x1, s1  }
0x8c: {  	s14 =	sshll.u32 s0, $0xA;
	s2 =	sadd.s32 s3, s2  }
0x8d: {  	s2 =	sadd.s32 s2, s14  }
0x8e: {  	[smem:$0x3FC6] =	sst s2  }
0x8f: {  	_ = 	snop  }
0x90: {  	s2 =	sld [smem:$0x3FD0];
	_ =	sdelay $0x2  }
0x91: {  	s15 =	simm.s32 $0xA;
	s4 =	simm.s32 $0x10  }
0x92: {  	[smem:s4], [sflag:s15] =	dma.local [hbm:s2], $0x1  }
0x93: {  	_ =	swait.eq [sflag:s15], $0x1  }
0x94: {  	[sflag:s15] =	ssyncset.done $0x0  }
0x95: {  	[sflag:s15] =	ssyncadd.s32 $0xFFFFFFFF  }
0x96: {  	s16 =	sld [smem:$0x10];
	(tm) =	ssettm $0x1  }
0x97: {  	s17 =	sld [smem:$0x3FFB];
	_ =	sdelay $0x3  }
0x98: {  	_ =	strace s17  }
0x99: {  	s3 =	sld [smem:$0x3FFC];
	_ =	sdelay $0x3  }
0x9a: {  	_ =	strace s3  }
0x9b: {  	s3 =	sld [smem:$0x3FFD];
	_ =	sdelay $0x3  }
0x9c: {  	_ =	strace s3  }
0x9d: {  	_ =	strace $0x8FFFFFFF  }
0x9e: {  	s18 =	sld [smem:$0x3FDB];
	_ =	sdelay $0x1  }
0x9f: {  	s19 =	simm.s32 $_scs_section_size  }
0xa0: {  	s5 =	simm.s32 $_size__tile_overlayer_lowered;
	s6 =	simm.s32 $_tile_overlayer_lowered  }
0xa1: {  	s22 =	simm.s32 $0x1BFF;
	s21 =	sshll.u32 s6, $0x1;
	s3 =	sadd.s32 s19, s18  }
0xa2: {  	s7 =	simm.s32 $0x0;
	s20 =	sshll.u32 s5, $0x1;
	s5 =	sadd.s32 s21, s3  }
0xa3: {  	[timem:s7], [sflag:s22] =	dma.local [hbm:s5], s20  }
0xa4: {  	_ =	swait.ge [sflag:s22], s20  }
0xa5: {  	s4 =	ssub.s32 $0x0, s20;
	[sflag:s22] =	ssyncset.done $0x0  }
0xa6: {  	[sflag:s22] =	ssyncadd.s32 s4;
	_ =	sdelay $0x1  }
0xa7: {  	s23 =	simm.s32 $0x1B8B  }
0xa8: {  	_ =	swait.ge [sflag:s23], $0x1  }
0xa9: {  	[sflag:s23] =	ssyncset.done $0x0  }
0xaa: {  	s25 =	simm.s32 $0x1B8E;
	s24 =	sld [smem:$0x3FFE];
	[sflag:s23] =	ssyncadd.s32 $0xFFFFFFFF  }
0xab: {  	s26 =	simm.s32 $execute0_lowered;
	[smem:$0x3FD2] =	sst s25  }
0xac: {  	s5 =	sshll.u32 s26, $0x1;
	_ =	strace $0x80000049;
	[dreg:$0x1] =	wrdreg $0xFFFFFFFF  }
0xad: {  	s28 =	simm.s32 $_size_execute0_lowered;
	s3 =	sadd.s32 s3, s5;
	[dreg:$0x0] =	wrdreg $0x0  }
0xae: {  	s5 =	sshll.u32 s28, $0x1;
	[dreg:$0x2] =	wrdreg s3  }
0xaf: {  	[dreg:$0x3] =	wrdreg s5  }
0xb0: {  	[dreg:$0x4] =	wrdreg $0xC0  }
0xb1: {  	_ =	task [dreg:s7], $0x5FFFF  }
0xb2: {  	[dreg:$0x1] =	wrdreg $0xFFFFFFFF  }
0xb3: {  	[dreg:$0x0] =	wrdreg $0x60  }
0xb4: {  	[dreg:$0x2] =	wrdreg s16  }
0xb5: {  	[dreg:$0x3] =	wrdreg s24  }
0xb6: {  	[dreg:$0x4] =	wrdreg $0x9  }
0xb7: {  	_ =	task.clear_ibuf [dreg:s7], $0x5FFFF;
	_ =	strace $0x90000049  }
0xb8: {  	s29 =	simm.s32 $0x9;
	_ =	strace $0x8000004B  }
0xb9: {  	_ =	swait.ge [sflag:s29], $0x1  }
0xba: {  	[sflag:s29] =	ssyncadd.s32 $0xFFFFFFFF  }
0xbb: {  	_ =	strace $0x9000004B  }
0xbc: {  	_ =	sfence  }
0xbd: {  	s30 =	sld [smem:$0x0];
	_ =	sdelay $0x2  }
0xbe: {  	s31 =	sshll.u32 s1, $0xD;
	s1 =	sshrl.u32 s1, $0x2  }
0xbf: {  	s3 =	sand.u32 $0x4000, s31;
	s1 =	sadd.s32 s1, s30  }
0xc0: {  	s0 =	sor.u32 s3, s0;
	s1 =	sshll.u32 s1, $0x11  }
0xc1: {  	s0 =	sor.u32 s1, s0  }
0xc2: {  	s0 =	sadd.s32 $0x8F2B, s0  }
0xc3: {  	[sflag:s0] =	ssyncadd.remote.s32 $0x1  }
0xc4: {  	_ =	sfence.sel $0xFFFF  }
0xc5: {  	[dreg:$0x0] =	wrdreg $0xFFFFFFFF;
	(pc) =	sbr.abs _section_cstart, $3  }
0xc6: {  	[dreg:$0x1] =	wrdreg $0xFFFFFFFF  }
0xc7: {  	_ =	task.clear_ibuf [dreg:s7], $0x2FFFF;
	_ =	strace $0x9FFFFFFF  }
0xc8: {  	(tm) =	ssettm $0x7FFFFFFF  }
0xc9: {  	_ =	shalt  }
tec
execute0_lowered:
.L_overlay_start_1:
0x0: {  	(tag) =	ssettag $0x1  }
0x1: {  	s1 =	srdreg.scid;
	s2 =	rddreg [dreg:$0x0]  }
0x2: {  	s0 =	stileid.u32;
	s8 =	rddreg [dreg:$0x1];
	s6 =	sand.u32 $0x1, s1  }
0x3: {  	s3 =	simm.s32 $0x0;
	s4 =	sshll.u32 s0, $0x8;
	s5 =	sshll.u32 s6, $0x7  }
0x4: {  	s7 =	simm.s32 $0x1;
	[smem:$0x7FF] =	sst s3;
	s9 =	sor.u32 s5, s4  }
0x5: {  	s1 =	rddreg [dreg:$0x2];
	_ =	strace $0x8000004A;
	s4 =	sshrl.u32 s9, $0x3  }
0x6: {  	s10 =	ssub.s32 $0x2, s6;
	s5 =	sadd.s32 s8, s4;
	s4 =	simm.s32 $0x2  }
0x7: {  	[tilespmem:s3], [sflag:$0x2] =	stream.linear.gather [hbm4b:s5+s3], $0x80, $0x38;
	[tilespmem:$0x4080] =	vst v63  }
0x8: {  	s6 =	simm.s32 $0x80;
	s11 =	sshrl.u32 s10, $0x1;
	_ =	swait.ge [sflag:s4], $0x80  }
0x9: {  	s9 =	sshll.u32 s9, $0x4;
	s31 =	ssub.s32 s10, s11;
	[sflag:s4] =	ssyncset.done $0x0  }
0xa: {  	s8 =	sadd.s32 s9, s8;
	s9 =	smax.u32 s31, $0x1;
	[sflag:s4] =	ssyncadd.s32 $0xFFFFFF80  }
0xb: {  	[tilespmem:s6], [sflag:$0x1] =	stream.indirect.gather [hbm4b:s2+s6], $0x80, s3, s6, $0xb8;
	[tilespmem:$0x4080] =	vst v63  }
0xc: {  	p0 =	sne.s32 s9, $0x1;
	_ =	swait.ge [sflag:s7], $0x4000  }
.Ltmp0:
0xd: {  	[sflag:s7] =	ssyncset.done $0x0;
	(pc) =	sbr.rel @!p0 .LBB2_2-.Ltmp0, $4  }
0xe: {  	s8 =	sadd.s32 $0x200, s8;
	[sflag:s7] =	ssyncadd.s32 $0xFFFFC000  }
0xf: {  	[hbm4b:s8+s3] =	stream.linear.scatter [tilespmem:s6], [sflag:$0x2], $0x4000, $0x38;
	[tilespmem:$0x4080] =	vst v63  }
0x10: {  	_ =	swait.ge [sflag:s4], $0x4000  }
0x11: {  	s9 =	sadd.s32 $0xFFFFFFFF, s9;
	[sflag:s4] =	ssyncset.done $0x0  }
.LBB2_1:
0x12: {  	p0 =	sne.s32 s9, $0x1;
	s9 =	sadd.s32 $0xFFFFFFFF, s9;
	[sflag:s4] =	ssyncadd.s32 $0xFFFFC000  }
0x13: {  	[tilespmem:s3], [sflag:$0x2] =	stream.linear.gather [hbm4b:s5+s3], $0x80, $0x38;
	[tilespmem:$0x4080] =	vst v63  }
0x14: {  	_ =	swait.ge [sflag:s4], $0x80  }
0x15: {  	[sflag:s4] =	ssyncset.done $0x0  }
0x16: {  	[sflag:s4] =	ssyncadd.s32 $0xFFFFFF80  }
0x17: {  	[tilespmem:s6], [sflag:$0x1] =	stream.indirect.gather [hbm4b:s2+s6], $0x80, s3, s6, $0xb8;
	[tilespmem:$0x4080] =	vst v63  }
0x18: {  	_ =	swait.ge [sflag:s7], $0x4000  }
.Ltmp1:
0x19: {  	[sflag:s7] =	ssyncset.done $0x0;
	(pc) =	sbr.rel @p0 .LBB2_1-.Ltmp1, $4  }
0x1a: {  	[sflag:s7] =	ssyncadd.s32 $0xFFFFC000  }
0x1b: {  	[hbm4b:s8+s3] =	stream.linear.scatter [tilespmem:s6], [sflag:$0x2], $0x4000, $0x38;
	[tilespmem:$0x4080] =	vst v63  }
0x1c: {  	_ =	swait.ge [sflag:s4], $0x4000  }
0x1d: {  	[sflag:s4] =	ssyncset.done $0x0  }
.LBB2_2:
0x1e: {  	[sflag:s4] =	ssyncadd.s32 $0xFFFFC000  }
0x1f: {  	_ =	sfence.sel $0x180000  }
0x20: {  	[bflag:$0x0] =	sbarrier.arrive $0xFFFF  }
0x21: {  	p0 =	sne.s32 s0, $0x0;
	_ =	strace $0x9000004A  }
0x22: {  	s0 =	sadd.s32 @!p0 $0x100000, s1;
	[bflag:$0x2] =	sbarrier.arrive $0xFFFF  }
0x23: {  	[sflag:s0] =	ssyncadd.tile.s32 @!p0 $0x1;
	_ =	shalt  }
.Lfunc_end2:
_tile_overlayer_lowered:
.L_overlay_start_2:
0x24: {  	(tag) =	ssettag $0x2  }
0x25: {  	s0 =	rddreg [dreg:$0x0];
	s2 =	stileid.u32  }
0x26: {  	s1 =	rddreg [dreg:$0x1];
	p0 =	sne.s32 s2, $0x0  }
0x27: {  	s3 =	rddreg [dreg:$0x2];
	[bflag:$0x3] =	sbarrier.arrive $0xFFFF;
	s2 =	simm.s32 @!p0 $0x1C02  }
0x28: {  	[timem:s3], [sflag:s2] =	dma.local @!p0 [hbm:s0], s1  }
0x29: {  	s0 =	simm.s32 @!p0 $0x2  }
0x2a: {  	_ =	swait.ge @!p0 [sflag:s0], s1  }
0x2b: {  	s1 =	ssub.s32 @!p0 $0x0, s1;
	[sflag:s0] =	ssyncset.done @!p0 $0x0  }
0x2c: {  	[sflag:s0] =	ssyncadd.s32 @!p0 s1  }
0x2d: {  	[bflag:$0x3] =	sbarrier.arrive $0xFFFF  }
0x2e: {  	_ =	shalt  }

// kernel: scatter_offload_async_start
scs
__scs_entry_jumppad:
0x0: {  	(pc) =	sbr.rel $0x88, $3  }
0x1: {  	(tag) =	ssettag $0x0;
	lr =	simm.s32 $0x1  }
0x2: {  	[smem:$0x3F9F] =	sst lr;
	_ =	strace $0xD0000000  }
0x3: {  	_ = 	snop  }
0x4: {  	_ = 	snop  }
0x5: {  	_ = 	snop  }
0x6: {  	_ = 	snop  }
0x7: {  	_ = 	snop  }
__scs_overlays_trampoline_lowered:
0x8: {  	[smem:$0x3FAE] =	sst s0  }
0x9: {  	[smem:$0x3FAF] =	sst s1  }
0xa: {  	[smem:$0x3FB0] =	sst s2  }
0xb: {  	[smem:$0x3FB1] =	sst s3  }
0xc: {  	[smem:$0x3FB2] =	sst s4  }
0xd: {  	[smem:$0x3FB3] =	sst s5  }
0xe: {  	[smem:$0x3FB4] =	sst s6  }
0xf: {  	[smem:$0x3FB5] =	sst s7  }
0x10: {  	[smem:$0x3FB6] =	sst s8  }
0x11: {  	[smem:$0x3FB7] =	sst s9;
	s0 =	simm.s32 @!p0 $0x0  }
0x12: {  	s1 =	sld [smem:$0x3F9D];
	s0 =	simm.s32 @p0 $0x1  }
0x13: {  	[smem:$0x3FB8] =	sst s0;
	s0 =	simm.s32 @!p1 $0x0  }
0x14: {  	s2 =	sld [smem:$0x3F9C];
	s0 =	simm.s32 @p1 $0x1  }
0x15: {  	[smem:$0x3FB9] =	sst s0;
	s0 =	simm.s32 @!p2 $0x0  }
0x16: {  	s3 =	sld [smem:$0x3FDB];
	s0 =	simm.s32 @p2 $0x1  }
0x17: {  	s4 =	simm.s32 $0x1BF5;
	[smem:$0x3FBB] =	sst s0  }
0x18: {  	s0 =	sld [smem:$0x3F9E];
	_ =	swait.ge [sflag:s4], $0x0  }
0x19: {  	s7 =	sld [smem:$0x3F9F]  }
0x1a: {  	s8 =	sadd.s32 $0xFFFFE003, lr  }
0x1b: {  	s9 =	sadd.s32 $0xFFFFFEF7, lr;
	s5 =	simm.s32 $0xFFFFFFFF;
	p2 =	slt.u32 s8, $0xFFFFF086  }
0x1c: {  	p1 =	slt.u32 s9, $0xF7A;
	s5 =	simm.s32 @!p2 $0x0  }
0x1d: {  	s5 =	simm.s32 @p1 $0x1;
	p0 =	seq.s32 s7, s2  }
0x1e: {  	s7 =	smul.u32 @!p0 $0xF7A, s2;
	p2 =	seq.s32 @!p0 s5, $0x0  }
0x1f: {  	s9 =	smul.u32 $0xF7A, s1;
	s8 =	simm.s32 @!p0 $0x1BF5;
	p2 =	por !p2, p0  }
0x20: {  	[sflag:s8] =	ssyncset.s32 @!p0 $0xFFFFF086;
	s6 =	sadd.s32 @!p0 s3, s7;
	s7 =	simm.s32 @!p0 $0x108  }
0x21: {  	s3 =	sadd.s32 s3, s9;
	s6 =	sadd.s32 @!p0 $0x88, s6;
	s7 =	simm.s32 @p2 $0x1082  }
0x22: {  	[simem:s7], [sflag:s8] =	dma.local @!p0 [hbm:s6], $0xF7A  }
0x23: {  	s9 =	sor.u32 $0xD0000000, s2;
	s6 =	simm.s32 $0x108;
	_ =	swait.ge @!p0 [sflag:s8], $0x0  }
0x24: {  	s3 =	sadd.s32 $0x88, s3;
	s6 =	simm.s32 @!p1 $0x1082;
	[sflag:s4] =	ssyncset.s32 $0xFFFFF086  }
0x25: {  	[simem:s6], [sflag:s4] =	dma.local [hbm:s3], $0xF7A  }
0x26: {  	[smem:$0x3F9F] =	sst s1;
	(tag) =	ssettag s2;
	_ =	strace s9  }
0x27: {  	s1 =	sld [smem:$0x3FAF]  }
0x28: {  	s2 =	sld [smem:$0x3FB0]  }
0x29: {  	s4 =	sld [smem:$0x3FB2]  }
0x2a: {  	p0 =	seq.s32 s5, $0x0;
	s5 =	sld [smem:$0x3FB3]  }
0x2b: {  	s6 =	sld [smem:$0x3FB4]  }
0x2c: {  	s7 =	sld [smem:$0x3FB5]  }
0x2d: {  	s3 =	simm.s32 $0x108;
	s8 =	sld [smem:$0x3FB6]  }
0x2e: {  	s3 =	simm.s32 @!p0 $0x1082;
	s9 =	sld [smem:$0x3FB7]  }
0x2f: {  	lr =	sadd.s32 s0, s3;
	s0 =	sld [smem:$0x3FAE]  }
0x30: {  	s3 =	sld [smem:$0x3FB1]  }
0x31: {  	[smem:$0x3FBA] =	sst s10  }
0x32: {  	s10 =	sld [smem:$0x3FB8];
	_ =	sdelay $0x3  }
0x33: {  	p0 =	seq.s32 s10, $0x1;
	s10 =	sld [smem:$0x3FBA];
	_ =	sdelay $0x3  }
0x34: {  	[smem:$0x3FBA] =	sst s10  }
0x35: {  	s10 =	sld [smem:$0x3FB9];
	_ =	sdelay $0x3  }
0x36: {  	p1 =	seq.s32 s10, $0x1;
	s10 =	sld [smem:$0x3FBA];
	_ =	sdelay $0x3  }
0x37: {  	[smem:$0x3FBA] =	sst s10  }
0x38: {  	s10 =	sld [smem:$0x3FBB]  }
0x39: {  	_ = 	snop;
	(pc) =	sbr.ind lr, $3  }
0x3a: {  	_ = 	snop  }
0x3b: {  	_ = 	snop  }
0x3c: {  	p2 =	seq.s32 s10, $0x1;
	s10 =	sld [smem:$0x3FBA]  }
0x3d: {  	_ =	shalt  }
0x3e: {  	_ =	shalt  }
0x3f: {  	_ =	shalt  }
0x40: {  	_ =	shalt  }
0x41: {  	_ =	shalt  }
0x42: {  	_ =	shalt  }
0x43: {  	_ =	shalt  }
0x44: {  	_ =	shalt  }
0x45: {  	_ =	shalt  }
0x46: {  	_ =	shalt  }
0x47: {  	_ =	shalt  }
0x48: {  	_ =	shalt  }
0x49: {  	_ =	shalt  }
0x4a: {  	_ =	shalt  }
0x4b: {  	_ =	shalt  }
0x4c: {  	_ =	shalt  }
0x4d: {  	_ =	shalt  }
0x4e: {  	_ =	shalt  }
0x4f: {  	_ =	shalt  }
0x50: {  	_ =	shalt  }
0x51: {  	_ =	shalt  }
0x52: {  	_ =	shalt  }
0x53: {  	_ =	shalt  }
0x54: {  	_ =	shalt  }
0x55: {  	_ =	shalt  }
0x56: {  	_ =	shalt  }
0x57: {  	_ =	shalt  }
0x58: {  	_ =	shalt  }
0x59: {  	_ =	shalt  }
0x5a: {  	_ =	shalt  }
0x5b: {  	_ =	shalt  }
0x5c: {  	_ =	shalt  }
0x5d: {  	_ =	shalt  }
0x5e: {  	_ =	shalt  }
0x5f: {  	_ =	shalt  }
0x60: {  	_ =	shalt  }
0x61: {  	_ =	shalt  }
0x62: {  	_ =	shalt  }
0x63: {  	_ =	shalt  }
0x64: {  	_ =	shalt  }
0x65: {  	_ =	shalt  }
0x66: {  	_ =	shalt  }
0x67: {  	_ =	shalt  }
0x68: {  	_ =	shalt  }
0x69: {  	_ =	shalt  }
0x6a: {  	_ =	shalt  }
0x6b: {  	_ =	shalt  }
0x6c: {  	_ =	shalt  }
0x6d: {  	_ =	shalt  }
0x6e: {  	_ =	shalt  }
0x6f: {  	_ =	shalt  }
0x70: {  	_ =	shalt  }
0x71: {  	_ =	shalt  }
0x72: {  	_ =	shalt  }
0x73: {  	_ =	shalt  }
0x74: {  	_ =	shalt  }
0x75: {  	_ =	shalt  }
0x76: {  	_ =	shalt  }
0x77: {  	_ =	shalt  }
0x78: {  	_ =	shalt  }
0x79: {  	_ =	shalt  }
0x7a: {  	_ =	shalt  }
0x7b: {  	_ =	shalt  }
0x7c: {  	_ =	shalt  }
0x7d: {  	_ =	shalt  }
0x7e: {  	_ =	shalt  }
0x7f: {  	_ =	shalt  }
0x80: {  	_ =	shalt  }
0x81: {  	_ =	shalt  }
0x82: {  	_ =	shalt  }
0x83: {  	_ =	shalt  }
0x84: {  	_ =	shalt  }
0x85: {  	_ =	shalt  }
0x86: {  	_ =	shalt  }
0x87: {  	_ =	shalt  }
.Lfunc_end0:
.L_simem_size_0:
called_computation_lowered:
.L_overlay_start_0:
0x88: {  	s0 =	sld [smem:$0x3FD9]  }
0x89: {  	s1 =	sld [smem:$0x3FFE];
	_ =	sdelay $0x3  }
0x8a: {  	s0 =	sadd.s32 s1, s0  }
0x8b: {  	[smem:$0x3FC6] =	sst s0  }
0x8c: {  	_ = 	snop  }
0x8d: {  	(tm) =	ssettm $0x1  }
0x8e: {  	s15 =	sld [smem:$0x3FFB];
	_ =	sdelay $0x3  }
0x8f: {  	_ =	strace s15  }
0x90: {  	s0 =	sld [smem:$0x3FFC];
	_ =	sdelay $0x3  }
0x91: {  	_ =	strace s0  }
0x92: {  	s0 =	sld [smem:$0x3FFD];
	_ =	sdelay $0x3  }
0x93: {  	_ =	strace s0  }
0x94: {  	_ =	strace $0x8FFFFFFF  }
0x95: {  	s16 =	sld [smem:$0x3FDB];
	_ =	sdelay $0x1  }
0x96: {  	s17 =	simm.s32 $_scs_section_size  }
0x97: {  	s2 =	simm.s32 $_size__tile_overlayer_lowered;
	s3 =	simm.s32 $_tile_overlayer_lowered  }
0x98: {  	s20 =	simm.s32 $0x1BFF;
	s19 =	sshll.u32 s3, $0x1;
	s0 =	sadd.s32 s17, s16  }
0x99: {  	s4 =	simm.s32 $0x0;
	s18 =	sshll.u32 s2, $0x1;
	s2 =	sadd.s32 s19, s0  }
0x9a: {  	[timem:s4], [sflag:s20] =	dma.local [hbm:s2], s18  }
0x9b: {  	_ =	swait.ge [sflag:s20], s18  }
0x9c: {  	s1 =	ssub.s32 $0x0, s18;
	[sflag:s20] =	ssyncset.done $0x0  }
0x9d: {  	[sflag:s20] =	ssyncadd.s32 s1;
	_ =	sdelay $0x1  }
0x9e: {  	s21 =	simm.s32 $0x1B8B  }
0x9f: {  	_ =	swait.ge [sflag:s21], $0x1  }
0xa0: {  	[sflag:s21] =	ssyncset.done $0x0  }
0xa1: {  	s23 =	simm.s32 $0x1B8E;
	s22 =	sld [smem:$0x3FFE];
	[sflag:s21] =	ssyncadd.s32 $0xFFFFFFFF  }
0xa2: {  	s24 =	simm.s32 $execute0_lowered;
	[smem:$0x3FD2] =	sst s23  }
0xa3: {  	s2 =	sshll.u32 s24, $0x1;
	_ =	strace $0x80000046;
	[dreg:$0x1] =	wrdreg $0xFFFFFFFF  }
0xa4: {  	s25 =	simm.s32 $_size_execute0_lowered;
	s0 =	sadd.s32 s0, s2;
	[dreg:$0x0] =	wrdreg $0x0  }
0xa5: {  	s2 =	sshll.u32 s25, $0x1;
	[dreg:$0x2] =	wrdreg s0  }
0xa6: {  	[dreg:$0x3] =	wrdreg s2  }
0xa7: {  	[dreg:$0x4] =	wrdreg $0xC0  }
0xa8: {  	_ =	task [dreg:s4], $0x5FFFF  }
0xa9: {  	[dreg:$0x1] =	wrdreg $0xFFFFFFFF  }
0xaa: {  	[dreg:$0x0] =	wrdreg $0x60  }
0xab: {  	[dreg:$0x2] =	wrdreg s22  }
0xac: {  	[dreg:$0x3] =	wrdreg $0x9  }
0xad: {  	_ =	task.clear_ibuf [dreg:s4], $0x4FFFF;
	_ =	strace $0x90000046  }
0xae: {  	s26 =	simm.s32 $0x9;
	_ =	strace $0x80000048  }
0xaf: {  	_ =	swait.ge [sflag:s26], $0x1  }
0xb0: {  	[sflag:s26] =	ssyncadd.s32 $0xFFFFFFFF  }
0xb1: {  	_ =	strace $0x90000048  }
0xb2: {  	_ =	sfence  }
0xb3: {  	s28 =	sld [smem:$0x0];
	_ =	sdelay $0x1  }
0xb4: {  	s29 =	srdreg.scid  }
0xb5: {  	s30 =	sshll.u32 s29, $0xD;
	s31 =	sshrl.u32 s29, $0x2  }
0xb6: {  	s1 =	sand.u32 $0x1, s29;
	s2 =	sand.u32 $0x4000, s30;
	s0 =	sadd.s32 s31, s28  }
0xb7: {  	s1 =	sor.u32 s2, s1;
	s0 =	sshll.u32 s0, $0x11  }
0xb8: {  	s0 =	sor.u32 s0, s1  }
0xb9: {  	s0 =	sadd.s32 $0x8F2B, s0  }
0xba: {  	[sflag:s0] =	ssyncadd.remote.s32 $0x1  }
0xbb: {  	_ =	sfence.sel $0xFFFF  }
0xbc: {  	[dreg:$0x0] =	wrdreg $0xFFFFFFFF;
	(pc) =	sbr.abs _section_cstart, $3  }
0xbd: {  	[dreg:$0x1] =	wrdreg $0xFFFFFFFF  }
0xbe: {  	_ =	task.clear_ibuf [dreg:s4], $0x2FFFF;
	_ =	strace $0x9FFFFFFF  }
0xbf: {  	(tm) =	ssettm $0x7FFFFFFF  }
tec
execute0_lowered:
.L_overlay_start_1:
0x0: {  	(tag) =	ssettag $0x1  }
0x1: {  	s5 =	rddreg [dreg:$0x0]  }
0x2: {  	s0 =	rddreg [dreg:$0x1];
	_ =	strace $0x80000047;
	s6 =	stileid.u32  }
0x3: {  	s3 =	simm.s32 $0x3E;
	s1 =	sadd.s32 $0x600, s5;
	p0 =	sne.s32 s6, $0x0  }
0x4: {  	[sflag:s3] =	ssyncpa.u1 $0x0;
	s4 =	simm.s32 @!p0 $0x1C3E;
	s2 =	simm.s32 @!p0 $0x0  }
0x5: {  	[spmem:s2], [sflag:s4] =	dma.local @!p0 [hbm:s1], $0x10  }
0x6: {  	s4 =	simm.s32 @!p0 $0x3E  }
0x7: {  	_ =	swait.ge @!p0 [sflag:s4], $0x10  }
0x8: {  	[sflag:s4] =	ssyncset.done @!p0 $0x0  }
0x9: {  	s9 =	simm.s32 $0x108;
	[sflag:s4] =	ssyncadd.s32 @!p0 $0xFFFFFFF0  }
0xa: {  	s7 =	sadd.s32 $0x200, s5;
	s8 =	sadd.s32 $0x400, s5;
	[bflag:$0x0] =	sbarrier.arrive $0xFFFF  }
0xb: {  	s6 =	sshll.u32 s6, $0x5;
	[sflag:s3] =	ssyncpa.u1 $0x1;
	s3 =	simm.s32 $0x1  }
0xc: {  	s5 =	simm.s32 $0x0;
	s4 =	simm.s32 $0x2;
	[sflag:s3] =	ssyncpa.u1 $0x0  }
0xd: {  	s7 =	sadd.s32 s7, s6;
	(ifvalue) =	ssetifvalue $0x80;
	[sflag:s4] =	ssyncpa.u1 $0x0  }
0xe: {  	[tilespmem:s9], [sflag:$0x2] =	stream.linear.gather [hbm4b:s7+s5], $0x100, $0x38;
	[tilespmem:$0x408] =	vst v63  }
0xf: {  	s23 =	simm.s32 $0x308;
	s6 =	sadd.s32 s8, s6  }
0x10: {  	[tilespmem:s23], [sflag:$0x2] =	stream.linear.gather [hbm4b:s6+s5], $0x100, $0x38;
	[tilespmem:$0x408] =	vst v63  }
0x11: {  	_ =	swait.ge [sflag:s4], $0x200  }
0x12: {  	[sflag:s4] =	ssyncset.done $0x0  }
0x13: {  	[sflag:s4] =	ssyncadd.s32 $0xFFFFFE00  }
0x14: {  	v0 =	vld.msk [tilespmem:s9+$0x0 ss:$0x1], $0xffff;
	_ =	sdelay $0x4  }
0x15: {  	v0 =	vmin.u32 v0, $0x80;
	_ =	sdelay $0x3  }
0x16: {  	vm0 =	vmmov $0xffff;
	s24 =	simm.s32 $0x118  }
0x17: {  	[spmem:s5] =	stream.indirect_vreg.scatter.add.s32 [tilespmem:s23], [sflag:$0x1], $0x1, v0, vm0, $0x4038;
	[tilespmem:$0x408] =	vst v63  }
0x18: {  	v0 =	vld.msk [tilespmem:s24+$0x0 ss:$0x1], $0xffff;
	_ =	sdelay $0x4  }
0x19: {  	v0 =	vmin.u32 v0, $0x80;
	_ =	sdelay $0x3  }
0x1a: {  	s25 =	simm.s32 $0x318;
	s26 =	simm.s32 $0x128  }
0x1b: {  	[spmem:s5] =	stream.indirect_vreg.scatter.add.s32 [tilespmem:s25], [sflag:$0x1], $0x1, v0, vm0, $0x4038;
	[tilespmem:$0x408] =	vst v63  }
0x1c: {  	v0 =	vld.msk [tilespmem:s26+$0x0 ss:$0x1], $0xffff;
	_ =	sdelay $0x4  }
0x1d: {  	v0 =	vmin.u32 v0, $0x80;
	_ =	sdelay $0x3  }
0x1e: {  	s28 =	simm.s32 $0x328;
	s29 =	simm.s32 $0x138  }
0x1f: {  	[spmem:s5] =	stream.indirect_vreg.scatter.add.s32 [tilespmem:s28], [sflag:$0x1], $0x1, v0, vm0, $0x4038;
	[tilespmem:$0x408] =	vst v63  }
0x20: {  	v0 =	vld.msk [tilespmem:s29+$0x0 ss:$0x1], $0xffff;
	_ =	sdelay $0x4  }
0x21: {  	v0 =	vmin.u32 v0, $0x80;
	_ =	sdelay $0x3  }
0x22: {  	s30 =	simm.s32 $0x338;
	s31 =	simm.s32 $0x148  }
0x23: {  	[spmem:s5] =	stream.indirect_vreg.scatter.add.s32 [tilespmem:s30], [sflag:$0x1], $0x1, v0, vm0, $0x4038;
	[tilespmem:$0x408] =	vst v63  }
0x24: {  	v0 =	vld.msk [tilespmem:s31+$0x0 ss:$0x1], $0xffff;
	_ =	sdelay $0x4  }
0x25: {  	v0 =	vmin.u32 v0, $0x80;
	_ =	sdelay $0x3  }
0x26: {  	s8 =	simm.s32 $0x158;
	s7 =	simm.s32 $0x348  }
0x27: {  	[spmem:s5] =	stream.indirect_vreg.scatter.add.s32 [tilespmem:s7], [sflag:$0x1], $0x1, v0, vm0, $0x4038;
	[tilespmem:$0x408] =	vst v63  }
0x28: {  	v0 =	vld.msk [tilespmem:s8+$0x0 ss:$0x1], $0xffff;
	_ =	sdelay $0x4  }
0x29: {  	v0 =	vmin.u32 v0, $0x80;
	_ =	sdelay $0x3  }
0x2a: {  	s10 =	simm.s32 $0x168;
	s9 =	simm.s32 $0x358  }
0x2b: {  	[spmem:s5] =	stream.indirect_vreg.scatter.add.s32 [tilespmem:s9], [sflag:$0x1], $0x1, v0, vm0, $0x4038;
	[tilespmem:$0x408] =	vst v63  }
0x2c: {  	v0 =	vld.msk [tilespmem:s10+$0x0 ss:$0x1], $0xffff;
	_ =	sdelay $0x4  }
0x2d: {  	v0 =	vmin.u32 v0, $0x80;
	_ =	sdelay $0x3  }
0x2e: {  	s11 =	simm.s32 $0x368;
	s12 =	simm.s32 $0x178  }
0x2f: {  	[spmem:s5] =	stream.indirect_vreg.scatter.add.s32 [tilespmem:s11], [sflag:$0x1], $0x1, v0, vm0, $0x4038;
	[tilespmem:$0x408] =	vst v63  }
0x30: {  	v0 =	vld.msk [tilespmem:s12+$0x0 ss:$0x1], $0xffff;
	_ =	sdelay $0x4  }
0x31: {  	v0 =	vmin.u32 v0, $0x80;
	_ =	sdelay $0x3  }
0x32: {  	s13 =	simm.s32 $0x378;
	s14 =	simm.s32 $0x188  }
0x33: {  	[spmem:s5] =	stream.indirect_vreg.scatter.add.s32 [tilespmem:s13], [sflag:$0x1], $0x1, v0, vm0, $0x4038;
	[tilespmem:$0x408] =	vst v63  }
0x34: {  	v0 =	vld.msk [tilespmem:s14+$0x0 ss:$0x1], $0xffff;
	_ =	sdelay $0x4  }
0x35: {  	v0 =	vmin.u32 v0, $0x80;
	_ =	sdelay $0x3  }
0x36: {  	s15 =	simm.s32 $0x388;
	s16 =	simm.s32 $0x198  }
0x37: {  	[spmem:s5] =	stream.indirect_vreg.scatter.add.s32 [tilespmem:s15], [sflag:$0x1], $0x1, v0, vm0, $0x4038;
	[tilespmem:$0x408] =	vst v63  }
0x38: {  	v0 =	vld.msk [tilespmem:s16+$0x0 ss:$0x1], $0xffff;
	_ =	sdelay $0x4  }
0x39: {  	v0 =	vmin.u32 v0, $0x80;
	_ =	sdelay $0x3  }
0x3a: {  	s17 =	simm.s32 $0x398;
	s18 =	simm.s32 $0x1A8  }
0x3b: {  	[spmem:s5] =	stream.indirect_vreg.scatter.add.s32 [tilespmem:s17], [sflag:$0x1], $0x1, v0, vm0, $0x4038;
	[tilespmem:$0x408] =	vst v63  }
0x3c: {  	v0 =	vld.msk [tilespmem:s18+$0x0 ss:$0x1], $0xffff;
	_ =	sdelay $0x4  }
0x3d: {  	v0 =	vmin.u32 v0, $0x80;
	_ =	sdelay $0x3  }
0x3e: {  	s19 =	simm.s32 $0x3A8;
	s20 =	simm.s32 $0x1B8  }
0x3f: {  	[spmem:s5] =	stream.indirect_vreg.scatter.add.s32 [tilespmem:s19], [sflag:$0x1], $0x1, v0, vm0, $0x4038;
	[tilespmem:$0x408] =	vst v63  }
0x40: {  	v0 =	vld.msk [tilespmem:s20+$0x0 ss:$0x1], $0xffff;
	_ =	sdelay $0x4  }
0x41: {  	v0 =	vmin.u32 v0, $0x80;
	_ =	sdelay $0x3  }
0x42: {  	s21 =	simm.s32 $0x3B8;
	s22 =	simm.s32 $0x1C8  }
0x43: {  	[spmem:s5] =	stream.indirect_vreg.scatter.add.s32 [tilespmem:s21], [sflag:$0x1], $0x1, v0, vm0, $0x4038;
	[tilespmem:$0x408] =	vst v63  }
0x44: {  	v0 =	vld.msk [tilespmem:s22+$0x0 ss:$0x1], $0xffff;
	_ =	sdelay $0x4  }
0x45: {  	v0 =	vmin.u32 v0, $0x80;
	_ =	sdelay $0x3  }
0x46: {  	s23 =	simm.s32 $0x3C8;
	s24 =	simm.s32 $0x1D8  }
0x47: {  	[spmem:s5] =	stream.indirect_vreg.scatter.add.s32 [tilespmem:s23], [sflag:$0x1], $0x1, v0, vm0, $0x4038;
	[tilespmem:$0x408] =	vst v63  }
0x48: {  	v0 =	vld.msk [tilespmem:s24+$0x0 ss:$0x1], $0xffff;
	_ =	sdelay $0x4  }
0x49: {  	v0 =	vmin.u32 v0, $0x80;
	_ =	sdelay $0x3  }
0x4a: {  	s25 =	simm.s32 $0x3D8;
	s26 =	simm.s32 $0x1E8  }
0x4b: {  	[spmem:s5] =	stream.indirect_vreg.scatter.add.s32 [tilespmem:s25], [sflag:$0x1], $0x1, v0, vm0, $0x4038;
	[tilespmem:$0x408] =	vst v63  }
0x4c: {  	v0 =	vld.msk [tilespmem:s26+$0x0 ss:$0x1], $0xffff;
	_ =	sdelay $0x4  }
0x4d: {  	v0 =	vmin.u32 v0, $0x80;
	_ =	sdelay $0x3  }
0x4e: {  	s28 =	simm.s32 $0x3E8;
	s29 =	simm.s32 $0x1F8  }
0x4f: {  	[spmem:s5] =	stream.indirect_vreg.scatter.add.s32 [tilespmem:s28], [sflag:$0x1], $0x1, v0, vm0, $0x4038;
	[tilespmem:$0x408] =	vst v63  }
0x50: {  	v0 =	vld.msk [tilespmem:s29+$0x0 ss:$0x1], $0xffff;
	_ =	sdelay $0x4  }
0x51: {  	v0 =	vmin.u32 v0, $0x80;
	_ =	sdelay $0x3  }
0x52: {  	s30 =	simm.s32 $0x3F8  }
0x53: {  	[spmem:s5] =	stream.indirect_vreg.scatter.add.s32 [tilespmem:s30], [sflag:$0x1], $0x1, v0, vm0, $0x4038;
	[tilespmem:$0x408] =	vst v63  }
0x54: {  	_ =	swait.ge [sflag:s3], $0x100  }
0x55: {  	[sflag:s3] =	ssyncset.done $0x0  }
0x56: {  	[sflag:s3] =	ssyncadd.s32 $0xFFFFFF00  }
0x57: {  	_ =	sfence.sel $0x180000  }
0x58: {  	[bflag:$0x0] =	sbarrier.arrive $0xFFFF  }
0x59: {  	[sflag:s4] =	ssyncpa.u1 $0x1  }
0x5a: {  	[sflag:s3] =	ssyncpa.u1 $0x1  }
0x5b: {  	_ =	sfence.stream.spmem  }
0x5c: {  	s31 =	simm.s32 $0x3D;
	[bflag:$0x0] =	sbarrier.arrive $0xFFFF  }
0x5d: {  	s3 =	simm.s32 @p0 $0x3D;
	[sflag:s31] =	ssyncpa.u1 $0x0  }
0x5e: {  	[sflag:s3] =	ssyncpa.u1 @p0 $0x1  }
0x5f: {  	[bflag:$0x0] =	sbarrier.arrive @p0 $0xFFFF  }
0x60: {  	_ =	strace @p0 $0x90000047  }
0x61: {  	s3 =	simm.s32 @!p0 $0x1C3D;
	[bflag:$0x2] =	sbarrier.arrive @p0 $0xFFFF  }
0x62: {  	[hbm:s1], [sflag:s3] =	dma.local @!p0 [spmem:s2], $0x10  }
0x63: {  	s1 =	simm.s32 @!p0 $0x3D  }
0x64: {  	_ =	swait.ge @!p0 [sflag:s1], $0x10  }
0x65: {  	[sflag:s1] =	ssyncset.done @!p0 $0x0  }
0x66: {  	[sflag:s1] =	ssyncadd.s32 @!p0 $0xFFFFFFF0  }
0x67: {  	[sflag:s1] =	ssyncpa.u1 @!p0 $0x1  }
0x68: {  	[bflag:$0x0] =	sbarrier.arrive @!p0 $0xFFFF  }
0x69: {  	_ =	strace @!p0 $0x90000047  }
0x6a: {  	s0 =	sadd.s32 @!p0 $0x100000, s0;
	[bflag:$0x2] =	sbarrier.arrive @!p0 $0xFFFF  }
0x6b: {  	[sflag:s0] =	ssyncadd.tile.s32 @!p0 $0x1;
	_ =	shalt  }
.Lfunc_end2:
_tile_overlayer_lowered:
.L_overlay_start_2:
0x6c: {  	(tag) =	ssettag $0x2  }
0x6d: {  	s0 =	rddreg [dreg:$0x0];
	s2 =	stileid.u32  }
0x6e: {  	s1 =	rddreg [dreg:$0x1];
	p0 =	sne.s32 s2, $0x0  }
0x6f: {  	s3 =	rddreg [dreg:$0x2];
	[bflag:$0x3] =	sbarrier.arrive $0xFFFF;
	s2 =	simm.s32 @!p0 $0x1C01  }
0x70: {  	[timem:s3], [sflag:s2] =	dma.local @!p0 [hbm:s0], s1  }
0x71: {  	s0 =	simm.s32 @!p0 $0x1  }
0x72: {  	_ =	swait.ge @!p0 [sflag:s0], s1  }
0x73: {  	s1 =	ssub.s32 @!p0 $0x0, s1;
	[sflag:s0] =	ssyncset.done @!p0 $0x0  }
0x74: {  	[sflag:s0] =	ssyncadd.s32 @!p0 s1  }
0x75: {  	[bflag:$0x3] =	sbarrier.arrive $0xFFFF  }
0x76: {  	_ =	shalt  }

</sc_bundles>
